<compile_context>
chip_gen: v7x
topology: tpu7x:2x2x1
jax: 0.10.2.dev20260603
libtpu: 0.0.44.dev20260713+nightly
codegen_flags: <defaults>
</compile_context>

<pallas_src>
import functools

import jax
import jax.numpy as jnp
from jax import lax
from jax.experimental import pallas as pl
from jax.experimental.pallas import tpu as pltpu
from jax.experimental.pallas import tpu_sc as plsc

NC = 2
NS = 16
NW = NC * NS
LANES = 16


@functools.lru_cache(maxsize=None)
def _build(B, M, D):
    bw = B // NW
    assert bw * NW == B and bw == 128
    assert D % 8 == 0
    ng = bw // LANES
    pc = 4
    chunk = pc * bw
    nchunk = M // pc
    assert nchunk * pc == M
    npiece = 4
    prows = bw // npiece
    pg = prows // LANES

    mesh = plsc.VectorSubcoreMesh(core_axis_name="c", subcore_axis_name="s")

    @functools.partial(
        pl.kernel,
        out_type=jax.ShapeDtypeStruct((M, D // 8, B // 128, 8, 128),
                                      jnp.float32),
        mesh=mesh,
        compiler_params=pltpu.CompilerParams(use_tc_tiling_on_sc=False, needs_layout_passes=False),
        scratch_types=[
            pltpu.VMEM((prows, M), jnp.int32),
            pltpu.VMEM((M * bw,), jnp.int32),
            pltpu.VMEM((chunk, D), jnp.float32),
            pltpu.VMEM((chunk, D), jnp.float32),
            pltpu.VMEM((chunk, D + 1), jnp.float32),
            pltpu.VMEM((pc, D // 8, 8, bw), jnp.float32),
            pltpu.VMEM((pc, D // 8, 8, bw), jnp.float32),
            pltpu.VMEM((M, D), jnp.float32),
            pltpu.SemaphoreType.DMA,
            pltpu.SemaphoreType.DMA,
            pltpu.SemaphoreType.DMA,
            pltpu.SemaphoreType.DMA,
        ],
    )
    def k(x_hbm, tab_hbm, pos_hbm, out_hbm, xv, xt, rows0, rows1, rpk,
          tr0, tr1, pos_v, gsem0, gsem1, ssem0, ssem1):
        cid = lax.axis_index("c")
        sid = lax.axis_index("s")
        wid = sid * NC + cid
        b0 = wid * bw

        rows = (rows0, rows1)
        tr = (tr0, tr1)
        gsems = (gsem0, gsem1)
        ssems = (ssem0, ssem1)

        iota = jax.lax.iota(jnp.int32, LANES)
        pltpu.sync_copy(pos_hbm, pos_v)

        for q in range(npiece):
            pltpu.sync_copy(x_hbm.at[pl.ds(b0 + q * prows, prows)], xv)

            def xbody(p, carry, q=q):
                for gg in range(pg):
                    v = plsc.load_gather(xv, [gg * LANES + iota,
                                              jnp.broadcast_to(p, (LANES,))])
                    xt[pl.ds(p * bw + (q * pg + gg) * LANES, LANES)] = v
                return carry

            lax.fori_loop(0, M, xbody, None)

        def start_gather(bb, c):
            return pltpu.async_copy(
                tab_hbm.at[xt.at[pl.ds(c * chunk, chunk)]], rows[bb],
                gsems[bb])

        def wait_gather(bb, c):
            pltpu.make_async_copy(
                tab_hbm.at[xt.at[pl.ds(c * chunk, chunk)]], rows[bb],
                gsems[bb]).wait()

        def start_store(bb, c):
            return pltpu.async_copy(
                tr[bb], out_hbm.at[pl.ds(c * pc, pc), :, wid], ssems[bb])

        def wait_store(bb, c):
            pltpu.make_async_copy(
                tr[bb], out_hbm.at[pl.ds(c * pc, pc), :, wid],
                ssems[bb]).wait()

        def transpose_add(bb, c):
            def rbody(j, carry):
                prow = c * pc + ((j * 8) >> 7)
                pv = [pos_v[prow, pl.ds(h * LANES, LANES)] for h in range(2)]
                vs = [rows[bb][j * 8 + u, pl.ds(h * LANES, LANES)] + pv[h]
                      for u in range(8) for h in range(2)]
                i2 = 0
                for u in range(8):
                    for h in range(2):
                        rpk[j * 8 + u, pl.ds(h * LANES, LANES)] = vs[i2]
                        i2 += 1
                return carry

            lax.fori_loop(0, chunk // 8, rbody, None)

            def body(i, carry):
                pl_ = i >> 5
                ch = i & 31
                bch = jnp.broadcast_to(ch, (LANES,))
                vals = [
                    plsc.load_gather(
                        rpk.at[pl.ds(pl_ * bw + g * LANES, LANES), :],
                        [iota, bch])
                    for g in range(ng)
                ]
                for g in range(ng):
                    tr[bb][pl_, ch >> 3, ch & 7,
                           pl.ds(g * LANES, LANES)] = vals[g]
                return carry

            lax.fori_loop(0, pc * D, body, None)

        start_gather(0, 0)
        start_gather(1, 1)
        wait_gather(0, 0)
        transpose_add(0, 0)
        start_store(0, 0)
        start_gather(0, 2)
        wait_gather(1, 1)
        transpose_add(1, 1)
        start_store(1, 1)

        def pair(cc, carry):
            c = cc * 2
            for b in range(2):
                wait_store(b, c + b - 2)
                start_gather(1 - b, c + b + 1)
                wait_gather(b, c + b)
                transpose_add(b, c + b)
                start_store(b, c + b)
            return carry

        lax.fori_loop(1, nchunk // 2 - 1, pair, None)
        c = nchunk - 2
        wait_store(0, c - 2)
        start_gather(1, c + 1)
        wait_gather(0, c)
        transpose_add(0, c)
        start_store(0, c)
        wait_store(1, c - 1)
        wait_gather(1, c + 1)
        transpose_add(1, c + 1)
        start_store(1, c + 1)
        wait_store(0, c)
        wait_store(1, c + 1)

    return k


def kernel(x, token_table, pos_table):
    B, M = x.shape
    D = token_table.shape[1]
    k = _build(B, M, D)
    out5d = k(x, token_table, pos_table)
    return jnp.transpose(out5d, (2, 4, 0, 1, 3)).reshape(B, M, D)

# --- scband reference (transcript-rebuilt; emitter-appended) ---
"""Pipeline reference for scband-token-and-position-embedding-54030688584310 (READ-ONLY COPY).

The authoritative reference and input builder live on the scoring server;
editing this copy changes nothing except your own understanding.
"""

import jax, jax.numpy as jnp
import numpy as np

MAXLEN = 200
VOCAB_SIZE = 1000000
EMBED_DIM = 32
BATCH = 4096


def setup_inputs(seed: int = 0) -> dict:
    key = jax.random.key(seed)
    k1, k2, k3 = jax.random.split(key, 3)
    x = jax.random.randint(k1, (BATCH, MAXLEN), 0, VOCAB_SIZE, dtype=jnp.int64 if jax.config.jax_enable_x64 else jnp.int32)
    # Learned parameters: token embedding table and positional embedding table
    token_table = jax.random.normal(k2, (VOCAB_SIZE, EMBED_DIM), dtype=jnp.float32) * 0.05
    pos_table = jax.random.normal(k3, (MAXLEN, EMBED_DIM), dtype=jnp.float32) * 0.05
    return {"x": x, "token_table": token_table, "pos_table": pos_table}


def reference(x, token_table, pos_table):
    # maxlen = tf.shape(x)[-1]; positions = range(maxlen)
    maxlen = x.shape[-1]
    positions = jnp.arange(maxlen)
    # pos_emb(positions): [maxlen, embed_dim]
    pos = jnp.take(pos_table, positions, axis=0)
    # token_emb(x): [B, maxlen, embed_dim]
    tok = jnp.take(token_table, x, axis=0)
    return tok + pos

if __name__ == "__main__":
    import jax
    _d = setup_inputs()
    print(jax.jit(kernel)(*tuple(_d.values())))

</pallas_src>

<mosaic_0001>
#map = affine_map<(d0, d1) -> (0, 0)>
#map1 = affine_map<(d0, d1) -> (0, 0, 0, 0, 0)>
module attributes {stable_mosaic.version = 14 : i64} {
  func.func @k(%arg0: i32, %arg1: i32, %arg2: memref<4096x200xi32, #tpu.memory_space<hbm>>, %arg3: memref<1000000x32xf32, #tpu.memory_space<hbm>>, %arg4: memref<200x32xf32, #tpu.memory_space<hbm>>, %arg5: memref<200x4x32x8x128xf32, #tpu.memory_space<hbm>>, %arg6: memref<32x200xi32, #tpu.memory_space<vmem>>, %arg7: memref<25600xi32, #tpu.memory_space<vmem>>, %arg8: memref<512x32xf32, #tpu.memory_space<vmem>>, %arg9: memref<512x32xf32, #tpu.memory_space<vmem>>, %arg10: memref<512x33xf32, #tpu.memory_space<vmem>>, %arg11: memref<4x4x8x128xf32, #tpu.memory_space<vmem>>, %arg12: memref<4x4x8x128xf32, #tpu.memory_space<vmem>>, %arg13: memref<200x32xf32, #tpu.memory_space<vmem>>, %arg14: memref<!tpu.dma_semaphore, #tpu.memory_space<semaphore_mem>>, %arg15: memref<!tpu.dma_semaphore, #tpu.memory_space<semaphore_mem>>, %arg16: memref<!tpu.dma_semaphore, #tpu.memory_space<semaphore_mem>>, %arg17: memref<!tpu.dma_semaphore, #tpu.memory_space<semaphore_mem>>) attributes {dimension_semantics = [#tpu.dimension_semantics<core_parallel>, #tpu.dimension_semantics<subcore_parallel>], iteration_bounds = array<i64: 2, 16>, scalar_prefetch = 0 : i64, scratch_operands = 12 : i64, tpu.core_type = #tpu.core_type<sc_vector_subcore>, window_params = [{transform_indices = #map}, {transform_indices = #map}, {transform_indices = #map}, {transform_indices = #map1}]} {
    %mul3A = arith.constant 2 : i32
    %mul3A_0 = arith.muli %arg1, %mul3A : i32
    %add3A = arith.addi %mul3A_0, %arg0 : i32
    %mul3A_1 = arith.constant 128 : i32
    %mul3A_2 = arith.muli %add3A, %mul3A_1 : i32
    %iota3A = tpu.iota {dimensions = array<i32: 0>} : vector<16xi32>
    "tpu.region"() ({
      %run_scoped3A = tpu.sem_alloc : memref<!tpu.dma_semaphore, #tpu.memory_space<semaphore_mem>>
      tpu.enqueue_dma source(%arg4 : memref<200x32xf32, #tpu.memory_space<hbm>>) target(%arg13 : memref<200x32xf32, #tpu.memory_space<vmem>>) target_semaphore(%run_scoped3A : memref<!tpu.dma_semaphore, #tpu.memory_space<semaphore_mem>>)
      tpu.wait_dma2 semaphore(%run_scoped3A : memref<!tpu.dma_semaphore, #tpu.memory_space<semaphore_mem>>) src(%arg4 : memref<200x32xf32, #tpu.memory_space<hbm>>) dst(%arg13 : memref<200x32xf32, #tpu.memory_space<vmem>>)
      tpu.yield
    }) : () -> ()
    %add3A_3 = arith.constant 0 : i32
    %add3A_4 = arith.addi %mul3A_2, %add3A_3 : i32
    "tpu.region"() ({
      %run_scoped3A = tpu.sem_alloc : memref<!tpu.dma_semaphore, #tpu.memory_space<semaphore_mem>>
      %dma_start3A_209 = arith.constant 0 : i32
      %dma_start3A_210 = tpu.memref_slice %arg2[%add3A_4, %dma_start3A_209] : memref<4096x200xi32, #tpu.memory_space<hbm>> -> memref<32x200xi32, #tpu.memory_space<hbm>>
      %dma_start3A_211 = arith.constant 0 : i32
      %dma_start3A_212 = tpu.memref_slice %arg2[%add3A_4, %dma_start3A_211] : memref<4096x200xi32, #tpu.memory_space<hbm>> -> memref<32x200xi32, #tpu.memory_space<hbm>>
      tpu.enqueue_dma source(%dma_start3A_212 : memref<32x200xi32, #tpu.memory_space<hbm>>) target(%arg6 : memref<32x200xi32, #tpu.memory_space<vmem>>) target_semaphore(%run_scoped3A : memref<!tpu.dma_semaphore, #tpu.memory_space<semaphore_mem>>)
      %dma_wait3A_213 = arith.constant 0 : i32
      %dma_wait3A_214 = tpu.memref_slice %arg2[%add3A_4, %dma_wait3A_213] : memref<4096x200xi32, #tpu.memory_space<hbm>> -> memref<32x200xi32, #tpu.memory_space<hbm>>
      %dma_wait3A_215 = arith.constant 0 : i32
      %dma_wait3A_216 = tpu.memref_slice %arg2[%add3A_4, %dma_wait3A_215] : memref<4096x200xi32, #tpu.memory_space<hbm>> -> memref<32x200xi32, #tpu.memory_space<hbm>>
      tpu.wait_dma2 semaphore(%run_scoped3A : memref<!tpu.dma_semaphore, #tpu.memory_space<semaphore_mem>>) src(%dma_wait3A_216 : memref<32x200xi32, #tpu.memory_space<hbm>>) dst(%arg6 : memref<32x200xi32, #tpu.memory_space<vmem>>)
      tpu.yield
    }) : () -> ()
    %scan3A = arith.constant 0 : i32
    %scan3A_5 = arith.constant 200 : i32
    %scan3A_6 = arith.addi %scan3A, %scan3A_5 : i32
    %scan3A_7 = arith.constant 1 : i32
    scf.for %scan3A_209 = %scan3A to %scan3A_6 step %scan3A_7  : i32 {
      %add3A_210 = arith.constant 0 : i32
      %add3A_211 = vector.broadcast %add3A_210 : i32 to vector<16xi32>
      %add3A_212 = arith.addi %add3A_211, %iota3A : vector<16xi32>
      %broadcast_in_dim3A = vector.broadcast %scan3A_209 : i32 to vector<16xi32>
      %gather3A = tpu.vector_load_idx %arg6[%add3A_212, %broadcast_in_dim3A] : memref<32x200xi32, #tpu.memory_space<vmem>>[vector<16xi32>, vector<16xi32>], vector<16xi32>,
      %mul3A_213 = arith.constant 128 : i32
      %mul3A_214 = arith.muli %scan3A_209, %mul3A_213 : i32
      %add3A_215 = arith.constant 0 : i32
      %add3A_216 = arith.addi %mul3A_214, %add3A_215 : i32
      %swap3A = arith.index_cast %add3A_216 : i32 to index
      %swap3A_217 = tpu.vector_load %arg7[%swap3A] {strides = array<i32>} : memref<25600xi32, #tpu.memory_space<vmem>>, vector<16xi32>,
      tpu.vector_store %arg7[%swap3A], %gather3A {strides = array<i32>} : memref<25600xi32, #tpu.memory_space<vmem>>, vector<16xi32>,
      %add3A_218 = arith.constant 16 : i32
      %add3A_219 = vector.broadcast %add3A_218 : i32 to vector<16xi32>
      %add3A_220 = arith.addi %add3A_219, %iota3A : vector<16xi32>
      %broadcast_in_dim3A_221 = vector.broadcast %scan3A_209 : i32 to vector<16xi32>
      %gather3A_222 = tpu.vector_load_idx %arg6[%add3A_220, %broadcast_in_dim3A_221] : memref<32x200xi32, #tpu.memory_space<vmem>>[vector<16xi32>, vector<16xi32>], vector<16xi32>,
      %mul3A_223 = arith.constant 128 : i32
      %mul3A_224 = arith.muli %scan3A_209, %mul3A_223 : i32
      %add3A_225 = arith.constant 16 : i32
      %add3A_226 = arith.addi %mul3A_224, %add3A_225 : i32
      %swap3A_227 = arith.index_cast %add3A_226 : i32 to index
      %swap3A_228 = tpu.vector_load %arg7[%swap3A_227] {strides = array<i32>} : memref<25600xi32, #tpu.memory_space<vmem>>, vector<16xi32>,
      tpu.vector_store %arg7[%swap3A_227], %gather3A_222 {strides = array<i32>} : memref<25600xi32, #tpu.memory_space<vmem>>, vector<16xi32>,
    }
    %scan3A_8 = arith.constant 200 : i32
    %add3A_9 = arith.constant 32 : i32
    %add3A_10 = arith.addi %mul3A_2, %add3A_9 : i32
    "tpu.region"() ({
      %run_scoped3A = tpu.sem_alloc : memref<!tpu.dma_semaphore, #tpu.memory_space<semaphore_mem>>
      %dma_start3A_209 = arith.constant 0 : i32
      %dma_start3A_210 = tpu.memref_slice %arg2[%add3A_10, %dma_start3A_209] : memref<4096x200xi32, #tpu.memory_space<hbm>> -> memref<32x200xi32, #tpu.memory_space<hbm>>
      %dma_start3A_211 = arith.constant 0 : i32
      %dma_start3A_212 = tpu.memref_slice %arg2[%add3A_10, %dma_start3A_211] : memref<4096x200xi32, #tpu.memory_space<hbm>> -> memref<32x200xi32, #tpu.memory_space<hbm>>
      tpu.enqueue_dma source(%dma_start3A_212 : memref<32x200xi32, #tpu.memory_space<hbm>>) target(%arg6 : memref<32x200xi32, #tpu.memory_space<vmem>>) target_semaphore(%run_scoped3A : memref<!tpu.dma_semaphore, #tpu.memory_space<semaphore_mem>>)
      %dma_wait3A_213 = arith.constant 0 : i32
      %dma_wait3A_214 = tpu.memref_slice %arg2[%add3A_10, %dma_wait3A_213] : memref<4096x200xi32, #tpu.memory_space<hbm>> -> memref<32x200xi32, #tpu.memory_space<hbm>>
      %dma_wait3A_215 = arith.constant 0 : i32
      %dma_wait3A_216 = tpu.memref_slice %arg2[%add3A_10, %dma_wait3A_215] : memref<4096x200xi32, #tpu.memory_space<hbm>> -> memref<32x200xi32, #tpu.memory_space<hbm>>
      tpu.wait_dma2 semaphore(%run_scoped3A : memref<!tpu.dma_semaphore, #tpu.memory_space<semaphore_mem>>) src(%dma_wait3A_216 : memref<32x200xi32, #tpu.memory_space<hbm>>) dst(%arg6 : memref<32x200xi32, #tpu.memory_space<vmem>>)
      tpu.yield
    }) : () -> ()
    %scan3A_11 = arith.constant 0 : i32
    %scan3A_12 = arith.constant 200 : i32
    %scan3A_13 = arith.addi %scan3A_11, %scan3A_12 : i32
    %scan3A_14 = arith.constant 1 : i32
    scf.for %scan3A_209 = %scan3A_11 to %scan3A_13 step %scan3A_14  : i32 {
      %add3A_210 = arith.constant 0 : i32
      %add3A_211 = vector.broadcast %add3A_210 : i32 to vector<16xi32>
      %add3A_212 = arith.addi %add3A_211, %iota3A : vector<16xi32>
      %broadcast_in_dim3A = vector.broadcast %scan3A_209 : i32 to vector<16xi32>
      %gather3A = tpu.vector_load_idx %arg6[%add3A_212, %broadcast_in_dim3A] : memref<32x200xi32, #tpu.memory_space<vmem>>[vector<16xi32>, vector<16xi32>], vector<16xi32>,
      %mul3A_213 = arith.constant 128 : i32
      %mul3A_214 = arith.muli %scan3A_209, %mul3A_213 : i32
      %add3A_215 = arith.constant 32 : i32
      %add3A_216 = arith.addi %mul3A_214, %add3A_215 : i32
      %swap3A = arith.index_cast %add3A_216 : i32 to index
      %swap3A_217 = tpu.vector_load %arg7[%swap3A] {strides = array<i32>} : memref<25600xi32, #tpu.memory_space<vmem>>, vector<16xi32>,
      tpu.vector_store %arg7[%swap3A], %gather3A {strides = array<i32>} : memref<25600xi32, #tpu.memory_space<vmem>>, vector<16xi32>,
      %add3A_218 = arith.constant 16 : i32
      %add3A_219 = vector.broadcast %add3A_218 : i32 to vector<16xi32>
      %add3A_220 = arith.addi %add3A_219, %iota3A : vector<16xi32>
      %broadcast_in_dim3A_221 = vector.broadcast %scan3A_209 : i32 to vector<16xi32>
      %gather3A_222 = tpu.vector_load_idx %arg6[%add3A_220, %broadcast_in_dim3A_221] : memref<32x200xi32, #tpu.memory_space<vmem>>[vector<16xi32>, vector<16xi32>], vector<16xi32>,
      %mul3A_223 = arith.constant 128 : i32
      %mul3A_224 = arith.muli %scan3A_209, %mul3A_223 : i32
      %add3A_225 = arith.constant 48 : i32
      %add3A_226 = arith.addi %mul3A_224, %add3A_225 : i32
      %swap3A_227 = arith.index_cast %add3A_226 : i32 to index
      %swap3A_228 = tpu.vector_load %arg7[%swap3A_227] {strides = array<i32>} : memref<25600xi32, #tpu.memory_space<vmem>>, vector<16xi32>,
      tpu.vector_store %arg7[%swap3A_227], %gather3A_222 {strides = array<i32>} : memref<25600xi32, #tpu.memory_space<vmem>>, vector<16xi32>,
    }
    %scan3A_15 = arith.constant 200 : i32
    %add3A_16 = arith.constant 64 : i32
    %add3A_17 = arith.addi %mul3A_2, %add3A_16 : i32
    "tpu.region"() ({
      %run_scoped3A = tpu.sem_alloc : memref<!tpu.dma_semaphore, #tpu.memory_space<semaphore_mem>>
      %dma_start3A_209 = arith.constant 0 : i32
      %dma_start3A_210 = tpu.memref_slice %arg2[%add3A_17, %dma_start3A_209] : memref<4096x200xi32, #tpu.memory_space<hbm>> -> memref<32x200xi32, #tpu.memory_space<hbm>>
      %dma_start3A_211 = arith.constant 0 : i32
      %dma_start3A_212 = tpu.memref_slice %arg2[%add3A_17, %dma_start3A_211] : memref<4096x200xi32, #tpu.memory_space<hbm>> -> memref<32x200xi32, #tpu.memory_space<hbm>>
      tpu.enqueue_dma source(%dma_start3A_212 : memref<32x200xi32, #tpu.memory_space<hbm>>) target(%arg6 : memref<32x200xi32, #tpu.memory_space<vmem>>) target_semaphore(%run_scoped3A : memref<!tpu.dma_semaphore, #tpu.memory_space<semaphore_mem>>)
      %dma_wait3A_213 = arith.constant 0 : i32
      %dma_wait3A_214 = tpu.memref_slice %arg2[%add3A_17, %dma_wait3A_213] : memref<4096x200xi32, #tpu.memory_space<hbm>> -> memref<32x200xi32, #tpu.memory_space<hbm>>
      %dma_wait3A_215 = arith.constant 0 : i32
      %dma_wait3A_216 = tpu.memref_slice %arg2[%add3A_17, %dma_wait3A_215] : memref<4096x200xi32, #tpu.memory_space<hbm>> -> memref<32x200xi32, #tpu.memory_space<hbm>>
      tpu.wait_dma2 semaphore(%run_scoped3A : memref<!tpu.dma_semaphore, #tpu.memory_space<semaphore_mem>>) src(%dma_wait3A_216 : memref<32x200xi32, #tpu.memory_space<hbm>>) dst(%arg6 : memref<32x200xi32, #tpu.memory_space<vmem>>)
      tpu.yield
    }) : () -> ()
    %scan3A_18 = arith.constant 0 : i32
    %scan3A_19 = arith.constant 200 : i32
    %scan3A_20 = arith.addi %scan3A_18, %scan3A_19 : i32
    %scan3A_21 = arith.constant 1 : i32
    scf.for %scan3A_209 = %scan3A_18 to %scan3A_20 step %scan3A_21  : i32 {
      %add3A_210 = arith.constant 0 : i32
      %add3A_211 = vector.broadcast %add3A_210 : i32 to vector<16xi32>
      %add3A_212 = arith.addi %add3A_211, %iota3A : vector<16xi32>
      %broadcast_in_dim3A = vector.broadcast %scan3A_209 : i32 to vector<16xi32>
      %gather3A = tpu.vector_load_idx %arg6[%add3A_212, %broadcast_in_dim3A] : memref<32x200xi32, #tpu.memory_space<vmem>>[vector<16xi32>, vector<16xi32>], vector<16xi32>,
      %mul3A_213 = arith.constant 128 : i32
      %mul3A_214 = arith.muli %scan3A_209, %mul3A_213 : i32
      %add3A_215 = arith.constant 64 : i32
      %add3A_216 = arith.addi %mul3A_214, %add3A_215 : i32
      %swap3A = arith.index_cast %add3A_216 : i32 to index
      %swap3A_217 = tpu.vector_load %arg7[%swap3A] {strides = array<i32>} : memref<25600xi32, #tpu.memory_space<vmem>>, vector<16xi32>,
      tpu.vector_store %arg7[%swap3A], %gather3A {strides = array<i32>} : memref<25600xi32, #tpu.memory_space<vmem>>, vector<16xi32>,
      %add3A_218 = arith.constant 16 : i32
      %add3A_219 = vector.broadcast %add3A_218 : i32 to vector<16xi32>
      %add3A_220 = arith.addi %add3A_219, %iota3A : vector<16xi32>
      %broadcast_in_dim3A_221 = vector.broadcast %scan3A_209 : i32 to vector<16xi32>
      %gather3A_222 = tpu.vector_load_idx %arg6[%add3A_220, %broadcast_in_dim3A_221] : memref<32x200xi32, #tpu.memory_space<vmem>>[vector<16xi32>, vector<16xi32>], vector<16xi32>,
      %mul3A_223 = arith.constant 128 : i32
      %mul3A_224 = arith.muli %scan3A_209, %mul3A_223 : i32
      %add3A_225 = arith.constant 80 : i32
      %add3A_226 = arith.addi %mul3A_224, %add3A_225 : i32
      %swap3A_227 = arith.index_cast %add3A_226 : i32 to index
      %swap3A_228 = tpu.vector_load %arg7[%swap3A_227] {strides = array<i32>} : memref<25600xi32, #tpu.memory_space<vmem>>, vector<16xi32>,
      tpu.vector_store %arg7[%swap3A_227], %gather3A_222 {strides = array<i32>} : memref<25600xi32, #tpu.memory_space<vmem>>, vector<16xi32>,
    }
    %scan3A_22 = arith.constant 200 : i32
    %add3A_23 = arith.constant 96 : i32
    %add3A_24 = arith.addi %mul3A_2, %add3A_23 : i32
    "tpu.region"() ({
      %run_scoped3A = tpu.sem_alloc : memref<!tpu.dma_semaphore, #tpu.memory_space<semaphore_mem>>
      %dma_start3A_209 = arith.constant 0 : i32
      %dma_start3A_210 = tpu.memref_slice %arg2[%add3A_24, %dma_start3A_209] : memref<4096x200xi32, #tpu.memory_space<hbm>> -> memref<32x200xi32, #tpu.memory_space<hbm>>
      %dma_start3A_211 = arith.constant 0 : i32
      %dma_start3A_212 = tpu.memref_slice %arg2[%add3A_24, %dma_start3A_211] : memref<4096x200xi32, #tpu.memory_space<hbm>> -> memref<32x200xi32, #tpu.memory_space<hbm>>
      tpu.enqueue_dma source(%dma_start3A_212 : memref<32x200xi32, #tpu.memory_space<hbm>>) target(%arg6 : memref<32x200xi32, #tpu.memory_space<vmem>>) target_semaphore(%run_scoped3A : memref<!tpu.dma_semaphore, #tpu.memory_space<semaphore_mem>>)
      %dma_wait3A_213 = arith.constant 0 : i32
      %dma_wait3A_214 = tpu.memref_slice %arg2[%add3A_24, %dma_wait3A_213] : memref<4096x200xi32, #tpu.memory_space<hbm>> -> memref<32x200xi32, #tpu.memory_space<hbm>>
      %dma_wait3A_215 = arith.constant 0 : i32
      %dma_wait3A_216 = tpu.memref_slice %arg2[%add3A_24, %dma_wait3A_215] : memref<4096x200xi32, #tpu.memory_space<hbm>> -> memref<32x200xi32, #tpu.memory_space<hbm>>
      tpu.wait_dma2 semaphore(%run_scoped3A : memref<!tpu.dma_semaphore, #tpu.memory_space<semaphore_mem>>) src(%dma_wait3A_216 : memref<32x200xi32, #tpu.memory_space<hbm>>) dst(%arg6 : memref<32x200xi32, #tpu.memory_space<vmem>>)
      tpu.yield
    }) : () -> ()
    %scan3A_25 = arith.constant 0 : i32
    %scan3A_26 = arith.constant 200 : i32
    %scan3A_27 = arith.addi %scan3A_25, %scan3A_26 : i32
    %scan3A_28 = arith.constant 1 : i32
    scf.for %scan3A_209 = %scan3A_25 to %scan3A_27 step %scan3A_28  : i32 {
      %add3A_210 = arith.constant 0 : i32
      %add3A_211 = vector.broadcast %add3A_210 : i32 to vector<16xi32>
      %add3A_212 = arith.addi %add3A_211, %iota3A : vector<16xi32>
      %broadcast_in_dim3A = vector.broadcast %scan3A_209 : i32 to vector<16xi32>
      %gather3A = tpu.vector_load_idx %arg6[%add3A_212, %broadcast_in_dim3A] : memref<32x200xi32, #tpu.memory_space<vmem>>[vector<16xi32>, vector<16xi32>], vector<16xi32>,
      %mul3A_213 = arith.constant 128 : i32
      %mul3A_214 = arith.muli %scan3A_209, %mul3A_213 : i32
      %add3A_215 = arith.constant 96 : i32
      %add3A_216 = arith.addi %mul3A_214, %add3A_215 : i32
      %swap3A = arith.index_cast %add3A_216 : i32 to index
      %swap3A_217 = tpu.vector_load %arg7[%swap3A] {strides = array<i32>} : memref<25600xi32, #tpu.memory_space<vmem>>, vector<16xi32>,
      tpu.vector_store %arg7[%swap3A], %gather3A {strides = array<i32>} : memref<25600xi32, #tpu.memory_space<vmem>>, vector<16xi32>,
      %add3A_218 = arith.constant 16 : i32
      %add3A_219 = vector.broadcast %add3A_218 : i32 to vector<16xi32>
      %add3A_220 = arith.addi %add3A_219, %iota3A : vector<16xi32>
      %broadcast_in_dim3A_221 = vector.broadcast %scan3A_209 : i32 to vector<16xi32>
      %gather3A_222 = tpu.vector_load_idx %arg6[%add3A_220, %broadcast_in_dim3A_221] : memref<32x200xi32, #tpu.memory_space<vmem>>[vector<16xi32>, vector<16xi32>], vector<16xi32>,
      %mul3A_223 = arith.constant 128 : i32
      %mul3A_224 = arith.muli %scan3A_209, %mul3A_223 : i32
      %add3A_225 = arith.constant 112 : i32
      %add3A_226 = arith.addi %mul3A_224, %add3A_225 : i32
      %swap3A_227 = arith.index_cast %add3A_226 : i32 to index
      %swap3A_228 = tpu.vector_load %arg7[%swap3A_227] {strides = array<i32>} : memref<25600xi32, #tpu.memory_space<vmem>>, vector<16xi32>,
      tpu.vector_store %arg7[%swap3A_227], %gather3A_222 {strides = array<i32>} : memref<25600xi32, #tpu.memory_space<vmem>>, vector<16xi32>,
    }
    %scan3A_29 = arith.constant 200 : i32
    %dma_start3A = arith.constant 0 : i32
    %dma_start3A_30 = tpu.memref_slice %arg7[%dma_start3A] : memref<25600xi32, #tpu.memory_space<vmem>> -> memref<512xi32, #tpu.memory_space<vmem>>
    %dma_start3A_31 = arith.constant 0 : i32
    %dma_start3A_32 = arith.constant 0 : i32
    %dma_start3A_33 = tpu.memref_slice %arg3[%dma_start3A_31, %dma_start3A_32] : memref<1000000x32xf32, #tpu.memory_space<hbm>> -> memref<1000000x32xf32, #tpu.memory_space<hbm>>
    tpu.enqueue_indirect_dma source(%dma_start3A_33 : memref<1000000x32xf32, #tpu.memory_space<hbm>>) target(%arg8 : memref<512x32xf32, #tpu.memory_space<vmem>>) offsets(%dma_start3A_30 : memref<512xi32, #tpu.memory_space<vmem>>) semaphore(%arg14 : memref<!tpu.dma_semaphore, #tpu.memory_space<semaphore_mem>>)
    %dma_start3A_34 = arith.constant 512 : i32
    %dma_start3A_35 = tpu.memref_slice %arg7[%dma_start3A_34] : memref<25600xi32, #tpu.memory_space<vmem>> -> memref<512xi32, #tpu.memory_space<vmem>>
    %dma_start3A_36 = arith.constant 0 : i32
    %dma_start3A_37 = arith.constant 0 : i32
    %dma_start3A_38 = tpu.memref_slice %arg3[%dma_start3A_36, %dma_start3A_37] : memref<1000000x32xf32, #tpu.memory_space<hbm>> -> memref<1000000x32xf32, #tpu.memory_space<hbm>>
    tpu.enqueue_indirect_dma source(%dma_start3A_38 : memref<1000000x32xf32, #tpu.memory_space<hbm>>) target(%arg9 : memref<512x32xf32, #tpu.memory_space<vmem>>) offsets(%dma_start3A_35 : memref<512xi32, #tpu.memory_space<vmem>>) semaphore(%arg15 : memref<!tpu.dma_semaphore, #tpu.memory_space<semaphore_mem>>)
    %dma_wait3A = arith.constant 0 : i32
    %dma_wait3A_39 = tpu.memref_slice %arg7[%dma_wait3A] : memref<25600xi32, #tpu.memory_space<vmem>> -> memref<512xi32, #tpu.memory_space<vmem>>
    %dma_wait3A_40 = arith.constant 0 : i32
    %dma_wait3A_41 = arith.constant 0 : i32
    %dma_wait3A_42 = tpu.memref_slice %arg3[%dma_wait3A_40, %dma_wait3A_41] : memref<1000000x32xf32, #tpu.memory_space<hbm>> -> memref<1000000x32xf32, #tpu.memory_space<hbm>>
    tpu.wait_indirect_dma semaphore(%arg14 : memref<!tpu.dma_semaphore, #tpu.memory_space<semaphore_mem>>) src(%dma_wait3A_42 : memref<1000000x32xf32, #tpu.memory_space<hbm>>) dst(%arg8 : memref<512x32xf32, #tpu.memory_space<vmem>>)
    %scan3A_43 = arith.constant 0 : i32
    %scan3A_44 = arith.constant 64 : i32
    %scan3A_45 = arith.addi %scan3A_43, %scan3A_44 : i32
    %scan3A_46 = arith.constant 1 : i32
    scf.for %scan3A_209 = %scan3A_43 to %scan3A_45 step %scan3A_46  : i32 {
      %mul3A_210 = arith.constant 8 : i32
      %mul3A_211 = arith.muli %scan3A_209, %mul3A_210 : i32
      %shift_right_arithmetic3A = arith.constant 7 : i32
      %shift_right_arithmetic3A_212 = arith.shrsi %mul3A_211, %shift_right_arithmetic3A : i32
      %add3A_213 = arith.constant 0 : i32
      %add3A_214 = arith.addi %add3A_213, %shift_right_arithmetic3A_212 : i32
      %get3A = arith.index_cast %add3A_214 : i32 to index
      %get3A_215 = arith.constant 0 : index
      %get3A_216 = tpu.vector_load %arg13[%get3A, %get3A_215] {strides = array<i32>} : memref<200x32xf32, #tpu.memory_space<vmem>>, vector<16xf32>,
      %get3A_217 = arith.index_cast %add3A_214 : i32 to index
      %get3A_218 = arith.constant 16 : index
      %get3A_219 = tpu.vector_load %arg13[%get3A_217, %get3A_218] {strides = array<i32>} : memref<200x32xf32, #tpu.memory_space<vmem>>, vector<16xf32>,
      %mul3A_220 = arith.constant 8 : i32
      %mul3A_221 = arith.muli %scan3A_209, %mul3A_220 : i32
      %add3A_222 = arith.constant 0 : i32
      %add3A_223 = arith.addi %mul3A_221, %add3A_222 : i32
      %get3A_224 = arith.index_cast %add3A_223 : i32 to index
      %get3A_225 = arith.constant 0 : index
      %get3A_226 = tpu.vector_load %arg8[%get3A_224, %get3A_225] {strides = array<i32>} : memref<512x32xf32, #tpu.memory_space<vmem>>, vector<16xf32>,
      %add3A_227 = arith.addf %get3A_226, %get3A_216 : vector<16xf32>
      %mul3A_228 = arith.constant 8 : i32
      %mul3A_229 = arith.muli %scan3A_209, %mul3A_228 : i32
      %add3A_230 = arith.constant 0 : i32
      %add3A_231 = arith.addi %mul3A_229, %add3A_230 : i32
      %get3A_232 = arith.index_cast %add3A_231 : i32 to index
      %get3A_233 = arith.constant 16 : index
      %get3A_234 = tpu.vector_load %arg8[%get3A_232, %get3A_233] {strides = array<i32>} : memref<512x32xf32, #tpu.memory_space<vmem>>, vector<16xf32>,
      %add3A_235 = arith.addf %get3A_234, %get3A_219 : vector<16xf32>
      %mul3A_236 = arith.constant 8 : i32
      %mul3A_237 = arith.muli %scan3A_209, %mul3A_236 : i32
      %add3A_238 = arith.constant 1 : i32
      %add3A_239 = arith.addi %mul3A_237, %add3A_238 : i32
      %get3A_240 = arith.index_cast %add3A_239 : i32 to index
      %get3A_241 = arith.constant 0 : index
      %get3A_242 = tpu.vector_load %arg8[%get3A_240, %get3A_241] {strides = array<i32>} : memref<512x32xf32, #tpu.memory_space<vmem>>, vector<16xf32>,
      %add3A_243 = arith.addf %get3A_242, %get3A_216 : vector<16xf32>
      %mul3A_244 = arith.constant 8 : i32
      %mul3A_245 = arith.muli %scan3A_209, %mul3A_244 : i32
      %add3A_246 = arith.constant 1 : i32
      %add3A_247 = arith.addi %mul3A_245, %add3A_246 : i32
      %get3A_248 = arith.index_cast %add3A_247 : i32 to index
      %get3A_249 = arith.constant 16 : index
      %get3A_250 = tpu.vector_load %arg8[%get3A_248, %get3A_249] {strides = array<i32>} : memref<512x32xf32, #tpu.memory_space<vmem>>, vector<16xf32>,
      %add3A_251 = arith.addf %get3A_250, %get3A_219 : vector<16xf32>
      %mul3A_252 = arith.constant 8 : i32
      %mul3A_253 = arith.muli %scan3A_209, %mul3A_252 : i32
      %add3A_254 = arith.constant 2 : i32
      %add3A_255 = arith.addi %mul3A_253, %add3A_254 : i32
      %get3A_256 = arith.index_cast %add3A_255 : i32 to index
      %get3A_257 = arith.constant 0 : index
      %get3A_258 = tpu.vector_load %arg8[%get3A_256, %get3A_257] {strides = array<i32>} : memref<512x32xf32, #tpu.memory_space<vmem>>, vector<16xf32>,
      %add3A_259 = arith.addf %get3A_258, %get3A_216 : vector<16xf32>
      %mul3A_260 = arith.constant 8 : i32
      %mul3A_261 = arith.muli %scan3A_209, %mul3A_260 : i32
      %add3A_262 = arith.constant 2 : i32
      %add3A_263 = arith.addi %mul3A_261, %add3A_262 : i32
      %get3A_264 = arith.index_cast %add3A_263 : i32 to index
      %get3A_265 = arith.constant 16 : index
      %get3A_266 = tpu.vector_load %arg8[%get3A_264, %get3A_265] {strides = array<i32>} : memref<512x32xf32, #tpu.memory_space<vmem>>, vector<16xf32>,
      %add3A_267 = arith.addf %get3A_266, %get3A_219 : vector<16xf32>
      %mul3A_268 = arith.constant 8 : i32
      %mul3A_269 = arith.muli %scan3A_209, %mul3A_268 : i32
      %add3A_270 = arith.constant 3 : i32
      %add3A_271 = arith.addi %mul3A_269, %add3A_270 : i32
      %get3A_272 = arith.index_cast %add3A_271 : i32 to index
      %get3A_273 = arith.constant 0 : index
      %get3A_274 = tpu.vector_load %arg8[%get3A_272, %get3A_273] {strides = array<i32>} : memref<512x32xf32, #tpu.memory_space<vmem>>, vector<16xf32>,
      %add3A_275 = arith.addf %get3A_274, %get3A_216 : vector<16xf32>
      %mul3A_276 = arith.constant 8 : i32
      %mul3A_277 = arith.muli %scan3A_209, %mul3A_276 : i32
      %add3A_278 = arith.constant 3 : i32
      %add3A_279 = arith.addi %mul3A_277, %add3A_278 : i32
      %get3A_280 = arith.index_cast %add3A_279 : i32 to index
      %get3A_281 = arith.constant 16 : index
      %get3A_282 = tpu.vector_load %arg8[%get3A_280, %get3A_281] {strides = array<i32>} : memref<512x32xf32, #tpu.memory_space<vmem>>, vector<16xf32>,
      %add3A_283 = arith.addf %get3A_282, %get3A_219 : vector<16xf32>
      %mul3A_284 = arith.constant 8 : i32
      %mul3A_285 = arith.muli %scan3A_209, %mul3A_284 : i32
      %add3A_286 = arith.constant 4 : i32
      %add3A_287 = arith.addi %mul3A_285, %add3A_286 : i32
      %get3A_288 = arith.index_cast %add3A_287 : i32 to index
      %get3A_289 = arith.constant 0 : index
      %get3A_290 = tpu.vector_load %arg8[%get3A_288, %get3A_289] {strides = array<i32>} : memref<512x32xf32, #tpu.memory_space<vmem>>, vector<16xf32>,
      %add3A_291 = arith.addf %get3A_290, %get3A_216 : vector<16xf32>
      %mul3A_292 = arith.constant 8 : i32
      %mul3A_293 = arith.muli %scan3A_209, %mul3A_292 : i32
      %add3A_294 = arith.constant 4 : i32
      %add3A_295 = arith.addi %mul3A_293, %add3A_294 : i32
      %get3A_296 = arith.index_cast %add3A_295 : i32 to index
      %get3A_297 = arith.constant 16 : index
      %get3A_298 = tpu.vector_load %arg8[%get3A_296, %get3A_297] {strides = array<i32>} : memref<512x32xf32, #tpu.memory_space<vmem>>, vector<16xf32>,
      %add3A_299 = arith.addf %get3A_298, %get3A_219 : vector<16xf32>
      %mul3A_300 = arith.constant 8 : i32
      %mul3A_301 = arith.muli %scan3A_209, %mul3A_300 : i32
      %add3A_302 = arith.constant 5 : i32
      %add3A_303 = arith.addi %mul3A_301, %add3A_302 : i32
      %get3A_304 = arith.index_cast %add3A_303 : i32 to index
      %get3A_305 = arith.constant 0 : index
      %get3A_306 = tpu.vector_load %arg8[%get3A_304, %get3A_305] {strides = array<i32>} : memref<512x32xf32, #tpu.memory_space<vmem>>, vector<16xf32>,
      %add3A_307 = arith.addf %get3A_306, %get3A_216 : vector<16xf32>
      %mul3A_308 = arith.constant 8 : i32
      %mul3A_309 = arith.muli %scan3A_209, %mul3A_308 : i32
      %add3A_310 = arith.constant 5 : i32
      %add3A_311 = arith.addi %mul3A_309, %add3A_310 : i32
      %get3A_312 = arith.index_cast %add3A_311 : i32 to index
      %get3A_313 = arith.constant 16 : index
      %get3A_314 = tpu.vector_load %arg8[%get3A_312, %get3A_313] {strides = array<i32>} : memref<512x32xf32, #tpu.memory_space<vmem>>, vector<16xf32>,
      %add3A_315 = arith.addf %get3A_314, %get3A_219 : vector<16xf32>
      %mul3A_316 = arith.constant 8 : i32
      %mul3A_317 = arith.muli %scan3A_209, %mul3A_316 : i32
      %add3A_318 = arith.constant 6 : i32
      %add3A_319 = arith.addi %mul3A_317, %add3A_318 : i32
      %get3A_320 = arith.index_cast %add3A_319 : i32 to index
      %get3A_321 = arith.constant 0 : index
      %get3A_322 = tpu.vector_load %arg8[%get3A_320, %get3A_321] {strides = array<i32>} : memref<512x32xf32, #tpu.memory_space<vmem>>, vector<16xf32>,
      %add3A_323 = arith.addf %get3A_322, %get3A_216 : vector<16xf32>
      %mul3A_324 = arith.constant 8 : i32
      %mul3A_325 = arith.muli %scan3A_209, %mul3A_324 : i32
      %add3A_326 = arith.constant 6 : i32
      %add3A_327 = arith.addi %mul3A_325, %add3A_326 : i32
      %get3A_328 = arith.index_cast %add3A_327 : i32 to index
      %get3A_329 = arith.constant 16 : index
      %get3A_330 = tpu.vector_load %arg8[%get3A_328, %get3A_329] {strides = array<i32>} : memref<512x32xf32, #tpu.memory_space<vmem>>, vector<16xf32>,
      %add3A_331 = arith.addf %get3A_330, %get3A_219 : vector<16xf32>
      %mul3A_332 = arith.constant 8 : i32
      %mul3A_333 = arith.muli %scan3A_209, %mul3A_332 : i32
      %add3A_334 = arith.constant 7 : i32
      %add3A_335 = arith.addi %mul3A_333, %add3A_334 : i32
      %get3A_336 = arith.index_cast %add3A_335 : i32 to index
      %get3A_337 = arith.constant 0 : index
      %get3A_338 = tpu.vector_load %arg8[%get3A_336, %get3A_337] {strides = array<i32>} : memref<512x32xf32, #tpu.memory_space<vmem>>, vector<16xf32>,
      %add3A_339 = arith.addf %get3A_338, %get3A_216 : vector<16xf32>
      %mul3A_340 = arith.constant 8 : i32
      %mul3A_341 = arith.muli %scan3A_209, %mul3A_340 : i32
      %add3A_342 = arith.constant 7 : i32
      %add3A_343 = arith.addi %mul3A_341, %add3A_342 : i32
      %get3A_344 = arith.index_cast %add3A_343 : i32 to index
      %get3A_345 = arith.constant 16 : index
      %get3A_346 = tpu.vector_load %arg8[%get3A_344, %get3A_345] {strides = array<i32>} : memref<512x32xf32, #tpu.memory_space<vmem>>, vector<16xf32>,
      %add3A_347 = arith.addf %get3A_346, %get3A_219 : vector<16xf32>
      %mul3A_348 = arith.constant 8 : i32
      %mul3A_349 = arith.muli %scan3A_209, %mul3A_348 : i32
      %add3A_350 = arith.constant 0 : i32
      %add3A_351 = arith.addi %mul3A_349, %add3A_350 : i32
      %swap3A = arith.index_cast %add3A_351 : i32 to index
      %swap3A_352 = arith.constant 0 : index
      %swap3A_353 = tpu.vector_load %arg10[%swap3A, %swap3A_352] {strides = array<i32>} : memref<512x33xf32, #tpu.memory_space<vmem>>, vector<16xf32>,
      tpu.vector_store %arg10[%swap3A, %swap3A_352], %add3A_227 {strides = array<i32>} : memref<512x33xf32, #tpu.memory_space<vmem>>, vector<16xf32>,
      %mul3A_354 = arith.constant 8 : i32
      %mul3A_355 = arith.muli %scan3A_209, %mul3A_354 : i32
      %add3A_356 = arith.constant 0 : i32
      %add3A_357 = arith.addi %mul3A_355, %add3A_356 : i32
      %swap3A_358 = arith.index_cast %add3A_357 : i32 to index
      %swap3A_359 = arith.constant 16 : index
      %swap3A_360 = tpu.vector_load %arg10[%swap3A_358, %swap3A_359] {strides = array<i32>} : memref<512x33xf32, #tpu.memory_space<vmem>>, vector<16xf32>,
      tpu.vector_store %arg10[%swap3A_358, %swap3A_359], %add3A_235 {strides = array<i32>} : memref<512x33xf32, #tpu.memory_space<vmem>>, vector<16xf32>,
      %mul3A_361 = arith.constant 8 : i32
      %mul3A_362 = arith.muli %scan3A_209, %mul3A_361 : i32
      %add3A_363 = arith.constant 1 : i32
      %add3A_364 = arith.addi %mul3A_362, %add3A_363 : i32
      %swap3A_365 = arith.index_cast %add3A_364 : i32 to index
      %swap3A_366 = arith.constant 0 : index
      %swap3A_367 = tpu.vector_load %arg10[%swap3A_365, %swap3A_366] {strides = array<i32>} : memref<512x33xf32, #tpu.memory_space<vmem>>, vector<16xf32>,
      tpu.vector_store %arg10[%swap3A_365, %swap3A_366], %add3A_243 {strides = array<i32>} : memref<512x33xf32, #tpu.memory_space<vmem>>, vector<16xf32>,
      %mul3A_368 = arith.constant 8 : i32
      %mul3A_369 = arith.muli %scan3A_209, %mul3A_368 : i32
      %add3A_370 = arith.constant 1 : i32
      %add3A_371 = arith.addi %mul3A_369, %add3A_370 : i32
      %swap3A_372 = arith.index_cast %add3A_371 : i32 to index
      %swap3A_373 = arith.constant 16 : index
      %swap3A_374 = tpu.vector_load %arg10[%swap3A_372, %swap3A_373] {strides = array<i32>} : memref<512x33xf32, #tpu.memory_space<vmem>>, vector<16xf32>,
      tpu.vector_store %arg10[%swap3A_372, %swap3A_373], %add3A_251 {strides = array<i32>} : memref<512x33xf32, #tpu.memory_space<vmem>>, vector<16xf32>,
      %mul3A_375 = arith.constant 8 : i32
      %mul3A_376 = arith.muli %scan3A_209, %mul3A_375 : i32
      %add3A_377 = arith.constant 2 : i32
      %add3A_378 = arith.addi %mul3A_376, %add3A_377 : i32
      %swap3A_379 = arith.index_cast %add3A_378 : i32 to index
      %swap3A_380 = arith.constant 0 : index
      %swap3A_381 = tpu.vector_load %arg10[%swap3A_379, %swap3A_380] {strides = array<i32>} : memref<512x33xf32, #tpu.memory_space<vmem>>, vector<16xf32>,
      tpu.vector_store %arg10[%swap3A_379, %swap3A_380], %add3A_259 {strides = array<i32>} : memref<512x33xf32, #tpu.memory_space<vmem>>, vector<16xf32>,
      %mul3A_382 = arith.constant 8 : i32
      %mul3A_383 = arith.muli %scan3A_209, %mul3A_382 : i32
      %add3A_384 = arith.constant 2 : i32
      %add3A_385 = arith.addi %mul3A_383, %add3A_384 : i32
      %swap3A_386 = arith.index_cast %add3A_385 : i32 to index
      %swap3A_387 = arith.constant 16 : index
      %swap3A_388 = tpu.vector_load %arg10[%swap3A_386, %swap3A_387] {strides = array<i32>} : memref<512x33xf32, #tpu.memory_space<vmem>>, vector<16xf32>,
      tpu.vector_store %arg10[%swap3A_386, %swap3A_387], %add3A_267 {strides = array<i32>} : memref<512x33xf32, #tpu.memory_space<vmem>>, vector<16xf32>,
      %mul3A_389 = arith.constant 8 : i32
      %mul3A_390 = arith.muli %scan3A_209, %mul3A_389 : i32
      %add3A_391 = arith.constant 3 : i32
      %add3A_392 = arith.addi %mul3A_390, %add3A_391 : i32
      %swap3A_393 = arith.index_cast %add3A_392 : i32 to index
      %swap3A_394 = arith.constant 0 : index
      %swap3A_395 = tpu.vector_load %arg10[%swap3A_393, %swap3A_394] {strides = array<i32>} : memref<512x33xf32, #tpu.memory_space<vmem>>, vector<16xf32>,
      tpu.vector_store %arg10[%swap3A_393, %swap3A_394], %add3A_275 {strides = array<i32>} : memref<512x33xf32, #tpu.memory_space<vmem>>, vector<16xf32>,
      %mul3A_396 = arith.constant 8 : i32
      %mul3A_397 = arith.muli %scan3A_209, %mul3A_396 : i32
      %add3A_398 = arith.constant 3 : i32
      %add3A_399 = arith.addi %mul3A_397, %add3A_398 : i32
      %swap3A_400 = arith.index_cast %add3A_399 : i32 to index
      %swap3A_401 = arith.constant 16 : index
      %swap3A_402 = tpu.vector_load %arg10[%swap3A_400, %swap3A_401] {strides = array<i32>} : memref<512x33xf32, #tpu.memory_space<vmem>>, vector<16xf32>,
      tpu.vector_store %arg10[%swap3A_400, %swap3A_401], %add3A_283 {strides = array<i32>} : memref<512x33xf32, #tpu.memory_space<vmem>>, vector<16xf32>,
      %mul3A_403 = arith.constant 8 : i32
      %mul3A_404 = arith.muli %scan3A_209, %mul3A_403 : i32
      %add3A_405 = arith.constant 4 : i32
      %add3A_406 = arith.addi %mul3A_404, %add3A_405 : i32
      %swap3A_407 = arith.index_cast %add3A_406 : i32 to index
      %swap3A_408 = arith.constant 0 : index
      %swap3A_409 = tpu.vector_load %arg10[%swap3A_407, %swap3A_408] {strides = array<i32>} : memref<512x33xf32, #tpu.memory_space<vmem>>, vector<16xf32>,
      tpu.vector_store %arg10[%swap3A_407, %swap3A_408], %add3A_291 {strides = array<i32>} : memref<512x33xf32, #tpu.memory_space<vmem>>, vector<16xf32>,
      %mul3A_410 = arith.constant 8 : i32
      %mul3A_411 = arith.muli %scan3A_209, %mul3A_410 : i32
      %add3A_412 = arith.constant 4 : i32
      %add3A_413 = arith.addi %mul3A_411, %add3A_412 : i32
      %swap3A_414 = arith.index_cast %add3A_413 : i32 to index
      %swap3A_415 = arith.constant 16 : index
      %swap3A_416 = tpu.vector_load %arg10[%swap3A_414, %swap3A_415] {strides = array<i32>} : memref<512x33xf32, #tpu.memory_space<vmem>>, vector<16xf32>,
      tpu.vector_store %arg10[%swap3A_414, %swap3A_415], %add3A_299 {strides = array<i32>} : memref<512x33xf32, #tpu.memory_space<vmem>>, vector<16xf32>,
      %mul3A_417 = arith.constant 8 : i32
      %mul3A_418 = arith.muli %scan3A_209, %mul3A_417 : i32
      %add3A_419 = arith.constant 5 : i32
      %add3A_420 = arith.addi %mul3A_418, %add3A_419 : i32
      %swap3A_421 = arith.index_cast %add3A_420 : i32 to index
      %swap3A_422 = arith.constant 0 : index
      %swap3A_423 = tpu.vector_load %arg10[%swap3A_421, %swap3A_422] {strides = array<i32>} : memref<512x33xf32, #tpu.memory_space<vmem>>, vector<16xf32>,
      tpu.vector_store %arg10[%swap3A_421, %swap3A_422], %add3A_307 {strides = array<i32>} : memref<512x33xf32, #tpu.memory_space<vmem>>, vector<16xf32>,
      %mul3A_424 = arith.constant 8 : i32
      %mul3A_425 = arith.muli %scan3A_209, %mul3A_424 : i32
      %add3A_426 = arith.constant 5 : i32
      %add3A_427 = arith.addi %mul3A_425, %add3A_426 : i32
      %swap3A_428 = arith.index_cast %add3A_427 : i32 to index
      %swap3A_429 = arith.constant 16 : index
      %swap3A_430 = tpu.vector_load %arg10[%swap3A_428, %swap3A_429] {strides = array<i32>} : memref<512x33xf32, #tpu.memory_space<vmem>>, vector<16xf32>,
      tpu.vector_store %arg10[%swap3A_428, %swap3A_429], %add3A_315 {strides = array<i32>} : memref<512x33xf32, #tpu.memory_space<vmem>>, vector<16xf32>,
      %mul3A_431 = arith.constant 8 : i32
      %mul3A_432 = arith.muli %scan3A_209, %mul3A_431 : i32
      %add3A_433 = arith.constant 6 : i32
      %add3A_434 = arith.addi %mul3A_432, %add3A_433 : i32
      %swap3A_435 = arith.index_cast %add3A_434 : i32 to index
      %swap3A_436 = arith.constant 0 : index
      %swap3A_437 = tpu.vector_load %arg10[%swap3A_435, %swap3A_436] {strides = array<i32>} : memref<512x33xf32, #tpu.memory_space<vmem>>, vector<16xf32>,
      tpu.vector_store %arg10[%swap3A_435, %swap3A_436], %add3A_323 {strides = array<i32>} : memref<512x33xf32, #tpu.memory_space<vmem>>, vector<16xf32>,
      %mul3A_438 = arith.constant 8 : i32
      %mul3A_439 = arith.muli %scan3A_209, %mul3A_438 : i32
      %add3A_440 = arith.constant 6 : i32
      %add3A_441 = arith.addi %mul3A_439, %add3A_440 : i32
      %swap3A_442 = arith.index_cast %add3A_441 : i32 to index
      %swap3A_443 = arith.constant 16 : index
      %swap3A_444 = tpu.vector_load %arg10[%swap3A_442, %swap3A_443] {strides = array<i32>} : memref<512x33xf32, #tpu.memory_space<vmem>>, vector<16xf32>,
      tpu.vector_store %arg10[%swap3A_442, %swap3A_443], %add3A_331 {strides = array<i32>} : memref<512x33xf32, #tpu.memory_space<vmem>>, vector<16xf32>,
      %mul3A_445 = arith.constant 8 : i32
      %mul3A_446 = arith.muli %scan3A_209, %mul3A_445 : i32
      %add3A_447 = arith.constant 7 : i32
      %add3A_448 = arith.addi %mul3A_446, %add3A_447 : i32
      %swap3A_449 = arith.index_cast %add3A_448 : i32 to index
      %swap3A_450 = arith.constant 0 : index
      %swap3A_451 = tpu.vector_load %arg10[%swap3A_449, %swap3A_450] {strides = array<i32>} : memref<512x33xf32, #tpu.memory_space<vmem>>, vector<16xf32>,
      tpu.vector_store %arg10[%swap3A_449, %swap3A_450], %add3A_339 {strides = array<i32>} : memref<512x33xf32, #tpu.memory_space<vmem>>, vector<16xf32>,
      %mul3A_452 = arith.constant 8 : i32
      %mul3A_453 = arith.muli %scan3A_209, %mul3A_452 : i32
      %add3A_454 = arith.constant 7 : i32
      %add3A_455 = arith.addi %mul3A_453, %add3A_454 : i32
      %swap3A_456 = arith.index_cast %add3A_455 : i32 to index
      %swap3A_457 = arith.constant 16 : index
      %swap3A_458 = tpu.vector_load %arg10[%swap3A_456, %swap3A_457] {strides = array<i32>} : memref<512x33xf32, #tpu.memory_space<vmem>>, vector<16xf32>,
      tpu.vector_store %arg10[%swap3A_456, %swap3A_457], %add3A_347 {strides = array<i32>} : memref<512x33xf32, #tpu.memory_space<vmem>>, vector<16xf32>,
    }
    %scan3A_47 = arith.constant 64 : i32
    %scan3A_48 = arith.constant 0 : i32
    %scan3A_49 = arith.constant 128 : i32
    %scan3A_50 = arith.addi %scan3A_48, %scan3A_49 : i32
    %scan3A_51 = arith.constant 1 : i32
    scf.for %scan3A_209 = %scan3A_48 to %scan3A_50 step %scan3A_51  : i32 {
      %shift_right_arithmetic3A = arith.constant 5 : i32
      %shift_right_arithmetic3A_210 = arith.shrsi %scan3A_209, %shift_right_arithmetic3A : i32
      %and3A = arith.constant 31 : i32
      %and3A_211 = arith.andi %scan3A_209, %and3A : i32
      %broadcast_in_dim3A = vector.broadcast %and3A_211 : i32 to vector<16xi32>
      %mul3A_212 = arith.constant 128 : i32
      %mul3A_213 = arith.muli %shift_right_arithmetic3A_210, %mul3A_212 : i32
      %add3A_214 = arith.constant 0 : i32
      %add3A_215 = arith.addi %mul3A_213, %add3A_214 : i32
      %gather3A = arith.constant 0 : i32
      %gather3A_216 = tpu.memref_slice %arg10[%add3A_215, %gather3A] : memref<512x33xf32, #tpu.memory_space<vmem>> -> memref<16x33xf32, #tpu.memory_space<vmem>>
      %gather3A_217 = tpu.vector_load_idx %gather3A_216[%iota3A, %broadcast_in_dim3A] : memref<16x33xf32, #tpu.memory_space<vmem>>[vector<16xi32>, vector<16xi32>], vector<16xf32>,
      %mul3A_218 = arith.constant 128 : i32
      %mul3A_219 = arith.muli %shift_right_arithmetic3A_210, %mul3A_218 : i32
      %add3A_220 = arith.constant 16 : i32
      %add3A_221 = arith.addi %mul3A_219, %add3A_220 : i32
      %gather3A_222 = arith.constant 0 : i32
      %gather3A_223 = tpu.memref_slice %arg10[%add3A_221, %gather3A_222] : memref<512x33xf32, #tpu.memory_space<vmem>> -> memref<16x33xf32, #tpu.memory_space<vmem>>
      %gather3A_224 = tpu.vector_load_idx %gather3A_223[%iota3A, %broadcast_in_dim3A] : memref<16x33xf32, #tpu.memory_space<vmem>>[vector<16xi32>, vector<16xi32>], vector<16xf32>,
      %mul3A_225 = arith.constant 128 : i32
      %mul3A_226 = arith.muli %shift_right_arithmetic3A_210, %mul3A_225 : i32
      %add3A_227 = arith.constant 32 : i32
      %add3A_228 = arith.addi %mul3A_226, %add3A_227 : i32
      %gather3A_229 = arith.constant 0 : i32
      %gather3A_230 = tpu.memref_slice %arg10[%add3A_228, %gather3A_229] : memref<512x33xf32, #tpu.memory_space<vmem>> -> memref<16x33xf32, #tpu.memory_space<vmem>>
      %gather3A_231 = tpu.vector_load_idx %gather3A_230[%iota3A, %broadcast_in_dim3A] : memref<16x33xf32, #tpu.memory_space<vmem>>[vector<16xi32>, vector<16xi32>], vector<16xf32>,
      %mul3A_232 = arith.constant 128 : i32
      %mul3A_233 = arith.muli %shift_right_arithmetic3A_210, %mul3A_232 : i32
      %add3A_234 = arith.constant 48 : i32
      %add3A_235 = arith.addi %mul3A_233, %add3A_234 : i32
      %gather3A_236 = arith.constant 0 : i32
      %gather3A_237 = tpu.memref_slice %arg10[%add3A_235, %gather3A_236] : memref<512x33xf32, #tpu.memory_space<vmem>> -> memref<16x33xf32, #tpu.memory_space<vmem>>
      %gather3A_238 = tpu.vector_load_idx %gather3A_237[%iota3A, %broadcast_in_dim3A] : memref<16x33xf32, #tpu.memory_space<vmem>>[vector<16xi32>, vector<16xi32>], vector<16xf32>,
      %mul3A_239 = arith.constant 128 : i32
      %mul3A_240 = arith.muli %shift_right_arithmetic3A_210, %mul3A_239 : i32
      %add3A_241 = arith.constant 64 : i32
      %add3A_242 = arith.addi %mul3A_240, %add3A_241 : i32
      %gather3A_243 = arith.constant 0 : i32
      %gather3A_244 = tpu.memref_slice %arg10[%add3A_242, %gather3A_243] : memref<512x33xf32, #tpu.memory_space<vmem>> -> memref<16x33xf32, #tpu.memory_space<vmem>>
      %gather3A_245 = tpu.vector_load_idx %gather3A_244[%iota3A, %broadcast_in_dim3A] : memref<16x33xf32, #tpu.memory_space<vmem>>[vector<16xi32>, vector<16xi32>], vector<16xf32>,
      %mul3A_246 = arith.constant 128 : i32
      %mul3A_247 = arith.muli %shift_right_arithmetic3A_210, %mul3A_246 : i32
      %add3A_248 = arith.constant 80 : i32
      %add3A_249 = arith.addi %mul3A_247, %add3A_248 : i32
      %gather3A_250 = arith.constant 0 : i32
      %gather3A_251 = tpu.memref_slice %arg10[%add3A_249, %gather3A_250] : memref<512x33xf32, #tpu.memory_space<vmem>> -> memref<16x33xf32, #tpu.memory_space<vmem>>
      %gather3A_252 = tpu.vector_load_idx %gather3A_251[%iota3A, %broadcast_in_dim3A] : memref<16x33xf32, #tpu.memory_space<vmem>>[vector<16xi32>, vector<16xi32>], vector<16xf32>,
      %mul3A_253 = arith.constant 128 : i32
      %mul3A_254 = arith.muli %shift_right_arithmetic3A_210, %mul3A_253 : i32
      %add3A_255 = arith.constant 96 : i32
      %add3A_256 = arith.addi %mul3A_254, %add3A_255 : i32
      %gather3A_257 = arith.constant 0 : i32
      %gather3A_258 = tpu.memref_slice %arg10[%add3A_256, %gather3A_257] : memref<512x33xf32, #tpu.memory_space<vmem>> -> memref<16x33xf32, #tpu.memory_space<vmem>>
      %gather3A_259 = tpu.vector_load_idx %gather3A_258[%iota3A, %broadcast_in_dim3A] : memref<16x33xf32, #tpu.memory_space<vmem>>[vector<16xi32>, vector<16xi32>], vector<16xf32>,
      %mul3A_260 = arith.constant 128 : i32
      %mul3A_261 = arith.muli %shift_right_arithmetic3A_210, %mul3A_260 : i32
      %add3A_262 = arith.constant 112 : i32
      %add3A_263 = arith.addi %mul3A_261, %add3A_262 : i32
      %gather3A_264 = arith.constant 0 : i32
      %gather3A_265 = tpu.memref_slice %arg10[%add3A_263, %gather3A_264] : memref<512x33xf32, #tpu.memory_space<vmem>> -> memref<16x33xf32, #tpu.memory_space<vmem>>
      %gather3A_266 = tpu.vector_load_idx %gather3A_265[%iota3A, %broadcast_in_dim3A] : memref<16x33xf32, #tpu.memory_space<vmem>>[vector<16xi32>, vector<16xi32>], vector<16xf32>,
      %shift_right_arithmetic3A_267 = arith.constant 3 : i32
      %shift_right_arithmetic3A_268 = arith.shrsi %and3A_211, %shift_right_arithmetic3A_267 : i32
      %and3A_269 = arith.constant 7 : i32
      %and3A_270 = arith.andi %and3A_211, %and3A_269 : i32
      %swap3A = arith.index_cast %shift_right_arithmetic3A_210 : i32 to index
      %swap3A_271 = arith.index_cast %shift_right_arithmetic3A_268 : i32 to index
      %swap3A_272 = arith.index_cast %and3A_270 : i32 to index
      %swap3A_273 = arith.constant 0 : index
      %swap3A_274 = tpu.vector_load %arg11[%swap3A, %swap3A_271, %swap3A_272, %swap3A_273] {strides = array<i32>} : memref<4x4x8x128xf32, #tpu.memory_space<vmem>>, vector<16xf32>,
      tpu.vector_store %arg11[%swap3A, %swap3A_271, %swap3A_272, %swap3A_273], %gather3A_217 {strides = array<i32>} : memref<4x4x8x128xf32, #tpu.memory_space<vmem>>, vector<16xf32>,
      %shift_right_arithmetic3A_275 = arith.constant 3 : i32
      %shift_right_arithmetic3A_276 = arith.shrsi %and3A_211, %shift_right_arithmetic3A_275 : i32
      %and3A_277 = arith.constant 7 : i32
      %and3A_278 = arith.andi %and3A_211, %and3A_277 : i32
      %swap3A_279 = arith.index_cast %shift_right_arithmetic3A_210 : i32 to index
      %swap3A_280 = arith.index_cast %shift_right_arithmetic3A_276 : i32 to index
      %swap3A_281 = arith.index_cast %and3A_278 : i32 to index
      %swap3A_282 = arith.constant 16 : index
      %swap3A_283 = tpu.vector_load %arg11[%swap3A_279, %swap3A_280, %swap3A_281, %swap3A_282] {strides = array<i32>} : memref<4x4x8x128xf32, #tpu.memory_space<vmem>>, vector<16xf32>,
      tpu.vector_store %arg11[%swap3A_279, %swap3A_280, %swap3A_281, %swap3A_282], %gather3A_224 {strides = array<i32>} : memref<4x4x8x128xf32, #tpu.memory_space<vmem>>, vector<16xf32>,
      %shift_right_arithmetic3A_284 = arith.constant 3 : i32
      %shift_right_arithmetic3A_285 = arith.shrsi %and3A_211, %shift_right_arithmetic3A_284 : i32
      %and3A_286 = arith.constant 7 : i32
      %and3A_287 = arith.andi %and3A_211, %and3A_286 : i32
      %swap3A_288 = arith.index_cast %shift_right_arithmetic3A_210 : i32 to index
      %swap3A_289 = arith.index_cast %shift_right_arithmetic3A_285 : i32 to index
      %swap3A_290 = arith.index_cast %and3A_287 : i32 to index
      %swap3A_291 = arith.constant 32 : index
      %swap3A_292 = tpu.vector_load %arg11[%swap3A_288, %swap3A_289, %swap3A_290, %swap3A_291] {strides = array<i32>} : memref<4x4x8x128xf32, #tpu.memory_space<vmem>>, vector<16xf32>,
      tpu.vector_store %arg11[%swap3A_288, %swap3A_289, %swap3A_290, %swap3A_291], %gather3A_231 {strides = array<i32>} : memref<4x4x8x128xf32, #tpu.memory_space<vmem>>, vector<16xf32>,
      %shift_right_arithmetic3A_293 = arith.constant 3 : i32
      %shift_right_arithmetic3A_294 = arith.shrsi %and3A_211, %shift_right_arithmetic3A_293 : i32
      %and3A_295 = arith.constant 7 : i32
      %and3A_296 = arith.andi %and3A_211, %and3A_295 : i32
      %swap3A_297 = arith.index_cast %shift_right_arithmetic3A_210 : i32 to index
      %swap3A_298 = arith.index_cast %shift_right_arithmetic3A_294 : i32 to index
      %swap3A_299 = arith.index_cast %and3A_296 : i32 to index
      %swap3A_300 = arith.constant 48 : index
      %swap3A_301 = tpu.vector_load %arg11[%swap3A_297, %swap3A_298, %swap3A_299, %swap3A_300] {strides = array<i32>} : memref<4x4x8x128xf32, #tpu.memory_space<vmem>>, vector<16xf32>,
      tpu.vector_store %arg11[%swap3A_297, %swap3A_298, %swap3A_299, %swap3A_300], %gather3A_238 {strides = array<i32>} : memref<4x4x8x128xf32, #tpu.memory_space<vmem>>, vector<16xf32>,
      %shift_right_arithmetic3A_302 = arith.constant 3 : i32
      %shift_right_arithmetic3A_303 = arith.shrsi %and3A_211, %shift_right_arithmetic3A_302 : i32
      %and3A_304 = arith.constant 7 : i32
      %and3A_305 = arith.andi %and3A_211, %and3A_304 : i32
      %swap3A_306 = arith.index_cast %shift_right_arithmetic3A_210 : i32 to index
      %swap3A_307 = arith.index_cast %shift_right_arithmetic3A_303 : i32 to index
      %swap3A_308 = arith.index_cast %and3A_305 : i32 to index
      %swap3A_309 = arith.constant 64 : index
      %swap3A_310 = tpu.vector_load %arg11[%swap3A_306, %swap3A_307, %swap3A_308, %swap3A_309] {strides = array<i32>} : memref<4x4x8x128xf32, #tpu.memory_space<vmem>>, vector<16xf32>,
      tpu.vector_store %arg11[%swap3A_306, %swap3A_307, %swap3A_308, %swap3A_309], %gather3A_245 {strides = array<i32>} : memref<4x4x8x128xf32, #tpu.memory_space<vmem>>, vector<16xf32>,
      %shift_right_arithmetic3A_311 = arith.constant 3 : i32
      %shift_right_arithmetic3A_312 = arith.shrsi %and3A_211, %shift_right_arithmetic3A_311 : i32
      %and3A_313 = arith.constant 7 : i32
      %and3A_314 = arith.andi %and3A_211, %and3A_313 : i32
      %swap3A_315 = arith.index_cast %shift_right_arithmetic3A_210 : i32 to index
      %swap3A_316 = arith.index_cast %shift_right_arithmetic3A_312 : i32 to index
      %swap3A_317 = arith.index_cast %and3A_314 : i32 to index
      %swap3A_318 = arith.constant 80 : index
      %swap3A_319 = tpu.vector_load %arg11[%swap3A_315, %swap3A_316, %swap3A_317, %swap3A_318] {strides = array<i32>} : memref<4x4x8x128xf32, #tpu.memory_space<vmem>>, vector<16xf32>,
      tpu.vector_store %arg11[%swap3A_315, %swap3A_316, %swap3A_317, %swap3A_318], %gather3A_252 {strides = array<i32>} : memref<4x4x8x128xf32, #tpu.memory_space<vmem>>, vector<16xf32>,
      %shift_right_arithmetic3A_320 = arith.constant 3 : i32
      %shift_right_arithmetic3A_321 = arith.shrsi %and3A_211, %shift_right_arithmetic3A_320 : i32
      %and3A_322 = arith.constant 7 : i32
      %and3A_323 = arith.andi %and3A_211, %and3A_322 : i32
      %swap3A_324 = arith.index_cast %shift_right_arithmetic3A_210 : i32 to index
      %swap3A_325 = arith.index_cast %shift_right_arithmetic3A_321 : i32 to index
      %swap3A_326 = arith.index_cast %and3A_323 : i32 to index
      %swap3A_327 = arith.constant 96 : index
      %swap3A_328 = tpu.vector_load %arg11[%swap3A_324, %swap3A_325, %swap3A_326, %swap3A_327] {strides = array<i32>} : memref<4x4x8x128xf32, #tpu.memory_space<vmem>>, vector<16xf32>,
      tpu.vector_store %arg11[%swap3A_324, %swap3A_325, %swap3A_326, %swap3A_327], %gather3A_259 {strides = array<i32>} : memref<4x4x8x128xf32, #tpu.memory_space<vmem>>, vector<16xf32>,
      %shift_right_arithmetic3A_329 = arith.constant 3 : i32
      %shift_right_arithmetic3A_330 = arith.shrsi %and3A_211, %shift_right_arithmetic3A_329 : i32
      %and3A_331 = arith.constant 7 : i32
      %and3A_332 = arith.andi %and3A_211, %and3A_331 : i32
      %swap3A_333 = arith.index_cast %shift_right_arithmetic3A_210 : i32 to index
      %swap3A_334 = arith.index_cast %shift_right_arithmetic3A_330 : i32 to index
      %swap3A_335 = arith.index_cast %and3A_332 : i32 to index
      %swap3A_336 = arith.constant 112 : index
      %swap3A_337 = tpu.vector_load %arg11[%swap3A_333, %swap3A_334, %swap3A_335, %swap3A_336] {strides = array<i32>} : memref<4x4x8x128xf32, #tpu.memory_space<vmem>>, vector<16xf32>,
      tpu.vector_store %arg11[%swap3A_333, %swap3A_334, %swap3A_335, %swap3A_336], %gather3A_266 {strides = array<i32>} : memref<4x4x8x128xf32, #tpu.memory_space<vmem>>, vector<16xf32>,
    }
    %scan3A_52 = arith.constant 128 : i32
    %dma_start3A_53 = arith.constant 0 : i32
    %dma_start3A_54 = arith.constant 0 : i32
    %dma_start3A_55 = arith.constant 0 : i32
    %dma_start3A_56 = arith.constant 0 : i32
    %dma_start3A_57 = tpu.memref_slice %arg5[%dma_start3A_53, %dma_start3A_54, %add3A, %dma_start3A_55, %dma_start3A_56] : memref<200x4x32x8x128xf32, #tpu.memory_space<hbm>> -> memref<4x4x1x8x128xf32, #tpu.memory_space<hbm>>
    %dma_start3A_58 = tpu.memref_squeeze %dma_start3A_57 : memref<4x4x1x8x128xf32, #tpu.memory_space<hbm>> -> memref<4x4x8x128xf32, #tpu.memory_space<hbm>>
    %dma_start3A_59 = arith.constant 0 : i32
    %dma_start3A_60 = arith.constant 0 : i32
    %dma_start3A_61 = arith.constant 0 : i32
    %dma_start3A_62 = arith.constant 0 : i32
    %dma_start3A_63 = tpu.memref_slice %arg5[%dma_start3A_59, %dma_start3A_60, %add3A, %dma_start3A_61, %dma_start3A_62] : memref<200x4x32x8x128xf32, #tpu.memory_space<hbm>> -> memref<4x4x1x8x128xf32, #tpu.memory_space<hbm>>
    %dma_start3A_64 = tpu.memref_squeeze %dma_start3A_63 : memref<4x4x1x8x128xf32, #tpu.memory_space<hbm>> -> memref<4x4x8x128xf32, #tpu.memory_space<hbm>>
    tpu.enqueue_dma source(%arg11 : memref<4x4x8x128xf32, #tpu.memory_space<vmem>>) target(%dma_start3A_64 : memref<4x4x8x128xf32, #tpu.memory_space<hbm>>) target_semaphore(%arg16 : memref<!tpu.dma_semaphore, #tpu.memory_space<semaphore_mem>>)
    %dma_start3A_65 = arith.constant 1024 : i32
    %dma_start3A_66 = tpu.memref_slice %arg7[%dma_start3A_65] : memref<25600xi32, #tpu.memory_space<vmem>> -> memref<512xi32, #tpu.memory_space<vmem>>
    %dma_start3A_67 = arith.constant 0 : i32
    %dma_start3A_68 = arith.constant 0 : i32
    %dma_start3A_69 = tpu.memref_slice %arg3[%dma_start3A_67, %dma_start3A_68] : memref<1000000x32xf32, #tpu.memory_space<hbm>> -> memref<1000000x32xf32, #tpu.memory_space<hbm>>
    tpu.enqueue_indirect_dma source(%dma_start3A_69 : memref<1000000x32xf32, #tpu.memory_space<hbm>>) target(%arg8 : memref<512x32xf32, #tpu.memory_space<vmem>>) offsets(%dma_start3A_66 : memref<512xi32, #tpu.memory_space<vmem>>) semaphore(%arg14 : memref<!tpu.dma_semaphore, #tpu.memory_space<semaphore_mem>>)
    %dma_wait3A_70 = arith.constant 512 : i32
    %dma_wait3A_71 = tpu.memref_slice %arg7[%dma_wait3A_70] : memref<25600xi32, #tpu.memory_space<vmem>> -> memref<512xi32, #tpu.memory_space<vmem>>
    %dma_wait3A_72 = arith.constant 0 : i32
    %dma_wait3A_73 = arith.constant 0 : i32
    %dma_wait3A_74 = tpu.memref_slice %arg3[%dma_wait3A_72, %dma_wait3A_73] : memref<1000000x32xf32, #tpu.memory_space<hbm>> -> memref<1000000x32xf32, #tpu.memory_space<hbm>>
    tpu.wait_indirect_dma semaphore(%arg15 : memref<!tpu.dma_semaphore, #tpu.memory_space<semaphore_mem>>) src(%dma_wait3A_74 : memref<1000000x32xf32, #tpu.memory_space<hbm>>) dst(%arg9 : memref<512x32xf32, #tpu.memory_space<vmem>>)
    %scan3A_75 = arith.constant 0 : i32
    %scan3A_76 = arith.constant 64 : i32
    %scan3A_77 = arith.addi %scan3A_75, %scan3A_76 : i32
    %scan3A_78 = arith.constant 1 : i32
    scf.for %scan3A_209 = %scan3A_75 to %scan3A_77 step %scan3A_78  : i32 {
      %mul3A_210 = arith.constant 8 : i32
      %mul3A_211 = arith.muli %scan3A_209, %mul3A_210 : i32
      %shift_right_arithmetic3A = arith.constant 7 : i32
      %shift_right_arithmetic3A_212 = arith.shrsi %mul3A_211, %shift_right_arithmetic3A : i32
      %add3A_213 = arith.constant 4 : i32
      %add3A_214 = arith.addi %add3A_213, %shift_right_arithmetic3A_212 : i32
      %get3A = arith.index_cast %add3A_214 : i32 to index
      %get3A_215 = arith.constant 0 : index
      %get3A_216 = tpu.vector_load %arg13[%get3A, %get3A_215] {strides = array<i32>} : memref<200x32xf32, #tpu.memory_space<vmem>>, vector<16xf32>,
      %get3A_217 = arith.index_cast %add3A_214 : i32 to index
      %get3A_218 = arith.constant 16 : index
      %get3A_219 = tpu.vector_load %arg13[%get3A_217, %get3A_218] {strides = array<i32>} : memref<200x32xf32, #tpu.memory_space<vmem>>, vector<16xf32>,
      %mul3A_220 = arith.constant 8 : i32
      %mul3A_221 = arith.muli %scan3A_209, %mul3A_220 : i32
      %add3A_222 = arith.constant 0 : i32
      %add3A_223 = arith.addi %mul3A_221, %add3A_222 : i32
      %get3A_224 = arith.index_cast %add3A_223 : i32 to index
      %get3A_225 = arith.constant 0 : index
      %get3A_226 = tpu.vector_load %arg9[%get3A_224, %get3A_225] {strides = array<i32>} : memref<512x32xf32, #tpu.memory_space<vmem>>, vector<16xf32>,
      %add3A_227 = arith.addf %get3A_226, %get3A_216 : vector<16xf32>
      %mul3A_228 = arith.constant 8 : i32
      %mul3A_229 = arith.muli %scan3A_209, %mul3A_228 : i32
      %add3A_230 = arith.constant 0 : i32
      %add3A_231 = arith.addi %mul3A_229, %add3A_230 : i32
      %get3A_232 = arith.index_cast %add3A_231 : i32 to index
      %get3A_233 = arith.constant 16 : index
      %get3A_234 = tpu.vector_load %arg9[%get3A_232, %get3A_233] {strides = array<i32>} : memref<512x32xf32, #tpu.memory_space<vmem>>, vector<16xf32>,
      %add3A_235 = arith.addf %get3A_234, %get3A_219 : vector<16xf32>
      %mul3A_236 = arith.constant 8 : i32
      %mul3A_237 = arith.muli %scan3A_209, %mul3A_236 : i32
      %add3A_238 = arith.constant 1 : i32
      %add3A_239 = arith.addi %mul3A_237, %add3A_238 : i32
      %get3A_240 = arith.index_cast %add3A_239 : i32 to index
      %get3A_241 = arith.constant 0 : index
      %get3A_242 = tpu.vector_load %arg9[%get3A_240, %get3A_241] {strides = array<i32>} : memref<512x32xf32, #tpu.memory_space<vmem>>, vector<16xf32>,
      %add3A_243 = arith.addf %get3A_242, %get3A_216 : vector<16xf32>
      %mul3A_244 = arith.constant 8 : i32
      %mul3A_245 = arith.muli %scan3A_209, %mul3A_244 : i32
      %add3A_246 = arith.constant 1 : i32
      %add3A_247 = arith.addi %mul3A_245, %add3A_246 : i32
      %get3A_248 = arith.index_cast %add3A_247 : i32 to index
      %get3A_249 = arith.constant 16 : index
      %get3A_250 = tpu.vector_load %arg9[%get3A_248, %get3A_249] {strides = array<i32>} : memref<512x32xf32, #tpu.memory_space<vmem>>, vector<16xf32>,
      %add3A_251 = arith.addf %get3A_250, %get3A_219 : vector<16xf32>
      %mul3A_252 = arith.constant 8 : i32
      %mul3A_253 = arith.muli %scan3A_209, %mul3A_252 : i32
      %add3A_254 = arith.constant 2 : i32
      %add3A_255 = arith.addi %mul3A_253, %add3A_254 : i32
      %get3A_256 = arith.index_cast %add3A_255 : i32 to index
      %get3A_257 = arith.constant 0 : index
      %get3A_258 = tpu.vector_load %arg9[%get3A_256, %get3A_257] {strides = array<i32>} : memref<512x32xf32, #tpu.memory_space<vmem>>, vector<16xf32>,
      %add3A_259 = arith.addf %get3A_258, %get3A_216 : vector<16xf32>
      %mul3A_260 = arith.constant 8 : i32
      %mul3A_261 = arith.muli %scan3A_209, %mul3A_260 : i32
      %add3A_262 = arith.constant 2 : i32
      %add3A_263 = arith.addi %mul3A_261, %add3A_262 : i32
      %get3A_264 = arith.index_cast %add3A_263 : i32 to index
      %get3A_265 = arith.constant 16 : index
      %get3A_266 = tpu.vector_load %arg9[%get3A_264, %get3A_265] {strides = array<i32>} : memref<512x32xf32, #tpu.memory_space<vmem>>, vector<16xf32>,
      %add3A_267 = arith.addf %get3A_266, %get3A_219 : vector<16xf32>
      %mul3A_268 = arith.constant 8 : i32
      %mul3A_269 = arith.muli %scan3A_209, %mul3A_268 : i32
      %add3A_270 = arith.constant 3 : i32
      %add3A_271 = arith.addi %mul3A_269, %add3A_270 : i32
      %get3A_272 = arith.index_cast %add3A_271 : i32 to index
      %get3A_273 = arith.constant 0 : index
      %get3A_274 = tpu.vector_load %arg9[%get3A_272, %get3A_273] {strides = array<i32>} : memref<512x32xf32, #tpu.memory_space<vmem>>, vector<16xf32>,
      %add3A_275 = arith.addf %get3A_274, %get3A_216 : vector<16xf32>
      %mul3A_276 = arith.constant 8 : i32
      %mul3A_277 = arith.muli %scan3A_209, %mul3A_276 : i32
      %add3A_278 = arith.constant 3 : i32
      %add3A_279 = arith.addi %mul3A_277, %add3A_278 : i32
      %get3A_280 = arith.index_cast %add3A_279 : i32 to index
      %get3A_281 = arith.constant 16 : index
      %get3A_282 = tpu.vector_load %arg9[%get3A_280, %get3A_281] {strides = array<i32>} : memref<512x32xf32, #tpu.memory_space<vmem>>, vector<16xf32>,
      %add3A_283 = arith.addf %get3A_282, %get3A_219 : vector<16xf32>
      %mul3A_284 = arith.constant 8 : i32
      %mul3A_285 = arith.muli %scan3A_209, %mul3A_284 : i32
      %add3A_286 = arith.constant 4 : i32
      %add3A_287 = arith.addi %mul3A_285, %add3A_286 : i32
      %get3A_288 = arith.index_cast %add3A_287 : i32 to index
      %get3A_289 = arith.constant 0 : index
      %get3A_290 = tpu.vector_load %arg9[%get3A_288, %get3A_289] {strides = array<i32>} : memref<512x32xf32, #tpu.memory_space<vmem>>, vector<16xf32>,
      %add3A_291 = arith.addf %get3A_290, %get3A_216 : vector<16xf32>
      %mul3A_292 = arith.constant 8 : i32
      %mul3A_293 = arith.muli %scan3A_209, %mul3A_292 : i32
      %add3A_294 = arith.constant 4 : i32
      %add3A_295 = arith.addi %mul3A_293, %add3A_294 : i32
      %get3A_296 = arith.index_cast %add3A_295 : i32 to index
      %get3A_297 = arith.constant 16 : index
      %get3A_298 = tpu.vector_load %arg9[%get3A_296, %get3A_297] {strides = array<i32>} : memref<512x32xf32, #tpu.memory_space<vmem>>, vector<16xf32>,
      %add3A_299 = arith.addf %get3A_298, %get3A_219 : vector<16xf32>
      %mul3A_300 = arith.constant 8 : i32
      %mul3A_301 = arith.muli %scan3A_209, %mul3A_300 : i32
      %add3A_302 = arith.constant 5 : i32
      %add3A_303 = arith.addi %mul3A_301, %add3A_302 : i32
      %get3A_304 = arith.index_cast %add3A_303 : i32 to index
      %get3A_305 = arith.constant 0 : index
      %get3A_306 = tpu.vector_load %arg9[%get3A_304, %get3A_305] {strides = array<i32>} : memref<512x32xf32, #tpu.memory_space<vmem>>, vector<16xf32>,
      %add3A_307 = arith.addf %get3A_306, %get3A_216 : vector<16xf32>
      %mul3A_308 = arith.constant 8 : i32
      %mul3A_309 = arith.muli %scan3A_209, %mul3A_308 : i32
      %add3A_310 = arith.constant 5 : i32
      %add3A_311 = arith.addi %mul3A_309, %add3A_310 : i32
      %get3A_312 = arith.index_cast %add3A_311 : i32 to index
      %get3A_313 = arith.constant 16 : index
      %get3A_314 = tpu.vector_load %arg9[%get3A_312, %get3A_313] {strides = array<i32>} : memref<512x32xf32, #tpu.memory_space<vmem>>, vector<16xf32>,
      %add3A_315 = arith.addf %get3A_314, %get3A_219 : vector<16xf32>
      %mul3A_316 = arith.constant 8 : i32
      %mul3A_317 = arith.muli %scan3A_209, %mul3A_316 : i32
      %add3A_318 = arith.constant 6 : i32
      %add3A_319 = arith.addi %mul3A_317, %add3A_318 : i32
      %get3A_320 = arith.index_cast %add3A_319 : i32 to index
      %get3A_321 = arith.constant 0 : index
      %get3A_322 = tpu.vector_load %arg9[%get3A_320, %get3A_321] {strides = array<i32>} : memref<512x32xf32, #tpu.memory_space<vmem>>, vector<16xf32>,
      %add3A_323 = arith.addf %get3A_322, %get3A_216 : vector<16xf32>
      %mul3A_324 = arith.constant 8 : i32
      %mul3A_325 = arith.muli %scan3A_209, %mul3A_324 : i32
      %add3A_326 = arith.constant 6 : i32
      %add3A_327 = arith.addi %mul3A_325, %add3A_326 : i32
      %get3A_328 = arith.index_cast %add3A_327 : i32 to index
      %get3A_329 = arith.constant 16 : index
      %get3A_330 = tpu.vector_load %arg9[%get3A_328, %get3A_329] {strides = array<i32>} : memref<512x32xf32, #tpu.memory_space<vmem>>, vector<16xf32>,
      %add3A_331 = arith.addf %get3A_330, %get3A_219 : vector<16xf32>
      %mul3A_332 = arith.constant 8 : i32
      %mul3A_333 = arith.muli %scan3A_209, %mul3A_332 : i32
      %add3A_334 = arith.constant 7 : i32
      %add3A_335 = arith.addi %mul3A_333, %add3A_334 : i32
      %get3A_336 = arith.index_cast %add3A_335 : i32 to index
      %get3A_337 = arith.constant 0 : index
      %get3A_338 = tpu.vector_load %arg9[%get3A_336, %get3A_337] {strides = array<i32>} : memref<512x32xf32, #tpu.memory_space<vmem>>, vector<16xf32>,
      %add3A_339 = arith.addf %get3A_338, %get3A_216 : vector<16xf32>
      %mul3A_340 = arith.constant 8 : i32
      %mul3A_341 = arith.muli %scan3A_209, %mul3A_340 : i32
      %add3A_342 = arith.constant 7 : i32
      %add3A_343 = arith.addi %mul3A_341, %add3A_342 : i32
      %get3A_344 = arith.index_cast %add3A_343 : i32 to index
      %get3A_345 = arith.constant 16 : index
      %get3A_346 = tpu.vector_load %arg9[%get3A_344, %get3A_345] {strides = array<i32>} : memref<512x32xf32, #tpu.memory_space<vmem>>, vector<16xf32>,
      %add3A_347 = arith.addf %get3A_346, %get3A_219 : vector<16xf32>
      %mul3A_348 = arith.constant 8 : i32
      %mul3A_349 = arith.muli %scan3A_209, %mul3A_348 : i32
      %add3A_350 = arith.constant 0 : i32
      %add3A_351 = arith.addi %mul3A_349, %add3A_350 : i32
      %swap3A = arith.index_cast %add3A_351 : i32 to index
      %swap3A_352 = arith.constant 0 : index
      %swap3A_353 = tpu.vector_load %arg10[%swap3A, %swap3A_352] {strides = array<i32>} : memref<512x33xf32, #tpu.memory_space<vmem>>, vector<16xf32>,
      tpu.vector_store %arg10[%swap3A, %swap3A_352], %add3A_227 {strides = array<i32>} : memref<512x33xf32, #tpu.memory_space<vmem>>, vector<16xf32>,
      %mul3A_354 = arith.constant 8 : i32
      %mul3A_355 = arith.muli %scan3A_209, %mul3A_354 : i32
      %add3A_356 = arith.constant 0 : i32
      %add3A_357 = arith.addi %mul3A_355, %add3A_356 : i32
      %swap3A_358 = arith.index_cast %add3A_357 : i32 to index
      %swap3A_359 = arith.constant 16 : index
      %swap3A_360 = tpu.vector_load %arg10[%swap3A_358, %swap3A_359] {strides = array<i32>} : memref<512x33xf32, #tpu.memory_space<vmem>>, vector<16xf32>,
      tpu.vector_store %arg10[%swap3A_358, %swap3A_359], %add3A_235 {strides = array<i32>} : memref<512x33xf32, #tpu.memory_space<vmem>>, vector<16xf32>,
      %mul3A_361 = arith.constant 8 : i32
      %mul3A_362 = arith.muli %scan3A_209, %mul3A_361 : i32
      %add3A_363 = arith.constant 1 : i32
      %add3A_364 = arith.addi %mul3A_362, %add3A_363 : i32
      %swap3A_365 = arith.index_cast %add3A_364 : i32 to index
      %swap3A_366 = arith.constant 0 : index
      %swap3A_367 = tpu.vector_load %arg10[%swap3A_365, %swap3A_366] {strides = array<i32>} : memref<512x33xf32, #tpu.memory_space<vmem>>, vector<16xf32>,
      tpu.vector_store %arg10[%swap3A_365, %swap3A_366], %add3A_243 {strides = array<i32>} : memref<512x33xf32, #tpu.memory_space<vmem>>, vector<16xf32>,
      %mul3A_368 = arith.constant 8 : i32
      %mul3A_369 = arith.muli %scan3A_209, %mul3A_368 : i32
      %add3A_370 = arith.constant 1 : i32
      %add3A_371 = arith.addi %mul3A_369, %add3A_370 : i32
      %swap3A_372 = arith.index_cast %add3A_371 : i32 to index
      %swap3A_373 = arith.constant 16 : index
      %swap3A_374 = tpu.vector_load %arg10[%swap3A_372, %swap3A_373] {strides = array<i32>} : memref<512x33xf32, #tpu.memory_space<vmem>>, vector<16xf32>,
      tpu.vector_store %arg10[%swap3A_372, %swap3A_373], %add3A_251 {strides = array<i32>} : memref<512x33xf32, #tpu.memory_space<vmem>>, vector<16xf32>,
      %mul3A_375 = arith.constant 8 : i32
      %mul3A_376 = arith.muli %scan3A_209, %mul3A_375 : i32
      %add3A_377 = arith.constant 2 : i32
      %add3A_378 = arith.addi %mul3A_376, %add3A_377 : i32
      %swap3A_379 = arith.index_cast %add3A_378 : i32 to index
      %swap3A_380 = arith.constant 0 : index
      %swap3A_381 = tpu.vector_load %arg10[%swap3A_379, %swap3A_380] {strides = array<i32>} : memref<512x33xf32, #tpu.memory_space<vmem>>, vector<16xf32>,
      tpu.vector_store %arg10[%swap3A_379, %swap3A_380], %add3A_259 {strides = array<i32>} : memref<512x33xf32, #tpu.memory_space<vmem>>, vector<16xf32>,
      %mul3A_382 = arith.constant 8 : i32
      %mul3A_383 = arith.muli %scan3A_209, %mul3A_382 : i32
      %add3A_384 = arith.constant 2 : i32
      %add3A_385 = arith.addi %mul3A_383, %add3A_384 : i32
      %swap3A_386 = arith.index_cast %add3A_385 : i32 to index
      %swap3A_387 = arith.constant 16 : index
      %swap3A_388 = tpu.vector_load %arg10[%swap3A_386, %swap3A_387] {strides = array<i32>} : memref<512x33xf32, #tpu.memory_space<vmem>>, vector<16xf32>,
      tpu.vector_store %arg10[%swap3A_386, %swap3A_387], %add3A_267 {strides = array<i32>} : memref<512x33xf32, #tpu.memory_space<vmem>>, vector<16xf32>,
      %mul3A_389 = arith.constant 8 : i32
      %mul3A_390 = arith.muli %scan3A_209, %mul3A_389 : i32
      %add3A_391 = arith.constant 3 : i32
      %add3A_392 = arith.addi %mul3A_390, %add3A_391 : i32
      %swap3A_393 = arith.index_cast %add3A_392 : i32 to index
      %swap3A_394 = arith.constant 0 : index
      %swap3A_395 = tpu.vector_load %arg10[%swap3A_393, %swap3A_394] {strides = array<i32>} : memref<512x33xf32, #tpu.memory_space<vmem>>, vector<16xf32>,
      tpu.vector_store %arg10[%swap3A_393, %swap3A_394], %add3A_275 {strides = array<i32>} : memref<512x33xf32, #tpu.memory_space<vmem>>, vector<16xf32>,
      %mul3A_396 = arith.constant 8 : i32
      %mul3A_397 = arith.muli %scan3A_209, %mul3A_396 : i32
      %add3A_398 = arith.constant 3 : i32
      %add3A_399 = arith.addi %mul3A_397, %add3A_398 : i32
      %swap3A_400 = arith.index_cast %add3A_399 : i32 to index
      %swap3A_401 = arith.constant 16 : index
      %swap3A_402 = tpu.vector_load %arg10[%swap3A_400, %swap3A_401] {strides = array<i32>} : memref<512x33xf32, #tpu.memory_space<vmem>>, vector<16xf32>,
      tpu.vector_store %arg10[%swap3A_400, %swap3A_401], %add3A_283 {strides = array<i32>} : memref<512x33xf32, #tpu.memory_space<vmem>>, vector<16xf32>,
      %mul3A_403 = arith.constant 8 : i32
      %mul3A_404 = arith.muli %scan3A_209, %mul3A_403 : i32
      %add3A_405 = arith.constant 4 : i32
      %add3A_406 = arith.addi %mul3A_404, %add3A_405 : i32
      %swap3A_407 = arith.index_cast %add3A_406 : i32 to index
      %swap3A_408 = arith.constant 0 : index
      %swap3A_409 = tpu.vector_load %arg10[%swap3A_407, %swap3A_408] {strides = array<i32>} : memref<512x33xf32, #tpu.memory_space<vmem>>, vector<16xf32>,
      tpu.vector_store %arg10[%swap3A_407, %swap3A_408], %add3A_291 {strides = array<i32>} : memref<512x33xf32, #tpu.memory_space<vmem>>, vector<16xf32>,
      %mul3A_410 = arith.constant 8 : i32
      %mul3A_411 = arith.muli %scan3A_209, %mul3A_410 : i32
      %add3A_412 = arith.constant 4 : i32
      %add3A_413 = arith.addi %mul3A_411, %add3A_412 : i32
      %swap3A_414 = arith.index_cast %add3A_413 : i32 to index
      %swap3A_415 = arith.constant 16 : index
      %swap3A_416 = tpu.vector_load %arg10[%swap3A_414, %swap3A_415] {strides = array<i32>} : memref<512x33xf32, #tpu.memory_space<vmem>>, vector<16xf32>,
      tpu.vector_store %arg10[%swap3A_414, %swap3A_415], %add3A_299 {strides = array<i32>} : memref<512x33xf32, #tpu.memory_space<vmem>>, vector<16xf32>,
      %mul3A_417 = arith.constant 8 : i32
      %mul3A_418 = arith.muli %scan3A_209, %mul3A_417 : i32
      %add3A_419 = arith.constant 5 : i32
      %add3A_420 = arith.addi %mul3A_418, %add3A_419 : i32
      %swap3A_421 = arith.index_cast %add3A_420 : i32 to index
      %swap3A_422 = arith.constant 0 : index
      %swap3A_423 = tpu.vector_load %arg10[%swap3A_421, %swap3A_422] {strides = array<i32>} : memref<512x33xf32, #tpu.memory_space<vmem>>, vector<16xf32>,
      tpu.vector_store %arg10[%swap3A_421, %swap3A_422], %add3A_307 {strides = array<i32>} : memref<512x33xf32, #tpu.memory_space<vmem>>, vector<16xf32>,
      %mul3A_424 = arith.constant 8 : i32
      %mul3A_425 = arith.muli %scan3A_209, %mul3A_424 : i32
      %add3A_426 = arith.constant 5 : i32
      %add3A_427 = arith.addi %mul3A_425, %add3A_426 : i32
      %swap3A_428 = arith.index_cast %add3A_427 : i32 to index
      %swap3A_429 = arith.constant 16 : index
      %swap3A_430 = tpu.vector_load %arg10[%swap3A_428, %swap3A_429] {strides = array<i32>} : memref<512x33xf32, #tpu.memory_space<vmem>>, vector<16xf32>,
      tpu.vector_store %arg10[%swap3A_428, %swap3A_429], %add3A_315 {strides = array<i32>} : memref<512x33xf32, #tpu.memory_space<vmem>>, vector<16xf32>,
      %mul3A_431 = arith.constant 8 : i32
      %mul3A_432 = arith.muli %scan3A_209, %mul3A_431 : i32
      %add3A_433 = arith.constant 6 : i32
      %add3A_434 = arith.addi %mul3A_432, %add3A_433 : i32
      %swap3A_435 = arith.index_cast %add3A_434 : i32 to index
      %swap3A_436 = arith.constant 0 : index
      %swap3A_437 = tpu.vector_load %arg10[%swap3A_435, %swap3A_436] {strides = array<i32>} : memref<512x33xf32, #tpu.memory_space<vmem>>, vector<16xf32>,
      tpu.vector_store %arg10[%swap3A_435, %swap3A_436], %add3A_323 {strides = array<i32>} : memref<512x33xf32, #tpu.memory_space<vmem>>, vector<16xf32>,
      %mul3A_438 = arith.constant 8 : i32
      %mul3A_439 = arith.muli %scan3A_209, %mul3A_438 : i32
      %add3A_440 = arith.constant 6 : i32
      %add3A_441 = arith.addi %mul3A_439, %add3A_440 : i32
      %swap3A_442 = arith.index_cast %add3A_441 : i32 to index
      %swap3A_443 = arith.constant 16 : index
      %swap3A_444 = tpu.vector_load %arg10[%swap3A_442, %swap3A_443] {strides = array<i32>} : memref<512x33xf32, #tpu.memory_space<vmem>>, vector<16xf32>,
      tpu.vector_store %arg10[%swap3A_442, %swap3A_443], %add3A_331 {strides = array<i32>} : memref<512x33xf32, #tpu.memory_space<vmem>>, vector<16xf32>,
      %mul3A_445 = arith.constant 8 : i32
      %mul3A_446 = arith.muli %scan3A_209, %mul3A_445 : i32
      %add3A_447 = arith.constant 7 : i32
      %add3A_448 = arith.addi %mul3A_446, %add3A_447 : i32
      %swap3A_449 = arith.index_cast %add3A_448 : i32 to index
      %swap3A_450 = arith.constant 0 : index
      %swap3A_451 = tpu.vector_load %arg10[%swap3A_449, %swap3A_450] {strides = array<i32>} : memref<512x33xf32, #tpu.memory_space<vmem>>, vector<16xf32>,
      tpu.vector_store %arg10[%swap3A_449, %swap3A_450], %add3A_339 {strides = array<i32>} : memref<512x33xf32, #tpu.memory_space<vmem>>, vector<16xf32>,
      %mul3A_452 = arith.constant 8 : i32
      %mul3A_453 = arith.muli %scan3A_209, %mul3A_452 : i32
      %add3A_454 = arith.constant 7 : i32
      %add3A_455 = arith.addi %mul3A_453, %add3A_454 : i32
      %swap3A_456 = arith.index_cast %add3A_455 : i32 to index
      %swap3A_457 = arith.constant 16 : index
      %swap3A_458 = tpu.vector_load %arg10[%swap3A_456, %swap3A_457] {strides = array<i32>} : memref<512x33xf32, #tpu.memory_space<vmem>>, vector<16xf32>,
      tpu.vector_store %arg10[%swap3A_456, %swap3A_457], %add3A_347 {strides = array<i32>} : memref<512x33xf32, #tpu.memory_space<vmem>>, vector<16xf32>,
    }
    %scan3A_79 = arith.constant 64 : i32
    %scan3A_80 = arith.constant 0 : i32
    %scan3A_81 = arith.constant 128 : i32
    %scan3A_82 = arith.addi %scan3A_80, %scan3A_81 : i32
    %scan3A_83 = arith.constant 1 : i32
    scf.for %scan3A_209 = %scan3A_80 to %scan3A_82 step %scan3A_83  : i32 {
      %shift_right_arithmetic3A = arith.constant 5 : i32
      %shift_right_arithmetic3A_210 = arith.shrsi %scan3A_209, %shift_right_arithmetic3A : i32
      %and3A = arith.constant 31 : i32
      %and3A_211 = arith.andi %scan3A_209, %and3A : i32
      %broadcast_in_dim3A = vector.broadcast %and3A_211 : i32 to vector<16xi32>
      %mul3A_212 = arith.constant 128 : i32
      %mul3A_213 = arith.muli %shift_right_arithmetic3A_210, %mul3A_212 : i32
      %add3A_214 = arith.constant 0 : i32
      %add3A_215 = arith.addi %mul3A_213, %add3A_214 : i32
      %gather3A = arith.constant 0 : i32
      %gather3A_216 = tpu.memref_slice %arg10[%add3A_215, %gather3A] : memref<512x33xf32, #tpu.memory_space<vmem>> -> memref<16x33xf32, #tpu.memory_space<vmem>>
      %gather3A_217 = tpu.vector_load_idx %gather3A_216[%iota3A, %broadcast_in_dim3A] : memref<16x33xf32, #tpu.memory_space<vmem>>[vector<16xi32>, vector<16xi32>], vector<16xf32>,
      %mul3A_218 = arith.constant 128 : i32
      %mul3A_219 = arith.muli %shift_right_arithmetic3A_210, %mul3A_218 : i32
      %add3A_220 = arith.constant 16 : i32
      %add3A_221 = arith.addi %mul3A_219, %add3A_220 : i32
      %gather3A_222 = arith.constant 0 : i32
      %gather3A_223 = tpu.memref_slice %arg10[%add3A_221, %gather3A_222] : memref<512x33xf32, #tpu.memory_space<vmem>> -> memref<16x33xf32, #tpu.memory_space<vmem>>
      %gather3A_224 = tpu.vector_load_idx %gather3A_223[%iota3A, %broadcast_in_dim3A] : memref<16x33xf32, #tpu.memory_space<vmem>>[vector<16xi32>, vector<16xi32>], vector<16xf32>,
      %mul3A_225 = arith.constant 128 : i32
      %mul3A_226 = arith.muli %shift_right_arithmetic3A_210, %mul3A_225 : i32
      %add3A_227 = arith.constant 32 : i32
      %add3A_228 = arith.addi %mul3A_226, %add3A_227 : i32
      %gather3A_229 = arith.constant 0 : i32
      %gather3A_230 = tpu.memref_slice %arg10[%add3A_228, %gather3A_229] : memref<512x33xf32, #tpu.memory_space<vmem>> -> memref<16x33xf32, #tpu.memory_space<vmem>>
      %gather3A_231 = tpu.vector_load_idx %gather3A_230[%iota3A, %broadcast_in_dim3A] : memref<16x33xf32, #tpu.memory_space<vmem>>[vector<16xi32>, vector<16xi32>], vector<16xf32>,
      %mul3A_232 = arith.constant 128 : i32
      %mul3A_233 = arith.muli %shift_right_arithmetic3A_210, %mul3A_232 : i32
      %add3A_234 = arith.constant 48 : i32
      %add3A_235 = arith.addi %mul3A_233, %add3A_234 : i32
      %gather3A_236 = arith.constant 0 : i32
      %gather3A_237 = tpu.memref_slice %arg10[%add3A_235, %gather3A_236] : memref<512x33xf32, #tpu.memory_space<vmem>> -> memref<16x33xf32, #tpu.memory_space<vmem>>
      %gather3A_238 = tpu.vector_load_idx %gather3A_237[%iota3A, %broadcast_in_dim3A] : memref<16x33xf32, #tpu.memory_space<vmem>>[vector<16xi32>, vector<16xi32>], vector<16xf32>,
      %mul3A_239 = arith.constant 128 : i32
      %mul3A_240 = arith.muli %shift_right_arithmetic3A_210, %mul3A_239 : i32
      %add3A_241 = arith.constant 64 : i32
      %add3A_242 = arith.addi %mul3A_240, %add3A_241 : i32
      %gather3A_243 = arith.constant 0 : i32
      %gather3A_244 = tpu.memref_slice %arg10[%add3A_242, %gather3A_243] : memref<512x33xf32, #tpu.memory_space<vmem>> -> memref<16x33xf32, #tpu.memory_space<vmem>>
      %gather3A_245 = tpu.vector_load_idx %gather3A_244[%iota3A, %broadcast_in_dim3A] : memref<16x33xf32, #tpu.memory_space<vmem>>[vector<16xi32>, vector<16xi32>], vector<16xf32>,
      %mul3A_246 = arith.constant 128 : i32
      %mul3A_247 = arith.muli %shift_right_arithmetic3A_210, %mul3A_246 : i32
      %add3A_248 = arith.constant 80 : i32
      %add3A_249 = arith.addi %mul3A_247, %add3A_248 : i32
      %gather3A_250 = arith.constant 0 : i32
      %gather3A_251 = tpu.memref_slice %arg10[%add3A_249, %gather3A_250] : memref<512x33xf32, #tpu.memory_space<vmem>> -> memref<16x33xf32, #tpu.memory_space<vmem>>
      %gather3A_252 = tpu.vector_load_idx %gather3A_251[%iota3A, %broadcast_in_dim3A] : memref<16x33xf32, #tpu.memory_space<vmem>>[vector<16xi32>, vector<16xi32>], vector<16xf32>,
      %mul3A_253 = arith.constant 128 : i32
      %mul3A_254 = arith.muli %shift_right_arithmetic3A_210, %mul3A_253 : i32
      %add3A_255 = arith.constant 96 : i32
      %add3A_256 = arith.addi %mul3A_254, %add3A_255 : i32
      %gather3A_257 = arith.constant 0 : i32
      %gather3A_258 = tpu.memref_slice %arg10[%add3A_256, %gather3A_257] : memref<512x33xf32, #tpu.memory_space<vmem>> -> memref<16x33xf32, #tpu.memory_space<vmem>>
      %gather3A_259 = tpu.vector_load_idx %gather3A_258[%iota3A, %broadcast_in_dim3A] : memref<16x33xf32, #tpu.memory_space<vmem>>[vector<16xi32>, vector<16xi32>], vector<16xf32>,
      %mul3A_260 = arith.constant 128 : i32
      %mul3A_261 = arith.muli %shift_right_arithmetic3A_210, %mul3A_260 : i32
      %add3A_262 = arith.constant 112 : i32
      %add3A_263 = arith.addi %mul3A_261, %add3A_262 : i32
      %gather3A_264 = arith.constant 0 : i32
      %gather3A_265 = tpu.memref_slice %arg10[%add3A_263, %gather3A_264] : memref<512x33xf32, #tpu.memory_space<vmem>> -> memref<16x33xf32, #tpu.memory_space<vmem>>
      %gather3A_266 = tpu.vector_load_idx %gather3A_265[%iota3A, %broadcast_in_dim3A] : memref<16x33xf32, #tpu.memory_space<vmem>>[vector<16xi32>, vector<16xi32>], vector<16xf32>,
      %shift_right_arithmetic3A_267 = arith.constant 3 : i32
      %shift_right_arithmetic3A_268 = arith.shrsi %and3A_211, %shift_right_arithmetic3A_267 : i32
      %and3A_269 = arith.constant 7 : i32
      %and3A_270 = arith.andi %and3A_211, %and3A_269 : i32
      %swap3A = arith.index_cast %shift_right_arithmetic3A_210 : i32 to index
      %swap3A_271 = arith.index_cast %shift_right_arithmetic3A_268 : i32 to index
      %swap3A_272 = arith.index_cast %and3A_270 : i32 to index
      %swap3A_273 = arith.constant 0 : index
      %swap3A_274 = tpu.vector_load %arg12[%swap3A, %swap3A_271, %swap3A_272, %swap3A_273] {strides = array<i32>} : memref<4x4x8x128xf32, #tpu.memory_space<vmem>>, vector<16xf32>,
      tpu.vector_store %arg12[%swap3A, %swap3A_271, %swap3A_272, %swap3A_273], %gather3A_217 {strides = array<i32>} : memref<4x4x8x128xf32, #tpu.memory_space<vmem>>, vector<16xf32>,
      %shift_right_arithmetic3A_275 = arith.constant 3 : i32
      %shift_right_arithmetic3A_276 = arith.shrsi %and3A_211, %shift_right_arithmetic3A_275 : i32
      %and3A_277 = arith.constant 7 : i32
      %and3A_278 = arith.andi %and3A_211, %and3A_277 : i32
      %swap3A_279 = arith.index_cast %shift_right_arithmetic3A_210 : i32 to index
      %swap3A_280 = arith.index_cast %shift_right_arithmetic3A_276 : i32 to index
      %swap3A_281 = arith.index_cast %and3A_278 : i32 to index
      %swap3A_282 = arith.constant 16 : index
      %swap3A_283 = tpu.vector_load %arg12[%swap3A_279, %swap3A_280, %swap3A_281, %swap3A_282] {strides = array<i32>} : memref<4x4x8x128xf32, #tpu.memory_space<vmem>>, vector<16xf32>,
      tpu.vector_store %arg12[%swap3A_279, %swap3A_280, %swap3A_281, %swap3A_282], %gather3A_224 {strides = array<i32>} : memref<4x4x8x128xf32, #tpu.memory_space<vmem>>, vector<16xf32>,
      %shift_right_arithmetic3A_284 = arith.constant 3 : i32
      %shift_right_arithmetic3A_285 = arith.shrsi %and3A_211, %shift_right_arithmetic3A_284 : i32
      %and3A_286 = arith.constant 7 : i32
      %and3A_287 = arith.andi %and3A_211, %and3A_286 : i32
      %swap3A_288 = arith.index_cast %shift_right_arithmetic3A_210 : i32 to index
      %swap3A_289 = arith.index_cast %shift_right_arithmetic3A_285 : i32 to index
      %swap3A_290 = arith.index_cast %and3A_287 : i32 to index
      %swap3A_291 = arith.constant 32 : index
      %swap3A_292 = tpu.vector_load %arg12[%swap3A_288, %swap3A_289, %swap3A_290, %swap3A_291] {strides = array<i32>} : memref<4x4x8x128xf32, #tpu.memory_space<vmem>>, vector<16xf32>,
      tpu.vector_store %arg12[%swap3A_288, %swap3A_289, %swap3A_290, %swap3A_291], %gather3A_231 {strides = array<i32>} : memref<4x4x8x128xf32, #tpu.memory_space<vmem>>, vector<16xf32>,
      %shift_right_arithmetic3A_293 = arith.constant 3 : i32
      %shift_right_arithmetic3A_294 = arith.shrsi %and3A_211, %shift_right_arithmetic3A_293 : i32
      %and3A_295 = arith.constant 7 : i32
      %and3A_296 = arith.andi %and3A_211, %and3A_295 : i32
      %swap3A_297 = arith.index_cast %shift_right_arithmetic3A_210 : i32 to index
      %swap3A_298 = arith.index_cast %shift_right_arithmetic3A_294 : i32 to index
      %swap3A_299 = arith.index_cast %and3A_296 : i32 to index
      %swap3A_300 = arith.constant 48 : index
      %swap3A_301 = tpu.vector_load %arg12[%swap3A_297, %swap3A_298, %swap3A_299, %swap3A_300] {strides = array<i32>} : memref<4x4x8x128xf32, #tpu.memory_space<vmem>>, vector<16xf32>,
      tpu.vector_store %arg12[%swap3A_297, %swap3A_298, %swap3A_299, %swap3A_300], %gather3A_238 {strides = array<i32>} : memref<4x4x8x128xf32, #tpu.memory_space<vmem>>, vector<16xf32>,
      %shift_right_arithmetic3A_302 = arith.constant 3 : i32
      %shift_right_arithmetic3A_303 = arith.shrsi %and3A_211, %shift_right_arithmetic3A_302 : i32
      %and3A_304 = arith.constant 7 : i32
      %and3A_305 = arith.andi %and3A_211, %and3A_304 : i32
      %swap3A_306 = arith.index_cast %shift_right_arithmetic3A_210 : i32 to index
      %swap3A_307 = arith.index_cast %shift_right_arithmetic3A_303 : i32 to index
      %swap3A_308 = arith.index_cast %and3A_305 : i32 to index
      %swap3A_309 = arith.constant 64 : index
      %swap3A_310 = tpu.vector_load %arg12[%swap3A_306, %swap3A_307, %swap3A_308, %swap3A_309] {strides = array<i32>} : memref<4x4x8x128xf32, #tpu.memory_space<vmem>>, vector<16xf32>,
      tpu.vector_store %arg12[%swap3A_306, %swap3A_307, %swap3A_308, %swap3A_309], %gather3A_245 {strides = array<i32>} : memref<4x4x8x128xf32, #tpu.memory_space<vmem>>, vector<16xf32>,
      %shift_right_arithmetic3A_311 = arith.constant 3 : i32
      %shift_right_arithmetic3A_312 = arith.shrsi %and3A_211, %shift_right_arithmetic3A_311 : i32
      %and3A_313 = arith.constant 7 : i32
      %and3A_314 = arith.andi %and3A_211, %and3A_313 : i32
      %swap3A_315 = arith.index_cast %shift_right_arithmetic3A_210 : i32 to index
      %swap3A_316 = arith.index_cast %shift_right_arithmetic3A_312 : i32 to index
      %swap3A_317 = arith.index_cast %and3A_314 : i32 to index
      %swap3A_318 = arith.constant 80 : index
      %swap3A_319 = tpu.vector_load %arg12[%swap3A_315, %swap3A_316, %swap3A_317, %swap3A_318] {strides = array<i32>} : memref<4x4x8x128xf32, #tpu.memory_space<vmem>>, vector<16xf32>,
      tpu.vector_store %arg12[%swap3A_315, %swap3A_316, %swap3A_317, %swap3A_318], %gather3A_252 {strides = array<i32>} : memref<4x4x8x128xf32, #tpu.memory_space<vmem>>, vector<16xf32>,
      %shift_right_arithmetic3A_320 = arith.constant 3 : i32
      %shift_right_arithmetic3A_321 = arith.shrsi %and3A_211, %shift_right_arithmetic3A_320 : i32
      %and3A_322 = arith.constant 7 : i32
      %and3A_323 = arith.andi %and3A_211, %and3A_322 : i32
      %swap3A_324 = arith.index_cast %shift_right_arithmetic3A_210 : i32 to index
      %swap3A_325 = arith.index_cast %shift_right_arithmetic3A_321 : i32 to index
      %swap3A_326 = arith.index_cast %and3A_323 : i32 to index
      %swap3A_327 = arith.constant 96 : index
      %swap3A_328 = tpu.vector_load %arg12[%swap3A_324, %swap3A_325, %swap3A_326, %swap3A_327] {strides = array<i32>} : memref<4x4x8x128xf32, #tpu.memory_space<vmem>>, vector<16xf32>,
      tpu.vector_store %arg12[%swap3A_324, %swap3A_325, %swap3A_326, %swap3A_327], %gather3A_259 {strides = array<i32>} : memref<4x4x8x128xf32, #tpu.memory_space<vmem>>, vector<16xf32>,
      %shift_right_arithmetic3A_329 = arith.constant 3 : i32
      %shift_right_arithmetic3A_330 = arith.shrsi %and3A_211, %shift_right_arithmetic3A_329 : i32
      %and3A_331 = arith.constant 7 : i32
      %and3A_332 = arith.andi %and3A_211, %and3A_331 : i32
      %swap3A_333 = arith.index_cast %shift_right_arithmetic3A_210 : i32 to index
      %swap3A_334 = arith.index_cast %shift_right_arithmetic3A_330 : i32 to index
      %swap3A_335 = arith.index_cast %and3A_332 : i32 to index
      %swap3A_336 = arith.constant 112 : index
      %swap3A_337 = tpu.vector_load %arg12[%swap3A_333, %swap3A_334, %swap3A_335, %swap3A_336] {strides = array<i32>} : memref<4x4x8x128xf32, #tpu.memory_space<vmem>>, vector<16xf32>,
      tpu.vector_store %arg12[%swap3A_333, %swap3A_334, %swap3A_335, %swap3A_336], %gather3A_266 {strides = array<i32>} : memref<4x4x8x128xf32, #tpu.memory_space<vmem>>, vector<16xf32>,
    }
    %scan3A_84 = arith.constant 128 : i32
    %dma_start3A_85 = arith.constant 4 : i32
    %dma_start3A_86 = arith.constant 0 : i32
    %dma_start3A_87 = arith.constant 0 : i32
    %dma_start3A_88 = arith.constant 0 : i32
    %dma_start3A_89 = tpu.memref_slice %arg5[%dma_start3A_85, %dma_start3A_86, %add3A, %dma_start3A_87, %dma_start3A_88] : memref<200x4x32x8x128xf32, #tpu.memory_space<hbm>> -> memref<4x4x1x8x128xf32, #tpu.memory_space<hbm>>
    %dma_start3A_90 = tpu.memref_squeeze %dma_start3A_89 : memref<4x4x1x8x128xf32, #tpu.memory_space<hbm>> -> memref<4x4x8x128xf32, #tpu.memory_space<hbm>>
    %dma_start3A_91 = arith.constant 4 : i32
    %dma_start3A_92 = arith.constant 0 : i32
    %dma_start3A_93 = arith.constant 0 : i32
    %dma_start3A_94 = arith.constant 0 : i32
    %dma_start3A_95 = tpu.memref_slice %arg5[%dma_start3A_91, %dma_start3A_92, %add3A, %dma_start3A_93, %dma_start3A_94] : memref<200x4x32x8x128xf32, #tpu.memory_space<hbm>> -> memref<4x4x1x8x128xf32, #tpu.memory_space<hbm>>
    %dma_start3A_96 = tpu.memref_squeeze %dma_start3A_95 : memref<4x4x1x8x128xf32, #tpu.memory_space<hbm>> -> memref<4x4x8x128xf32, #tpu.memory_space<hbm>>
    tpu.enqueue_dma source(%arg12 : memref<4x4x8x128xf32, #tpu.memory_space<vmem>>) target(%dma_start3A_96 : memref<4x4x8x128xf32, #tpu.memory_space<hbm>>) target_semaphore(%arg17 : memref<!tpu.dma_semaphore, #tpu.memory_space<semaphore_mem>>)
    %scan3A_97 = arith.constant 1 : i32
    %scan3A_98 = arith.constant 23 : i32
    %scan3A_99 = arith.addi %scan3A_97, %scan3A_98 : i32
    %scan3A_100 = arith.constant 1 : i32
    scf.for %scan3A_209 = %scan3A_97 to %scan3A_99 step %scan3A_100  : i32 {
      %mul3A_210 = arith.constant 2 : i32
      %mul3A_211 = arith.muli %scan3A_209, %mul3A_210 : i32
      %add3A_212 = arith.constant 0 : i32
      %add3A_213 = arith.addi %mul3A_211, %add3A_212 : i32
      %sub3A = arith.constant 2 : i32
      %sub3A_214 = arith.subi %add3A_213, %sub3A : i32
      %mul3A_215 = arith.constant 4 : i32
      %mul3A_216 = arith.muli %sub3A_214, %mul3A_215 : i32
      %dma_wait3A_217 = arith.constant 0 : i32
      %dma_wait3A_218 = arith.constant 0 : i32
      %dma_wait3A_219 = arith.constant 0 : i32
      %dma_wait3A_220 = tpu.memref_slice %arg5[%mul3A_216, %dma_wait3A_217, %add3A, %dma_wait3A_218, %dma_wait3A_219] : memref<200x4x32x8x128xf32, #tpu.memory_space<hbm>> -> memref<4x4x1x8x128xf32, #tpu.memory_space<hbm>>
      %dma_wait3A_221 = tpu.memref_squeeze %dma_wait3A_220 : memref<4x4x1x8x128xf32, #tpu.memory_space<hbm>> -> memref<4x4x8x128xf32, #tpu.memory_space<hbm>>
      %dma_wait3A_222 = arith.constant 0 : i32
      %dma_wait3A_223 = arith.constant 0 : i32
      %dma_wait3A_224 = arith.constant 0 : i32
      %dma_wait3A_225 = tpu.memref_slice %arg5[%mul3A_216, %dma_wait3A_222, %add3A, %dma_wait3A_223, %dma_wait3A_224] : memref<200x4x32x8x128xf32, #tpu.memory_space<hbm>> -> memref<4x4x1x8x128xf32, #tpu.memory_space<hbm>>
      %dma_wait3A_226 = tpu.memref_squeeze %dma_wait3A_225 : memref<4x4x1x8x128xf32, #tpu.memory_space<hbm>> -> memref<4x4x8x128xf32, #tpu.memory_space<hbm>>
      tpu.wait_dma2 semaphore(%arg16 : memref<!tpu.dma_semaphore, #tpu.memory_space<semaphore_mem>>) src(%arg11 : memref<4x4x8x128xf32, #tpu.memory_space<vmem>>) dst(%dma_wait3A_226 : memref<4x4x8x128xf32, #tpu.memory_space<hbm>>)
      %add3A_227 = arith.constant 0 : i32
      %add3A_228 = arith.addi %mul3A_211, %add3A_227 : i32
      %add3A_229 = arith.constant 1 : i32
      %add3A_230 = arith.addi %add3A_228, %add3A_229 : i32
      %mul3A_231 = arith.constant 512 : i32
      %mul3A_232 = arith.muli %add3A_230, %mul3A_231 : i32
      %dma_start3A_233 = tpu.memref_slice %arg7[%mul3A_232] : memref<25600xi32, #tpu.memory_space<vmem>> -> memref<512xi32, #tpu.memory_space<vmem>>
      %dma_start3A_234 = arith.constant 0 : i32
      %dma_start3A_235 = arith.constant 0 : i32
      %dma_start3A_236 = tpu.memref_slice %arg3[%dma_start3A_234, %dma_start3A_235] : memref<1000000x32xf32, #tpu.memory_space<hbm>> -> memref<1000000x32xf32, #tpu.memory_space<hbm>>
      tpu.enqueue_indirect_dma source(%dma_start3A_236 : memref<1000000x32xf32, #tpu.memory_space<hbm>>) target(%arg9 : memref<512x32xf32, #tpu.memory_space<vmem>>) offsets(%dma_start3A_233 : memref<512xi32, #tpu.memory_space<vmem>>) semaphore(%arg15 : memref<!tpu.dma_semaphore, #tpu.memory_space<semaphore_mem>>)
      %add3A_237 = arith.constant 0 : i32
      %add3A_238 = arith.addi %mul3A_211, %add3A_237 : i32
      %mul3A_239 = arith.constant 512 : i32
      %mul3A_240 = arith.muli %add3A_238, %mul3A_239 : i32
      %dma_wait3A_241 = tpu.memref_slice %arg7[%mul3A_240] : memref<25600xi32, #tpu.memory_space<vmem>> -> memref<512xi32, #tpu.memory_space<vmem>>
      %dma_wait3A_242 = arith.constant 0 : i32
      %dma_wait3A_243 = arith.constant 0 : i32
      %dma_wait3A_244 = tpu.memref_slice %arg3[%dma_wait3A_242, %dma_wait3A_243] : memref<1000000x32xf32, #tpu.memory_space<hbm>> -> memref<1000000x32xf32, #tpu.memory_space<hbm>>
      tpu.wait_indirect_dma semaphore(%arg14 : memref<!tpu.dma_semaphore, #tpu.memory_space<semaphore_mem>>) src(%dma_wait3A_244 : memref<1000000x32xf32, #tpu.memory_space<hbm>>) dst(%arg8 : memref<512x32xf32, #tpu.memory_space<vmem>>)
      %add3A_245 = arith.constant 0 : i32
      %add3A_246 = arith.addi %mul3A_211, %add3A_245 : i32
      %scan3A_247 = arith.constant 0 : i32
      %scan3A_248 = arith.constant 64 : i32
      %scan3A_249 = arith.addi %scan3A_247, %scan3A_248 : i32
      %scan3A_250 = arith.constant 1 : i32
      scf.for %scan3A_331 = %scan3A_247 to %scan3A_249 step %scan3A_250  : i32 {
        %mul3A_332 = arith.constant 4 : i32
        %mul3A_333 = arith.muli %add3A_246, %mul3A_332 : i32
        %mul3A_334 = arith.constant 8 : i32
        %mul3A_335 = arith.muli %scan3A_331, %mul3A_334 : i32
        %shift_right_arithmetic3A = arith.constant 7 : i32
        %shift_right_arithmetic3A_336 = arith.shrsi %mul3A_335, %shift_right_arithmetic3A : i32
        %add3A_337 = arith.addi %mul3A_333, %shift_right_arithmetic3A_336 : i32
        %get3A = arith.index_cast %add3A_337 : i32 to index
        %get3A_338 = arith.constant 0 : index
        %get3A_339 = tpu.vector_load %arg13[%get3A, %get3A_338] {strides = array<i32>} : memref<200x32xf32, #tpu.memory_space<vmem>>, vector<16xf32>,
        %get3A_340 = arith.index_cast %add3A_337 : i32 to index
        %get3A_341 = arith.constant 16 : index
        %get3A_342 = tpu.vector_load %arg13[%get3A_340, %get3A_341] {strides = array<i32>} : memref<200x32xf32, #tpu.memory_space<vmem>>, vector<16xf32>,
        %mul3A_343 = arith.constant 8 : i32
        %mul3A_344 = arith.muli %scan3A_331, %mul3A_343 : i32
        %add3A_345 = arith.constant 0 : i32
        %add3A_346 = arith.addi %mul3A_344, %add3A_345 : i32
        %get3A_347 = arith.index_cast %add3A_346 : i32 to index
        %get3A_348 = arith.constant 0 : index
        %get3A_349 = tpu.vector_load %arg8[%get3A_347, %get3A_348] {strides = array<i32>} : memref<512x32xf32, #tpu.memory_space<vmem>>, vector<16xf32>,
        %add3A_350 = arith.addf %get3A_349, %get3A_339 : vector<16xf32>
        %mul3A_351 = arith.constant 8 : i32
        %mul3A_352 = arith.muli %scan3A_331, %mul3A_351 : i32
        %add3A_353 = arith.constant 0 : i32
        %add3A_354 = arith.addi %mul3A_352, %add3A_353 : i32
        %get3A_355 = arith.index_cast %add3A_354 : i32 to index
        %get3A_356 = arith.constant 16 : index
        %get3A_357 = tpu.vector_load %arg8[%get3A_355, %get3A_356] {strides = array<i32>} : memref<512x32xf32, #tpu.memory_space<vmem>>, vector<16xf32>,
        %add3A_358 = arith.addf %get3A_357, %get3A_342 : vector<16xf32>
        %mul3A_359 = arith.constant 8 : i32
        %mul3A_360 = arith.muli %scan3A_331, %mul3A_359 : i32
        %add3A_361 = arith.constant 1 : i32
        %add3A_362 = arith.addi %mul3A_360, %add3A_361 : i32
        %get3A_363 = arith.index_cast %add3A_362 : i32 to index
        %get3A_364 = arith.constant 0 : index
        %get3A_365 = tpu.vector_load %arg8[%get3A_363, %get3A_364] {strides = array<i32>} : memref<512x32xf32, #tpu.memory_space<vmem>>, vector<16xf32>,
        %add3A_366 = arith.addf %get3A_365, %get3A_339 : vector<16xf32>
        %mul3A_367 = arith.constant 8 : i32
        %mul3A_368 = arith.muli %scan3A_331, %mul3A_367 : i32
        %add3A_369 = arith.constant 1 : i32
        %add3A_370 = arith.addi %mul3A_368, %add3A_369 : i32
        %get3A_371 = arith.index_cast %add3A_370 : i32 to index
        %get3A_372 = arith.constant 16 : index
        %get3A_373 = tpu.vector_load %arg8[%get3A_371, %get3A_372] {strides = array<i32>} : memref<512x32xf32, #tpu.memory_space<vmem>>, vector<16xf32>,
        %add3A_374 = arith.addf %get3A_373, %get3A_342 : vector<16xf32>
        %mul3A_375 = arith.constant 8 : i32
        %mul3A_376 = arith.muli %scan3A_331, %mul3A_375 : i32
        %add3A_377 = arith.constant 2 : i32
        %add3A_378 = arith.addi %mul3A_376, %add3A_377 : i32
        %get3A_379 = arith.index_cast %add3A_378 : i32 to index
        %get3A_380 = arith.constant 0 : index
        %get3A_381 = tpu.vector_load %arg8[%get3A_379, %get3A_380] {strides = array<i32>} : memref<512x32xf32, #tpu.memory_space<vmem>>, vector<16xf32>,
        %add3A_382 = arith.addf %get3A_381, %get3A_339 : vector<16xf32>
        %mul3A_383 = arith.constant 8 : i32
        %mul3A_384 = arith.muli %scan3A_331, %mul3A_383 : i32
        %add3A_385 = arith.constant 2 : i32
        %add3A_386 = arith.addi %mul3A_384, %add3A_385 : i32
        %get3A_387 = arith.index_cast %add3A_386 : i32 to index
        %get3A_388 = arith.constant 16 : index
        %get3A_389 = tpu.vector_load %arg8[%get3A_387, %get3A_388] {strides = array<i32>} : memref<512x32xf32, #tpu.memory_space<vmem>>, vector<16xf32>,
        %add3A_390 = arith.addf %get3A_389, %get3A_342 : vector<16xf32>
        %mul3A_391 = arith.constant 8 : i32
        %mul3A_392 = arith.muli %scan3A_331, %mul3A_391 : i32
        %add3A_393 = arith.constant 3 : i32
        %add3A_394 = arith.addi %mul3A_392, %add3A_393 : i32
        %get3A_395 = arith.index_cast %add3A_394 : i32 to index
        %get3A_396 = arith.constant 0 : index
        %get3A_397 = tpu.vector_load %arg8[%get3A_395, %get3A_396] {strides = array<i32>} : memref<512x32xf32, #tpu.memory_space<vmem>>, vector<16xf32>,
        %add3A_398 = arith.addf %get3A_397, %get3A_339 : vector<16xf32>
        %mul3A_399 = arith.constant 8 : i32
        %mul3A_400 = arith.muli %scan3A_331, %mul3A_399 : i32
        %add3A_401 = arith.constant 3 : i32
        %add3A_402 = arith.addi %mul3A_400, %add3A_401 : i32
        %get3A_403 = arith.index_cast %add3A_402 : i32 to index
        %get3A_404 = arith.constant 16 : index
        %get3A_405 = tpu.vector_load %arg8[%get3A_403, %get3A_404] {strides = array<i32>} : memref<512x32xf32, #tpu.memory_space<vmem>>, vector<16xf32>,
        %add3A_406 = arith.addf %get3A_405, %get3A_342 : vector<16xf32>
        %mul3A_407 = arith.constant 8 : i32
        %mul3A_408 = arith.muli %scan3A_331, %mul3A_407 : i32
        %add3A_409 = arith.constant 4 : i32
        %add3A_410 = arith.addi %mul3A_408, %add3A_409 : i32
        %get3A_411 = arith.index_cast %add3A_410 : i32 to index
        %get3A_412 = arith.constant 0 : index
        %get3A_413 = tpu.vector_load %arg8[%get3A_411, %get3A_412] {strides = array<i32>} : memref<512x32xf32, #tpu.memory_space<vmem>>, vector<16xf32>,
        %add3A_414 = arith.addf %get3A_413, %get3A_339 : vector<16xf32>
        %mul3A_415 = arith.constant 8 : i32
        %mul3A_416 = arith.muli %scan3A_331, %mul3A_415 : i32
        %add3A_417 = arith.constant 4 : i32
        %add3A_418 = arith.addi %mul3A_416, %add3A_417 : i32
        %get3A_419 = arith.index_cast %add3A_418 : i32 to index
        %get3A_420 = arith.constant 16 : index
        %get3A_421 = tpu.vector_load %arg8[%get3A_419, %get3A_420] {strides = array<i32>} : memref<512x32xf32, #tpu.memory_space<vmem>>, vector<16xf32>,
        %add3A_422 = arith.addf %get3A_421, %get3A_342 : vector<16xf32>
        %mul3A_423 = arith.constant 8 : i32
        %mul3A_424 = arith.muli %scan3A_331, %mul3A_423 : i32
        %add3A_425 = arith.constant 5 : i32
        %add3A_426 = arith.addi %mul3A_424, %add3A_425 : i32
        %get3A_427 = arith.index_cast %add3A_426 : i32 to index
        %get3A_428 = arith.constant 0 : index
        %get3A_429 = tpu.vector_load %arg8[%get3A_427, %get3A_428] {strides = array<i32>} : memref<512x32xf32, #tpu.memory_space<vmem>>, vector<16xf32>,
        %add3A_430 = arith.addf %get3A_429, %get3A_339 : vector<16xf32>
        %mul3A_431 = arith.constant 8 : i32
        %mul3A_432 = arith.muli %scan3A_331, %mul3A_431 : i32
        %add3A_433 = arith.constant 5 : i32
        %add3A_434 = arith.addi %mul3A_432, %add3A_433 : i32
        %get3A_435 = arith.index_cast %add3A_434 : i32 to index
        %get3A_436 = arith.constant 16 : index
        %get3A_437 = tpu.vector_load %arg8[%get3A_435, %get3A_436] {strides = array<i32>} : memref<512x32xf32, #tpu.memory_space<vmem>>, vector<16xf32>,
        %add3A_438 = arith.addf %get3A_437, %get3A_342 : vector<16xf32>
        %mul3A_439 = arith.constant 8 : i32
        %mul3A_440 = arith.muli %scan3A_331, %mul3A_439 : i32
        %add3A_441 = arith.constant 6 : i32
        %add3A_442 = arith.addi %mul3A_440, %add3A_441 : i32
        %get3A_443 = arith.index_cast %add3A_442 : i32 to index
        %get3A_444 = arith.constant 0 : index
        %get3A_445 = tpu.vector_load %arg8[%get3A_443, %get3A_444] {strides = array<i32>} : memref<512x32xf32, #tpu.memory_space<vmem>>, vector<16xf32>,
        %add3A_446 = arith.addf %get3A_445, %get3A_339 : vector<16xf32>
        %mul3A_447 = arith.constant 8 : i32
        %mul3A_448 = arith.muli %scan3A_331, %mul3A_447 : i32
        %add3A_449 = arith.constant 6 : i32
        %add3A_450 = arith.addi %mul3A_448, %add3A_449 : i32
        %get3A_451 = arith.index_cast %add3A_450 : i32 to index
        %get3A_452 = arith.constant 16 : index
        %get3A_453 = tpu.vector_load %arg8[%get3A_451, %get3A_452] {strides = array<i32>} : memref<512x32xf32, #tpu.memory_space<vmem>>, vector<16xf32>,
        %add3A_454 = arith.addf %get3A_453, %get3A_342 : vector<16xf32>
        %mul3A_455 = arith.constant 8 : i32
        %mul3A_456 = arith.muli %scan3A_331, %mul3A_455 : i32
        %add3A_457 = arith.constant 7 : i32
        %add3A_458 = arith.addi %mul3A_456, %add3A_457 : i32
        %get3A_459 = arith.index_cast %add3A_458 : i32 to index
        %get3A_460 = arith.constant 0 : index
        %get3A_461 = tpu.vector_load %arg8[%get3A_459, %get3A_460] {strides = array<i32>} : memref<512x32xf32, #tpu.memory_space<vmem>>, vector<16xf32>,
        %add3A_462 = arith.addf %get3A_461, %get3A_339 : vector<16xf32>
        %mul3A_463 = arith.constant 8 : i32
        %mul3A_464 = arith.muli %scan3A_331, %mul3A_463 : i32
        %add3A_465 = arith.constant 7 : i32
        %add3A_466 = arith.addi %mul3A_464, %add3A_465 : i32
        %get3A_467 = arith.index_cast %add3A_466 : i32 to index
        %get3A_468 = arith.constant 16 : index
        %get3A_469 = tpu.vector_load %arg8[%get3A_467, %get3A_468] {strides = array<i32>} : memref<512x32xf32, #tpu.memory_space<vmem>>, vector<16xf32>,
        %add3A_470 = arith.addf %get3A_469, %get3A_342 : vector<16xf32>
        %mul3A_471 = arith.constant 8 : i32
        %mul3A_472 = arith.muli %scan3A_331, %mul3A_471 : i32
        %add3A_473 = arith.constant 0 : i32
        %add3A_474 = arith.addi %mul3A_472, %add3A_473 : i32
        %swap3A = arith.index_cast %add3A_474 : i32 to index
        %swap3A_475 = arith.constant 0 : index
        %swap3A_476 = tpu.vector_load %arg10[%swap3A, %swap3A_475] {strides = array<i32>} : memref<512x33xf32, #tpu.memory_space<vmem>>, vector<16xf32>,
        tpu.vector_store %arg10[%swap3A, %swap3A_475], %add3A_350 {strides = array<i32>} : memref<512x33xf32, #tpu.memory_space<vmem>>, vector<16xf32>,
        %mul3A_477 = arith.constant 8 : i32
        %mul3A_478 = arith.muli %scan3A_331, %mul3A_477 : i32
        %add3A_479 = arith.constant 0 : i32
        %add3A_480 = arith.addi %mul3A_478, %add3A_479 : i32
        %swap3A_481 = arith.index_cast %add3A_480 : i32 to index
        %swap3A_482 = arith.constant 16 : index
        %swap3A_483 = tpu.vector_load %arg10[%swap3A_481, %swap3A_482] {strides = array<i32>} : memref<512x33xf32, #tpu.memory_space<vmem>>, vector<16xf32>,
        tpu.vector_store %arg10[%swap3A_481, %swap3A_482], %add3A_358 {strides = array<i32>} : memref<512x33xf32, #tpu.memory_space<vmem>>, vector<16xf32>,
        %mul3A_484 = arith.constant 8 : i32
        %mul3A_485 = arith.muli %scan3A_331, %mul3A_484 : i32
        %add3A_486 = arith.constant 1 : i32
        %add3A_487 = arith.addi %mul3A_485, %add3A_486 : i32
        %swap3A_488 = arith.index_cast %add3A_487 : i32 to index
        %swap3A_489 = arith.constant 0 : index
        %swap3A_490 = tpu.vector_load %arg10[%swap3A_488, %swap3A_489] {strides = array<i32>} : memref<512x33xf32, #tpu.memory_space<vmem>>, vector<16xf32>,
        tpu.vector_store %arg10[%swap3A_488, %swap3A_489], %add3A_366 {strides = array<i32>} : memref<512x33xf32, #tpu.memory_space<vmem>>, vector<16xf32>,
        %mul3A_491 = arith.constant 8 : i32
        %mul3A_492 = arith.muli %scan3A_331, %mul3A_491 : i32
        %add3A_493 = arith.constant 1 : i32
        %add3A_494 = arith.addi %mul3A_492, %add3A_493 : i32
        %swap3A_495 = arith.index_cast %add3A_494 : i32 to index
        %swap3A_496 = arith.constant 16 : index
        %swap3A_497 = tpu.vector_load %arg10[%swap3A_495, %swap3A_496] {strides = array<i32>} : memref<512x33xf32, #tpu.memory_space<vmem>>, vector<16xf32>,
        tpu.vector_store %arg10[%swap3A_495, %swap3A_496], %add3A_374 {strides = array<i32>} : memref<512x33xf32, #tpu.memory_space<vmem>>, vector<16xf32>,
        %mul3A_498 = arith.constant 8 : i32
        %mul3A_499 = arith.muli %scan3A_331, %mul3A_498 : i32
        %add3A_500 = arith.constant 2 : i32
        %add3A_501 = arith.addi %mul3A_499, %add3A_500 : i32
        %swap3A_502 = arith.index_cast %add3A_501 : i32 to index
        %swap3A_503 = arith.constant 0 : index
        %swap3A_504 = tpu.vector_load %arg10[%swap3A_502, %swap3A_503] {strides = array<i32>} : memref<512x33xf32, #tpu.memory_space<vmem>>, vector<16xf32>,
        tpu.vector_store %arg10[%swap3A_502, %swap3A_503], %add3A_382 {strides = array<i32>} : memref<512x33xf32, #tpu.memory_space<vmem>>, vector<16xf32>,
        %mul3A_505 = arith.constant 8 : i32
        %mul3A_506 = arith.muli %scan3A_331, %mul3A_505 : i32
        %add3A_507 = arith.constant 2 : i32
        %add3A_508 = arith.addi %mul3A_506, %add3A_507 : i32
        %swap3A_509 = arith.index_cast %add3A_508 : i32 to index
        %swap3A_510 = arith.constant 16 : index
        %swap3A_511 = tpu.vector_load %arg10[%swap3A_509, %swap3A_510] {strides = array<i32>} : memref<512x33xf32, #tpu.memory_space<vmem>>, vector<16xf32>,
        tpu.vector_store %arg10[%swap3A_509, %swap3A_510], %add3A_390 {strides = array<i32>} : memref<512x33xf32, #tpu.memory_space<vmem>>, vector<16xf32>,
        %mul3A_512 = arith.constant 8 : i32
        %mul3A_513 = arith.muli %scan3A_331, %mul3A_512 : i32
        %add3A_514 = arith.constant 3 : i32
        %add3A_515 = arith.addi %mul3A_513, %add3A_514 : i32
        %swap3A_516 = arith.index_cast %add3A_515 : i32 to index
        %swap3A_517 = arith.constant 0 : index
        %swap3A_518 = tpu.vector_load %arg10[%swap3A_516, %swap3A_517] {strides = array<i32>} : memref<512x33xf32, #tpu.memory_space<vmem>>, vector<16xf32>,
        tpu.vector_store %arg10[%swap3A_516, %swap3A_517], %add3A_398 {strides = array<i32>} : memref<512x33xf32, #tpu.memory_space<vmem>>, vector<16xf32>,
        %mul3A_519 = arith.constant 8 : i32
        %mul3A_520 = arith.muli %scan3A_331, %mul3A_519 : i32
        %add3A_521 = arith.constant 3 : i32
        %add3A_522 = arith.addi %mul3A_520, %add3A_521 : i32
        %swap3A_523 = arith.index_cast %add3A_522 : i32 to index
        %swap3A_524 = arith.constant 16 : index
        %swap3A_525 = tpu.vector_load %arg10[%swap3A_523, %swap3A_524] {strides = array<i32>} : memref<512x33xf32, #tpu.memory_space<vmem>>, vector<16xf32>,
        tpu.vector_store %arg10[%swap3A_523, %swap3A_524], %add3A_406 {strides = array<i32>} : memref<512x33xf32, #tpu.memory_space<vmem>>, vector<16xf32>,
        %mul3A_526 = arith.constant 8 : i32
        %mul3A_527 = arith.muli %scan3A_331, %mul3A_526 : i32
        %add3A_528 = arith.constant 4 : i32
        %add3A_529 = arith.addi %mul3A_527, %add3A_528 : i32
        %swap3A_530 = arith.index_cast %add3A_529 : i32 to index
        %swap3A_531 = arith.constant 0 : index
        %swap3A_532 = tpu.vector_load %arg10[%swap3A_530, %swap3A_531] {strides = array<i32>} : memref<512x33xf32, #tpu.memory_space<vmem>>, vector<16xf32>,
        tpu.vector_store %arg10[%swap3A_530, %swap3A_531], %add3A_414 {strides = array<i32>} : memref<512x33xf32, #tpu.memory_space<vmem>>, vector<16xf32>,
        %mul3A_533 = arith.constant 8 : i32
        %mul3A_534 = arith.muli %scan3A_331, %mul3A_533 : i32
        %add3A_535 = arith.constant 4 : i32
        %add3A_536 = arith.addi %mul3A_534, %add3A_535 : i32
        %swap3A_537 = arith.index_cast %add3A_536 : i32 to index
        %swap3A_538 = arith.constant 16 : index
        %swap3A_539 = tpu.vector_load %arg10[%swap3A_537, %swap3A_538] {strides = array<i32>} : memref<512x33xf32, #tpu.memory_space<vmem>>, vector<16xf32>,
        tpu.vector_store %arg10[%swap3A_537, %swap3A_538], %add3A_422 {strides = array<i32>} : memref<512x33xf32, #tpu.memory_space<vmem>>, vector<16xf32>,
        %mul3A_540 = arith.constant 8 : i32
        %mul3A_541 = arith.muli %scan3A_331, %mul3A_540 : i32
        %add3A_542 = arith.constant 5 : i32
        %add3A_543 = arith.addi %mul3A_541, %add3A_542 : i32
        %swap3A_544 = arith.index_cast %add3A_543 : i32 to index
        %swap3A_545 = arith.constant 0 : index
        %swap3A_546 = tpu.vector_load %arg10[%swap3A_544, %swap3A_545] {strides = array<i32>} : memref<512x33xf32, #tpu.memory_space<vmem>>, vector<16xf32>,
        tpu.vector_store %arg10[%swap3A_544, %swap3A_545], %add3A_430 {strides = array<i32>} : memref<512x33xf32, #tpu.memory_space<vmem>>, vector<16xf32>,
        %mul3A_547 = arith.constant 8 : i32
        %mul3A_548 = arith.muli %scan3A_331, %mul3A_547 : i32
        %add3A_549 = arith.constant 5 : i32
        %add3A_550 = arith.addi %mul3A_548, %add3A_549 : i32
        %swap3A_551 = arith.index_cast %add3A_550 : i32 to index
        %swap3A_552 = arith.constant 16 : index
        %swap3A_553 = tpu.vector_load %arg10[%swap3A_551, %swap3A_552] {strides = array<i32>} : memref<512x33xf32, #tpu.memory_space<vmem>>, vector<16xf32>,
        tpu.vector_store %arg10[%swap3A_551, %swap3A_552], %add3A_438 {strides = array<i32>} : memref<512x33xf32, #tpu.memory_space<vmem>>, vector<16xf32>,
        %mul3A_554 = arith.constant 8 : i32
        %mul3A_555 = arith.muli %scan3A_331, %mul3A_554 : i32
        %add3A_556 = arith.constant 6 : i32
        %add3A_557 = arith.addi %mul3A_555, %add3A_556 : i32
        %swap3A_558 = arith.index_cast %add3A_557 : i32 to index
        %swap3A_559 = arith.constant 0 : index
        %swap3A_560 = tpu.vector_load %arg10[%swap3A_558, %swap3A_559] {strides = array<i32>} : memref<512x33xf32, #tpu.memory_space<vmem>>, vector<16xf32>,
        tpu.vector_store %arg10[%swap3A_558, %swap3A_559], %add3A_446 {strides = array<i32>} : memref<512x33xf32, #tpu.memory_space<vmem>>, vector<16xf32>,
        %mul3A_561 = arith.constant 8 : i32
        %mul3A_562 = arith.muli %scan3A_331, %mul3A_561 : i32
        %add3A_563 = arith.constant 6 : i32
        %add3A_564 = arith.addi %mul3A_562, %add3A_563 : i32
        %swap3A_565 = arith.index_cast %add3A_564 : i32 to index
        %swap3A_566 = arith.constant 16 : index
        %swap3A_567 = tpu.vector_load %arg10[%swap3A_565, %swap3A_566] {strides = array<i32>} : memref<512x33xf32, #tpu.memory_space<vmem>>, vector<16xf32>,
        tpu.vector_store %arg10[%swap3A_565, %swap3A_566], %add3A_454 {strides = array<i32>} : memref<512x33xf32, #tpu.memory_space<vmem>>, vector<16xf32>,
        %mul3A_568 = arith.constant 8 : i32
        %mul3A_569 = arith.muli %scan3A_331, %mul3A_568 : i32
        %add3A_570 = arith.constant 7 : i32
        %add3A_571 = arith.addi %mul3A_569, %add3A_570 : i32
        %swap3A_572 = arith.index_cast %add3A_571 : i32 to index
        %swap3A_573 = arith.constant 0 : index
        %swap3A_574 = tpu.vector_load %arg10[%swap3A_572, %swap3A_573] {strides = array<i32>} : memref<512x33xf32, #tpu.memory_space<vmem>>, vector<16xf32>,
        tpu.vector_store %arg10[%swap3A_572, %swap3A_573], %add3A_462 {strides = array<i32>} : memref<512x33xf32, #tpu.memory_space<vmem>>, vector<16xf32>,
        %mul3A_575 = arith.constant 8 : i32
        %mul3A_576 = arith.muli %scan3A_331, %mul3A_575 : i32
        %add3A_577 = arith.constant 7 : i32
        %add3A_578 = arith.addi %mul3A_576, %add3A_577 : i32
        %swap3A_579 = arith.index_cast %add3A_578 : i32 to index
        %swap3A_580 = arith.constant 16 : index
        %swap3A_581 = tpu.vector_load %arg10[%swap3A_579, %swap3A_580] {strides = array<i32>} : memref<512x33xf32, #tpu.memory_space<vmem>>, vector<16xf32>,
        tpu.vector_store %arg10[%swap3A_579, %swap3A_580], %add3A_470 {strides = array<i32>} : memref<512x33xf32, #tpu.memory_space<vmem>>, vector<16xf32>,
      }
      %scan3A_251 = arith.constant 64 : i32
      %scan3A_252 = arith.constant 0 : i32
      %scan3A_253 = arith.constant 128 : i32
      %scan3A_254 = arith.addi %scan3A_252, %scan3A_253 : i32
      %scan3A_255 = arith.constant 1 : i32
      scf.for %scan3A_331 = %scan3A_252 to %scan3A_254 step %scan3A_255  : i32 {
        %shift_right_arithmetic3A = arith.constant 5 : i32
        %shift_right_arithmetic3A_332 = arith.shrsi %scan3A_331, %shift_right_arithmetic3A : i32
        %and3A = arith.constant 31 : i32
        %and3A_333 = arith.andi %scan3A_331, %and3A : i32
        %broadcast_in_dim3A = vector.broadcast %and3A_333 : i32 to vector<16xi32>
        %mul3A_334 = arith.constant 128 : i32
        %mul3A_335 = arith.muli %shift_right_arithmetic3A_332, %mul3A_334 : i32
        %add3A_336 = arith.constant 0 : i32
        %add3A_337 = arith.addi %mul3A_335, %add3A_336 : i32
        %gather3A = arith.constant 0 : i32
        %gather3A_338 = tpu.memref_slice %arg10[%add3A_337, %gather3A] : memref<512x33xf32, #tpu.memory_space<vmem>> -> memref<16x33xf32, #tpu.memory_space<vmem>>
        %gather3A_339 = tpu.vector_load_idx %gather3A_338[%iota3A, %broadcast_in_dim3A] : memref<16x33xf32, #tpu.memory_space<vmem>>[vector<16xi32>, vector<16xi32>], vector<16xf32>,
        %mul3A_340 = arith.constant 128 : i32
        %mul3A_341 = arith.muli %shift_right_arithmetic3A_332, %mul3A_340 : i32
        %add3A_342 = arith.constant 16 : i32
        %add3A_343 = arith.addi %mul3A_341, %add3A_342 : i32
        %gather3A_344 = arith.constant 0 : i32
        %gather3A_345 = tpu.memref_slice %arg10[%add3A_343, %gather3A_344] : memref<512x33xf32, #tpu.memory_space<vmem>> -> memref<16x33xf32, #tpu.memory_space<vmem>>
        %gather3A_346 = tpu.vector_load_idx %gather3A_345[%iota3A, %broadcast_in_dim3A] : memref<16x33xf32, #tpu.memory_space<vmem>>[vector<16xi32>, vector<16xi32>], vector<16xf32>,
        %mul3A_347 = arith.constant 128 : i32
        %mul3A_348 = arith.muli %shift_right_arithmetic3A_332, %mul3A_347 : i32
        %add3A_349 = arith.constant 32 : i32
        %add3A_350 = arith.addi %mul3A_348, %add3A_349 : i32
        %gather3A_351 = arith.constant 0 : i32
        %gather3A_352 = tpu.memref_slice %arg10[%add3A_350, %gather3A_351] : memref<512x33xf32, #tpu.memory_space<vmem>> -> memref<16x33xf32, #tpu.memory_space<vmem>>
        %gather3A_353 = tpu.vector_load_idx %gather3A_352[%iota3A, %broadcast_in_dim3A] : memref<16x33xf32, #tpu.memory_space<vmem>>[vector<16xi32>, vector<16xi32>], vector<16xf32>,
        %mul3A_354 = arith.constant 128 : i32
        %mul3A_355 = arith.muli %shift_right_arithmetic3A_332, %mul3A_354 : i32
        %add3A_356 = arith.constant 48 : i32
        %add3A_357 = arith.addi %mul3A_355, %add3A_356 : i32
        %gather3A_358 = arith.constant 0 : i32
        %gather3A_359 = tpu.memref_slice %arg10[%add3A_357, %gather3A_358] : memref<512x33xf32, #tpu.memory_space<vmem>> -> memref<16x33xf32, #tpu.memory_space<vmem>>
        %gather3A_360 = tpu.vector_load_idx %gather3A_359[%iota3A, %broadcast_in_dim3A] : memref<16x33xf32, #tpu.memory_space<vmem>>[vector<16xi32>, vector<16xi32>], vector<16xf32>,
        %mul3A_361 = arith.constant 128 : i32
        %mul3A_362 = arith.muli %shift_right_arithmetic3A_332, %mul3A_361 : i32
        %add3A_363 = arith.constant 64 : i32
        %add3A_364 = arith.addi %mul3A_362, %add3A_363 : i32
        %gather3A_365 = arith.constant 0 : i32
        %gather3A_366 = tpu.memref_slice %arg10[%add3A_364, %gather3A_365] : memref<512x33xf32, #tpu.memory_space<vmem>> -> memref<16x33xf32, #tpu.memory_space<vmem>>
        %gather3A_367 = tpu.vector_load_idx %gather3A_366[%iota3A, %broadcast_in_dim3A] : memref<16x33xf32, #tpu.memory_space<vmem>>[vector<16xi32>, vector<16xi32>], vector<16xf32>,
        %mul3A_368 = arith.constant 128 : i32
        %mul3A_369 = arith.muli %shift_right_arithmetic3A_332, %mul3A_368 : i32
        %add3A_370 = arith.constant 80 : i32
        %add3A_371 = arith.addi %mul3A_369, %add3A_370 : i32
        %gather3A_372 = arith.constant 0 : i32
        %gather3A_373 = tpu.memref_slice %arg10[%add3A_371, %gather3A_372] : memref<512x33xf32, #tpu.memory_space<vmem>> -> memref<16x33xf32, #tpu.memory_space<vmem>>
        %gather3A_374 = tpu.vector_load_idx %gather3A_373[%iota3A, %broadcast_in_dim3A] : memref<16x33xf32, #tpu.memory_space<vmem>>[vector<16xi32>, vector<16xi32>], vector<16xf32>,
        %mul3A_375 = arith.constant 128 : i32
        %mul3A_376 = arith.muli %shift_right_arithmetic3A_332, %mul3A_375 : i32
        %add3A_377 = arith.constant 96 : i32
        %add3A_378 = arith.addi %mul3A_376, %add3A_377 : i32
        %gather3A_379 = arith.constant 0 : i32
        %gather3A_380 = tpu.memref_slice %arg10[%add3A_378, %gather3A_379] : memref<512x33xf32, #tpu.memory_space<vmem>> -> memref<16x33xf32, #tpu.memory_space<vmem>>
        %gather3A_381 = tpu.vector_load_idx %gather3A_380[%iota3A, %broadcast_in_dim3A] : memref<16x33xf32, #tpu.memory_space<vmem>>[vector<16xi32>, vector<16xi32>], vector<16xf32>,
        %mul3A_382 = arith.constant 128 : i32
        %mul3A_383 = arith.muli %shift_right_arithmetic3A_332, %mul3A_382 : i32
        %add3A_384 = arith.constant 112 : i32
        %add3A_385 = arith.addi %mul3A_383, %add3A_384 : i32
        %gather3A_386 = arith.constant 0 : i32
        %gather3A_387 = tpu.memref_slice %arg10[%add3A_385, %gather3A_386] : memref<512x33xf32, #tpu.memory_space<vmem>> -> memref<16x33xf32, #tpu.memory_space<vmem>>
        %gather3A_388 = tpu.vector_load_idx %gather3A_387[%iota3A, %broadcast_in_dim3A] : memref<16x33xf32, #tpu.memory_space<vmem>>[vector<16xi32>, vector<16xi32>], vector<16xf32>,
        %shift_right_arithmetic3A_389 = arith.constant 3 : i32
        %shift_right_arithmetic3A_390 = arith.shrsi %and3A_333, %shift_right_arithmetic3A_389 : i32
        %and3A_391 = arith.constant 7 : i32
        %and3A_392 = arith.andi %and3A_333, %and3A_391 : i32
        %swap3A = arith.index_cast %shift_right_arithmetic3A_332 : i32 to index
        %swap3A_393 = arith.index_cast %shift_right_arithmetic3A_390 : i32 to index
        %swap3A_394 = arith.index_cast %and3A_392 : i32 to index
        %swap3A_395 = arith.constant 0 : index
        %swap3A_396 = tpu.vector_load %arg11[%swap3A, %swap3A_393, %swap3A_394, %swap3A_395] {strides = array<i32>} : memref<4x4x8x128xf32, #tpu.memory_space<vmem>>, vector<16xf32>,
        tpu.vector_store %arg11[%swap3A, %swap3A_393, %swap3A_394, %swap3A_395], %gather3A_339 {strides = array<i32>} : memref<4x4x8x128xf32, #tpu.memory_space<vmem>>, vector<16xf32>,
        %shift_right_arithmetic3A_397 = arith.constant 3 : i32
        %shift_right_arithmetic3A_398 = arith.shrsi %and3A_333, %shift_right_arithmetic3A_397 : i32
        %and3A_399 = arith.constant 7 : i32
        %and3A_400 = arith.andi %and3A_333, %and3A_399 : i32
        %swap3A_401 = arith.index_cast %shift_right_arithmetic3A_332 : i32 to index
        %swap3A_402 = arith.index_cast %shift_right_arithmetic3A_398 : i32 to index
        %swap3A_403 = arith.index_cast %and3A_400 : i32 to index
        %swap3A_404 = arith.constant 16 : index
        %swap3A_405 = tpu.vector_load %arg11[%swap3A_401, %swap3A_402, %swap3A_403, %swap3A_404] {strides = array<i32>} : memref<4x4x8x128xf32, #tpu.memory_space<vmem>>, vector<16xf32>,
        tpu.vector_store %arg11[%swap3A_401, %swap3A_402, %swap3A_403, %swap3A_404], %gather3A_346 {strides = array<i32>} : memref<4x4x8x128xf32, #tpu.memory_space<vmem>>, vector<16xf32>,
        %shift_right_arithmetic3A_406 = arith.constant 3 : i32
        %shift_right_arithmetic3A_407 = arith.shrsi %and3A_333, %shift_right_arithmetic3A_406 : i32
        %and3A_408 = arith.constant 7 : i32
        %and3A_409 = arith.andi %and3A_333, %and3A_408 : i32
        %swap3A_410 = arith.index_cast %shift_right_arithmetic3A_332 : i32 to index
        %swap3A_411 = arith.index_cast %shift_right_arithmetic3A_407 : i32 to index
        %swap3A_412 = arith.index_cast %and3A_409 : i32 to index
        %swap3A_413 = arith.constant 32 : index
        %swap3A_414 = tpu.vector_load %arg11[%swap3A_410, %swap3A_411, %swap3A_412, %swap3A_413] {strides = array<i32>} : memref<4x4x8x128xf32, #tpu.memory_space<vmem>>, vector<16xf32>,
        tpu.vector_store %arg11[%swap3A_410, %swap3A_411, %swap3A_412, %swap3A_413], %gather3A_353 {strides = array<i32>} : memref<4x4x8x128xf32, #tpu.memory_space<vmem>>, vector<16xf32>,
        %shift_right_arithmetic3A_415 = arith.constant 3 : i32
        %shift_right_arithmetic3A_416 = arith.shrsi %and3A_333, %shift_right_arithmetic3A_415 : i32
        %and3A_417 = arith.constant 7 : i32
        %and3A_418 = arith.andi %and3A_333, %and3A_417 : i32
        %swap3A_419 = arith.index_cast %shift_right_arithmetic3A_332 : i32 to index
        %swap3A_420 = arith.index_cast %shift_right_arithmetic3A_416 : i32 to index
        %swap3A_421 = arith.index_cast %and3A_418 : i32 to index
        %swap3A_422 = arith.constant 48 : index
        %swap3A_423 = tpu.vector_load %arg11[%swap3A_419, %swap3A_420, %swap3A_421, %swap3A_422] {strides = array<i32>} : memref<4x4x8x128xf32, #tpu.memory_space<vmem>>, vector<16xf32>,
        tpu.vector_store %arg11[%swap3A_419, %swap3A_420, %swap3A_421, %swap3A_422], %gather3A_360 {strides = array<i32>} : memref<4x4x8x128xf32, #tpu.memory_space<vmem>>, vector<16xf32>,
        %shift_right_arithmetic3A_424 = arith.constant 3 : i32
        %shift_right_arithmetic3A_425 = arith.shrsi %and3A_333, %shift_right_arithmetic3A_424 : i32
        %and3A_426 = arith.constant 7 : i32
        %and3A_427 = arith.andi %and3A_333, %and3A_426 : i32
        %swap3A_428 = arith.index_cast %shift_right_arithmetic3A_332 : i32 to index
        %swap3A_429 = arith.index_cast %shift_right_arithmetic3A_425 : i32 to index
        %swap3A_430 = arith.index_cast %and3A_427 : i32 to index
        %swap3A_431 = arith.constant 64 : index
        %swap3A_432 = tpu.vector_load %arg11[%swap3A_428, %swap3A_429, %swap3A_430, %swap3A_431] {strides = array<i32>} : memref<4x4x8x128xf32, #tpu.memory_space<vmem>>, vector<16xf32>,
        tpu.vector_store %arg11[%swap3A_428, %swap3A_429, %swap3A_430, %swap3A_431], %gather3A_367 {strides = array<i32>} : memref<4x4x8x128xf32, #tpu.memory_space<vmem>>, vector<16xf32>,
        %shift_right_arithmetic3A_433 = arith.constant 3 : i32
        %shift_right_arithmetic3A_434 = arith.shrsi %and3A_333, %shift_right_arithmetic3A_433 : i32
        %and3A_435 = arith.constant 7 : i32
        %and3A_436 = arith.andi %and3A_333, %and3A_435 : i32
        %swap3A_437 = arith.index_cast %shift_right_arithmetic3A_332 : i32 to index
        %swap3A_438 = arith.index_cast %shift_right_arithmetic3A_434 : i32 to index
        %swap3A_439 = arith.index_cast %and3A_436 : i32 to index
        %swap3A_440 = arith.constant 80 : index
        %swap3A_441 = tpu.vector_load %arg11[%swap3A_437, %swap3A_438, %swap3A_439, %swap3A_440] {strides = array<i32>} : memref<4x4x8x128xf32, #tpu.memory_space<vmem>>, vector<16xf32>,
        tpu.vector_store %arg11[%swap3A_437, %swap3A_438, %swap3A_439, %swap3A_440], %gather3A_374 {strides = array<i32>} : memref<4x4x8x128xf32, #tpu.memory_space<vmem>>, vector<16xf32>,
        %shift_right_arithmetic3A_442 = arith.constant 3 : i32
        %shift_right_arithmetic3A_443 = arith.shrsi %and3A_333, %shift_right_arithmetic3A_442 : i32
        %and3A_444 = arith.constant 7 : i32
        %and3A_445 = arith.andi %and3A_333, %and3A_444 : i32
        %swap3A_446 = arith.index_cast %shift_right_arithmetic3A_332 : i32 to index
        %swap3A_447 = arith.index_cast %shift_right_arithmetic3A_443 : i32 to index
        %swap3A_448 = arith.index_cast %and3A_445 : i32 to index
        %swap3A_449 = arith.constant 96 : index
        %swap3A_450 = tpu.vector_load %arg11[%swap3A_446, %swap3A_447, %swap3A_448, %swap3A_449] {strides = array<i32>} : memref<4x4x8x128xf32, #tpu.memory_space<vmem>>, vector<16xf32>,
        tpu.vector_store %arg11[%swap3A_446, %swap3A_447, %swap3A_448, %swap3A_449], %gather3A_381 {strides = array<i32>} : memref<4x4x8x128xf32, #tpu.memory_space<vmem>>, vector<16xf32>,
        %shift_right_arithmetic3A_451 = arith.constant 3 : i32
        %shift_right_arithmetic3A_452 = arith.shrsi %and3A_333, %shift_right_arithmetic3A_451 : i32
        %and3A_453 = arith.constant 7 : i32
        %and3A_454 = arith.andi %and3A_333, %and3A_453 : i32
        %swap3A_455 = arith.index_cast %shift_right_arithmetic3A_332 : i32 to index
        %swap3A_456 = arith.index_cast %shift_right_arithmetic3A_452 : i32 to index
        %swap3A_457 = arith.index_cast %and3A_454 : i32 to index
        %swap3A_458 = arith.constant 112 : index
        %swap3A_459 = tpu.vector_load %arg11[%swap3A_455, %swap3A_456, %swap3A_457, %swap3A_458] {strides = array<i32>} : memref<4x4x8x128xf32, #tpu.memory_space<vmem>>, vector<16xf32>,
        tpu.vector_store %arg11[%swap3A_455, %swap3A_456, %swap3A_457, %swap3A_458], %gather3A_388 {strides = array<i32>} : memref<4x4x8x128xf32, #tpu.memory_space<vmem>>, vector<16xf32>,
      }
      %scan3A_256 = arith.constant 128 : i32
      %add3A_257 = arith.constant 0 : i32
      %add3A_258 = arith.addi %mul3A_211, %add3A_257 : i32
      %mul3A_259 = arith.constant 4 : i32
      %mul3A_260 = arith.muli %add3A_258, %mul3A_259 : i32
      %dma_start3A_261 = arith.constant 0 : i32
      %dma_start3A_262 = arith.constant 0 : i32
      %dma_start3A_263 = arith.constant 0 : i32
      %dma_start3A_264 = tpu.memref_slice %arg5[%mul3A_260, %dma_start3A_261, %add3A, %dma_start3A_262, %dma_start3A_263] : memref<200x4x32x8x128xf32, #tpu.memory_space<hbm>> -> memref<4x4x1x8x128xf32, #tpu.memory_space<hbm>>
      %dma_start3A_265 = tpu.memref_squeeze %dma_start3A_264 : memref<4x4x1x8x128xf32, #tpu.memory_space<hbm>> -> memref<4x4x8x128xf32, #tpu.memory_space<hbm>>
      %dma_start3A_266 = arith.constant 0 : i32
      %dma_start3A_267 = arith.constant 0 : i32
      %dma_start3A_268 = arith.constant 0 : i32
      %dma_start3A_269 = tpu.memref_slice %arg5[%mul3A_260, %dma_start3A_266, %add3A, %dma_start3A_267, %dma_start3A_268] : memref<200x4x32x8x128xf32, #tpu.memory_space<hbm>> -> memref<4x4x1x8x128xf32, #tpu.memory_space<hbm>>
      %dma_start3A_270 = tpu.memref_squeeze %dma_start3A_269 : memref<4x4x1x8x128xf32, #tpu.memory_space<hbm>> -> memref<4x4x8x128xf32, #tpu.memory_space<hbm>>
      tpu.enqueue_dma source(%arg11 : memref<4x4x8x128xf32, #tpu.memory_space<vmem>>) target(%dma_start3A_270 : memref<4x4x8x128xf32, #tpu.memory_space<hbm>>) target_semaphore(%arg16 : memref<!tpu.dma_semaphore, #tpu.memory_space<semaphore_mem>>)
      %add3A_271 = arith.constant 1 : i32
      %add3A_272 = arith.addi %mul3A_211, %add3A_271 : i32
      %sub3A_273 = arith.constant 2 : i32
      %sub3A_274 = arith.subi %add3A_272, %sub3A_273 : i32
      %mul3A_275 = arith.constant 4 : i32
      %mul3A_276 = arith.muli %sub3A_274, %mul3A_275 : i32
      %dma_wait3A_277 = arith.constant 0 : i32
      %dma_wait3A_278 = arith.constant 0 : i32
      %dma_wait3A_279 = arith.constant 0 : i32
      %dma_wait3A_280 = tpu.memref_slice %arg5[%mul3A_276, %dma_wait3A_277, %add3A, %dma_wait3A_278, %dma_wait3A_279] : memref<200x4x32x8x128xf32, #tpu.memory_space<hbm>> -> memref<4x4x1x8x128xf32, #tpu.memory_space<hbm>>
      %dma_wait3A_281 = tpu.memref_squeeze %dma_wait3A_280 : memref<4x4x1x8x128xf32, #tpu.memory_space<hbm>> -> memref<4x4x8x128xf32, #tpu.memory_space<hbm>>
      %dma_wait3A_282 = arith.constant 0 : i32
      %dma_wait3A_283 = arith.constant 0 : i32
      %dma_wait3A_284 = arith.constant 0 : i32
      %dma_wait3A_285 = tpu.memref_slice %arg5[%mul3A_276, %dma_wait3A_282, %add3A, %dma_wait3A_283, %dma_wait3A_284] : memref<200x4x32x8x128xf32, #tpu.memory_space<hbm>> -> memref<4x4x1x8x128xf32, #tpu.memory_space<hbm>>
      %dma_wait3A_286 = tpu.memref_squeeze %dma_wait3A_285 : memref<4x4x1x8x128xf32, #tpu.memory_space<hbm>> -> memref<4x4x8x128xf32, #tpu.memory_space<hbm>>
      tpu.wait_dma2 semaphore(%arg17 : memref<!tpu.dma_semaphore, #tpu.memory_space<semaphore_mem>>) src(%arg12 : memref<4x4x8x128xf32, #tpu.memory_space<vmem>>) dst(%dma_wait3A_286 : memref<4x4x8x128xf32, #tpu.memory_space<hbm>>)
      %add3A_287 = arith.constant 1 : i32
      %add3A_288 = arith.addi %mul3A_211, %add3A_287 : i32
      %add3A_289 = arith.constant 1 : i32
      %add3A_290 = arith.addi %add3A_288, %add3A_289 : i32
      %mul3A_291 = arith.constant 512 : i32
      %mul3A_292 = arith.muli %add3A_290, %mul3A_291 : i32
      %dma_start3A_293 = tpu.memref_slice %arg7[%mul3A_292] : memref<25600xi32, #tpu.memory_space<vmem>> -> memref<512xi32, #tpu.memory_space<vmem>>
      %dma_start3A_294 = arith.constant 0 : i32
      %dma_start3A_295 = arith.constant 0 : i32
      %dma_start3A_296 = tpu.memref_slice %arg3[%dma_start3A_294, %dma_start3A_295] : memref<1000000x32xf32, #tpu.memory_space<hbm>> -> memref<1000000x32xf32, #tpu.memory_space<hbm>>
      tpu.enqueue_indirect_dma source(%dma_start3A_296 : memref<1000000x32xf32, #tpu.memory_space<hbm>>) target(%arg8 : memref<512x32xf32, #tpu.memory_space<vmem>>) offsets(%dma_start3A_293 : memref<512xi32, #tpu.memory_space<vmem>>) semaphore(%arg14 : memref<!tpu.dma_semaphore, #tpu.memory_space<semaphore_mem>>)
      %add3A_297 = arith.constant 1 : i32
      %add3A_298 = arith.addi %mul3A_211, %add3A_297 : i32
      %mul3A_299 = arith.constant 512 : i32
      %mul3A_300 = arith.muli %add3A_298, %mul3A_299 : i32
      %dma_wait3A_301 = tpu.memref_slice %arg7[%mul3A_300] : memref<25600xi32, #tpu.memory_space<vmem>> -> memref<512xi32, #tpu.memory_space<vmem>>
      %dma_wait3A_302 = arith.constant 0 : i32
      %dma_wait3A_303 = arith.constant 0 : i32
      %dma_wait3A_304 = tpu.memref_slice %arg3[%dma_wait3A_302, %dma_wait3A_303] : memref<1000000x32xf32, #tpu.memory_space<hbm>> -> memref<1000000x32xf32, #tpu.memory_space<hbm>>
      tpu.wait_indirect_dma semaphore(%arg15 : memref<!tpu.dma_semaphore, #tpu.memory_space<semaphore_mem>>) src(%dma_wait3A_304 : memref<1000000x32xf32, #tpu.memory_space<hbm>>) dst(%arg9 : memref<512x32xf32, #tpu.memory_space<vmem>>)
      %add3A_305 = arith.constant 1 : i32
      %add3A_306 = arith.addi %mul3A_211, %add3A_305 : i32
      %scan3A_307 = arith.constant 0 : i32
      %scan3A_308 = arith.constant 64 : i32
      %scan3A_309 = arith.addi %scan3A_307, %scan3A_308 : i32
      %scan3A_310 = arith.constant 1 : i32
      scf.for %scan3A_331 = %scan3A_307 to %scan3A_309 step %scan3A_310  : i32 {
        %mul3A_332 = arith.constant 4 : i32
        %mul3A_333 = arith.muli %add3A_306, %mul3A_332 : i32
        %mul3A_334 = arith.constant 8 : i32
        %mul3A_335 = arith.muli %scan3A_331, %mul3A_334 : i32
        %shift_right_arithmetic3A = arith.constant 7 : i32
        %shift_right_arithmetic3A_336 = arith.shrsi %mul3A_335, %shift_right_arithmetic3A : i32
        %add3A_337 = arith.addi %mul3A_333, %shift_right_arithmetic3A_336 : i32
        %get3A = arith.index_cast %add3A_337 : i32 to index
        %get3A_338 = arith.constant 0 : index
        %get3A_339 = tpu.vector_load %arg13[%get3A, %get3A_338] {strides = array<i32>} : memref<200x32xf32, #tpu.memory_space<vmem>>, vector<16xf32>,
        %get3A_340 = arith.index_cast %add3A_337 : i32 to index
        %get3A_341 = arith.constant 16 : index
        %get3A_342 = tpu.vector_load %arg13[%get3A_340, %get3A_341] {strides = array<i32>} : memref<200x32xf32, #tpu.memory_space<vmem>>, vector<16xf32>,
        %mul3A_343 = arith.constant 8 : i32
        %mul3A_344 = arith.muli %scan3A_331, %mul3A_343 : i32
        %add3A_345 = arith.constant 0 : i32
        %add3A_346 = arith.addi %mul3A_344, %add3A_345 : i32
        %get3A_347 = arith.index_cast %add3A_346 : i32 to index
        %get3A_348 = arith.constant 0 : index
        %get3A_349 = tpu.vector_load %arg9[%get3A_347, %get3A_348] {strides = array<i32>} : memref<512x32xf32, #tpu.memory_space<vmem>>, vector<16xf32>,
        %add3A_350 = arith.addf %get3A_349, %get3A_339 : vector<16xf32>
        %mul3A_351 = arith.constant 8 : i32
        %mul3A_352 = arith.muli %scan3A_331, %mul3A_351 : i32
        %add3A_353 = arith.constant 0 : i32
        %add3A_354 = arith.addi %mul3A_352, %add3A_353 : i32
        %get3A_355 = arith.index_cast %add3A_354 : i32 to index
        %get3A_356 = arith.constant 16 : index
        %get3A_357 = tpu.vector_load %arg9[%get3A_355, %get3A_356] {strides = array<i32>} : memref<512x32xf32, #tpu.memory_space<vmem>>, vector<16xf32>,
        %add3A_358 = arith.addf %get3A_357, %get3A_342 : vector<16xf32>
        %mul3A_359 = arith.constant 8 : i32
        %mul3A_360 = arith.muli %scan3A_331, %mul3A_359 : i32
        %add3A_361 = arith.constant 1 : i32
        %add3A_362 = arith.addi %mul3A_360, %add3A_361 : i32
        %get3A_363 = arith.index_cast %add3A_362 : i32 to index
        %get3A_364 = arith.constant 0 : index
        %get3A_365 = tpu.vector_load %arg9[%get3A_363, %get3A_364] {strides = array<i32>} : memref<512x32xf32, #tpu.memory_space<vmem>>, vector<16xf32>,
        %add3A_366 = arith.addf %get3A_365, %get3A_339 : vector<16xf32>
        %mul3A_367 = arith.constant 8 : i32
        %mul3A_368 = arith.muli %scan3A_331, %mul3A_367 : i32
        %add3A_369 = arith.constant 1 : i32
        %add3A_370 = arith.addi %mul3A_368, %add3A_369 : i32
        %get3A_371 = arith.index_cast %add3A_370 : i32 to index
        %get3A_372 = arith.constant 16 : index
        %get3A_373 = tpu.vector_load %arg9[%get3A_371, %get3A_372] {strides = array<i32>} : memref<512x32xf32, #tpu.memory_space<vmem>>, vector<16xf32>,
        %add3A_374 = arith.addf %get3A_373, %get3A_342 : vector<16xf32>
        %mul3A_375 = arith.constant 8 : i32
        %mul3A_376 = arith.muli %scan3A_331, %mul3A_375 : i32
        %add3A_377 = arith.constant 2 : i32
        %add3A_378 = arith.addi %mul3A_376, %add3A_377 : i32
        %get3A_379 = arith.index_cast %add3A_378 : i32 to index
        %get3A_380 = arith.constant 0 : index
        %get3A_381 = tpu.vector_load %arg9[%get3A_379, %get3A_380] {strides = array<i32>} : memref<512x32xf32, #tpu.memory_space<vmem>>, vector<16xf32>,
        %add3A_382 = arith.addf %get3A_381, %get3A_339 : vector<16xf32>
        %mul3A_383 = arith.constant 8 : i32
        %mul3A_384 = arith.muli %scan3A_331, %mul3A_383 : i32
        %add3A_385 = arith.constant 2 : i32
        %add3A_386 = arith.addi %mul3A_384, %add3A_385 : i32
        %get3A_387 = arith.index_cast %add3A_386 : i32 to index
        %get3A_388 = arith.constant 16 : index
        %get3A_389 = tpu.vector_load %arg9[%get3A_387, %get3A_388] {strides = array<i32>} : memref<512x32xf32, #tpu.memory_space<vmem>>, vector<16xf32>,
        %add3A_390 = arith.addf %get3A_389, %get3A_342 : vector<16xf32>
        %mul3A_391 = arith.constant 8 : i32
        %mul3A_392 = arith.muli %scan3A_331, %mul3A_391 : i32
        %add3A_393 = arith.constant 3 : i32
        %add3A_394 = arith.addi %mul3A_392, %add3A_393 : i32
        %get3A_395 = arith.index_cast %add3A_394 : i32 to index
        %get3A_396 = arith.constant 0 : index
        %get3A_397 = tpu.vector_load %arg9[%get3A_395, %get3A_396] {strides = array<i32>} : memref<512x32xf32, #tpu.memory_space<vmem>>, vector<16xf32>,
        %add3A_398 = arith.addf %get3A_397, %get3A_339 : vector<16xf32>
        %mul3A_399 = arith.constant 8 : i32
        %mul3A_400 = arith.muli %scan3A_331, %mul3A_399 : i32
        %add3A_401 = arith.constant 3 : i32
        %add3A_402 = arith.addi %mul3A_400, %add3A_401 : i32
        %get3A_403 = arith.index_cast %add3A_402 : i32 to index
        %get3A_404 = arith.constant 16 : index
        %get3A_405 = tpu.vector_load %arg9[%get3A_403, %get3A_404] {strides = array<i32>} : memref<512x32xf32, #tpu.memory_space<vmem>>, vector<16xf32>,
        %add3A_406 = arith.addf %get3A_405, %get3A_342 : vector<16xf32>
        %mul3A_407 = arith.constant 8 : i32
        %mul3A_408 = arith.muli %scan3A_331, %mul3A_407 : i32
        %add3A_409 = arith.constant 4 : i32
        %add3A_410 = arith.addi %mul3A_408, %add3A_409 : i32
        %get3A_411 = arith.index_cast %add3A_410 : i32 to index
        %get3A_412 = arith.constant 0 : index
        %get3A_413 = tpu.vector_load %arg9[%get3A_411, %get3A_412] {strides = array<i32>} : memref<512x32xf32, #tpu.memory_space<vmem>>, vector<16xf32>,
        %add3A_414 = arith.addf %get3A_413, %get3A_339 : vector<16xf32>
        %mul3A_415 = arith.constant 8 : i32
        %mul3A_416 = arith.muli %scan3A_331, %mul3A_415 : i32
        %add3A_417 = arith.constant 4 : i32
        %add3A_418 = arith.addi %mul3A_416, %add3A_417 : i32
        %get3A_419 = arith.index_cast %add3A_418 : i32 to index
        %get3A_420 = arith.constant 16 : index
        %get3A_421 = tpu.vector_load %arg9[%get3A_419, %get3A_420] {strides = array<i32>} : memref<512x32xf32, #tpu.memory_space<vmem>>, vector<16xf32>,
        %add3A_422 = arith.addf %get3A_421, %get3A_342 : vector<16xf32>
        %mul3A_423 = arith.constant 8 : i32
        %mul3A_424 = arith.muli %scan3A_331, %mul3A_423 : i32
        %add3A_425 = arith.constant 5 : i32
        %add3A_426 = arith.addi %mul3A_424, %add3A_425 : i32
        %get3A_427 = arith.index_cast %add3A_426 : i32 to index
        %get3A_428 = arith.constant 0 : index
        %get3A_429 = tpu.vector_load %arg9[%get3A_427, %get3A_428] {strides = array<i32>} : memref<512x32xf32, #tpu.memory_space<vmem>>, vector<16xf32>,
        %add3A_430 = arith.addf %get3A_429, %get3A_339 : vector<16xf32>
        %mul3A_431 = arith.constant 8 : i32
        %mul3A_432 = arith.muli %scan3A_331, %mul3A_431 : i32
        %add3A_433 = arith.constant 5 : i32
        %add3A_434 = arith.addi %mul3A_432, %add3A_433 : i32
        %get3A_435 = arith.index_cast %add3A_434 : i32 to index
        %get3A_436 = arith.constant 16 : index
        %get3A_437 = tpu.vector_load %arg9[%get3A_435, %get3A_436] {strides = array<i32>} : memref<512x32xf32, #tpu.memory_space<vmem>>, vector<16xf32>,
        %add3A_438 = arith.addf %get3A_437, %get3A_342 : vector<16xf32>
        %mul3A_439 = arith.constant 8 : i32
        %mul3A_440 = arith.muli %scan3A_331, %mul3A_439 : i32
        %add3A_441 = arith.constant 6 : i32
        %add3A_442 = arith.addi %mul3A_440, %add3A_441 : i32
        %get3A_443 = arith.index_cast %add3A_442 : i32 to index
        %get3A_444 = arith.constant 0 : index
        %get3A_445 = tpu.vector_load %arg9[%get3A_443, %get3A_444] {strides = array<i32>} : memref<512x32xf32, #tpu.memory_space<vmem>>, vector<16xf32>,
        %add3A_446 = arith.addf %get3A_445, %get3A_339 : vector<16xf32>
        %mul3A_447 = arith.constant 8 : i32
        %mul3A_448 = arith.muli %scan3A_331, %mul3A_447 : i32
        %add3A_449 = arith.constant 6 : i32
        %add3A_450 = arith.addi %mul3A_448, %add3A_449 : i32
        %get3A_451 = arith.index_cast %add3A_450 : i32 to index
        %get3A_452 = arith.constant 16 : index
        %get3A_453 = tpu.vector_load %arg9[%get3A_451, %get3A_452] {strides = array<i32>} : memref<512x32xf32, #tpu.memory_space<vmem>>, vector<16xf32>,
        %add3A_454 = arith.addf %get3A_453, %get3A_342 : vector<16xf32>
        %mul3A_455 = arith.constant 8 : i32
        %mul3A_456 = arith.muli %scan3A_331, %mul3A_455 : i32
        %add3A_457 = arith.constant 7 : i32
        %add3A_458 = arith.addi %mul3A_456, %add3A_457 : i32
        %get3A_459 = arith.index_cast %add3A_458 : i32 to index
        %get3A_460 = arith.constant 0 : index
        %get3A_461 = tpu.vector_load %arg9[%get3A_459, %get3A_460] {strides = array<i32>} : memref<512x32xf32, #tpu.memory_space<vmem>>, vector<16xf32>,
        %add3A_462 = arith.addf %get3A_461, %get3A_339 : vector<16xf32>
        %mul3A_463 = arith.constant 8 : i32
        %mul3A_464 = arith.muli %scan3A_331, %mul3A_463 : i32
        %add3A_465 = arith.constant 7 : i32
        %add3A_466 = arith.addi %mul3A_464, %add3A_465 : i32
        %get3A_467 = arith.index_cast %add3A_466 : i32 to index
        %get3A_468 = arith.constant 16 : index
        %get3A_469 = tpu.vector_load %arg9[%get3A_467, %get3A_468] {strides = array<i32>} : memref<512x32xf32, #tpu.memory_space<vmem>>, vector<16xf32>,
        %add3A_470 = arith.addf %get3A_469, %get3A_342 : vector<16xf32>
        %mul3A_471 = arith.constant 8 : i32
        %mul3A_472 = arith.muli %scan3A_331, %mul3A_471 : i32
        %add3A_473 = arith.constant 0 : i32
        %add3A_474 = arith.addi %mul3A_472, %add3A_473 : i32
        %swap3A = arith.index_cast %add3A_474 : i32 to index
        %swap3A_475 = arith.constant 0 : index
        %swap3A_476 = tpu.vector_load %arg10[%swap3A, %swap3A_475] {strides = array<i32>} : memref<512x33xf32, #tpu.memory_space<vmem>>, vector<16xf32>,
        tpu.vector_store %arg10[%swap3A, %swap3A_475], %add3A_350 {strides = array<i32>} : memref<512x33xf32, #tpu.memory_space<vmem>>, vector<16xf32>,
        %mul3A_477 = arith.constant 8 : i32
        %mul3A_478 = arith.muli %scan3A_331, %mul3A_477 : i32
        %add3A_479 = arith.constant 0 : i32
        %add3A_480 = arith.addi %mul3A_478, %add3A_479 : i32
        %swap3A_481 = arith.index_cast %add3A_480 : i32 to index
        %swap3A_482 = arith.constant 16 : index
        %swap3A_483 = tpu.vector_load %arg10[%swap3A_481, %swap3A_482] {strides = array<i32>} : memref<512x33xf32, #tpu.memory_space<vmem>>, vector<16xf32>,
        tpu.vector_store %arg10[%swap3A_481, %swap3A_482], %add3A_358 {strides = array<i32>} : memref<512x33xf32, #tpu.memory_space<vmem>>, vector<16xf32>,
        %mul3A_484 = arith.constant 8 : i32
        %mul3A_485 = arith.muli %scan3A_331, %mul3A_484 : i32
        %add3A_486 = arith.constant 1 : i32
        %add3A_487 = arith.addi %mul3A_485, %add3A_486 : i32
        %swap3A_488 = arith.index_cast %add3A_487 : i32 to index
        %swap3A_489 = arith.constant 0 : index
        %swap3A_490 = tpu.vector_load %arg10[%swap3A_488, %swap3A_489] {strides = array<i32>} : memref<512x33xf32, #tpu.memory_space<vmem>>, vector<16xf32>,
        tpu.vector_store %arg10[%swap3A_488, %swap3A_489], %add3A_366 {strides = array<i32>} : memref<512x33xf32, #tpu.memory_space<vmem>>, vector<16xf32>,
        %mul3A_491 = arith.constant 8 : i32
        %mul3A_492 = arith.muli %scan3A_331, %mul3A_491 : i32
        %add3A_493 = arith.constant 1 : i32
        %add3A_494 = arith.addi %mul3A_492, %add3A_493 : i32
        %swap3A_495 = arith.index_cast %add3A_494 : i32 to index
        %swap3A_496 = arith.constant 16 : index
        %swap3A_497 = tpu.vector_load %arg10[%swap3A_495, %swap3A_496] {strides = array<i32>} : memref<512x33xf32, #tpu.memory_space<vmem>>, vector<16xf32>,
        tpu.vector_store %arg10[%swap3A_495, %swap3A_496], %add3A_374 {strides = array<i32>} : memref<512x33xf32, #tpu.memory_space<vmem>>, vector<16xf32>,
        %mul3A_498 = arith.constant 8 : i32
        %mul3A_499 = arith.muli %scan3A_331, %mul3A_498 : i32
        %add3A_500 = arith.constant 2 : i32
        %add3A_501 = arith.addi %mul3A_499, %add3A_500 : i32
        %swap3A_502 = arith.index_cast %add3A_501 : i32 to index
        %swap3A_503 = arith.constant 0 : index
        %swap3A_504 = tpu.vector_load %arg10[%swap3A_502, %swap3A_503] {strides = array<i32>} : memref<512x33xf32, #tpu.memory_space<vmem>>, vector<16xf32>,
        tpu.vector_store %arg10[%swap3A_502, %swap3A_503], %add3A_382 {strides = array<i32>} : memref<512x33xf32, #tpu.memory_space<vmem>>, vector<16xf32>,
        %mul3A_505 = arith.constant 8 : i32
        %mul3A_506 = arith.muli %scan3A_331, %mul3A_505 : i32
        %add3A_507 = arith.constant 2 : i32
        %add3A_508 = arith.addi %mul3A_506, %add3A_507 : i32
        %swap3A_509 = arith.index_cast %add3A_508 : i32 to index
        %swap3A_510 = arith.constant 16 : index
        %swap3A_511 = tpu.vector_load %arg10[%swap3A_509, %swap3A_510] {strides = array<i32>} : memref<512x33xf32, #tpu.memory_space<vmem>>, vector<16xf32>,
        tpu.vector_store %arg10[%swap3A_509, %swap3A_510], %add3A_390 {strides = array<i32>} : memref<512x33xf32, #tpu.memory_space<vmem>>, vector<16xf32>,
        %mul3A_512 = arith.constant 8 : i32
        %mul3A_513 = arith.muli %scan3A_331, %mul3A_512 : i32
        %add3A_514 = arith.constant 3 : i32
        %add3A_515 = arith.addi %mul3A_513, %add3A_514 : i32
        %swap3A_516 = arith.index_cast %add3A_515 : i32 to index
        %swap3A_517 = arith.constant 0 : index
        %swap3A_518 = tpu.vector_load %arg10[%swap3A_516, %swap3A_517] {strides = array<i32>} : memref<512x33xf32, #tpu.memory_space<vmem>>, vector<16xf32>,
        tpu.vector_store %arg10[%swap3A_516, %swap3A_517], %add3A_398 {strides = array<i32>} : memref<512x33xf32, #tpu.memory_space<vmem>>, vector<16xf32>,
        %mul3A_519 = arith.constant 8 : i32
        %mul3A_520 = arith.muli %scan3A_331, %mul3A_519 : i32
        %add3A_521 = arith.constant 3 : i32
        %add3A_522 = arith.addi %mul3A_520, %add3A_521 : i32
        %swap3A_523 = arith.index_cast %add3A_522 : i32 to index
        %swap3A_524 = arith.constant 16 : index
        %swap3A_525 = tpu.vector_load %arg10[%swap3A_523, %swap3A_524] {strides = array<i32>} : memref<512x33xf32, #tpu.memory_space<vmem>>, vector<16xf32>,
        tpu.vector_store %arg10[%swap3A_523, %swap3A_524], %add3A_406 {strides = array<i32>} : memref<512x33xf32, #tpu.memory_space<vmem>>, vector<16xf32>,
        %mul3A_526 = arith.constant 8 : i32
        %mul3A_527 = arith.muli %scan3A_331, %mul3A_526 : i32
        %add3A_528 = arith.constant 4 : i32
        %add3A_529 = arith.addi %mul3A_527, %add3A_528 : i32
        %swap3A_530 = arith.index_cast %add3A_529 : i32 to index
        %swap3A_531 = arith.constant 0 : index
        %swap3A_532 = tpu.vector_load %arg10[%swap3A_530, %swap3A_531] {strides = array<i32>} : memref<512x33xf32, #tpu.memory_space<vmem>>, vector<16xf32>,
        tpu.vector_store %arg10[%swap3A_530, %swap3A_531], %add3A_414 {strides = array<i32>} : memref<512x33xf32, #tpu.memory_space<vmem>>, vector<16xf32>,
        %mul3A_533 = arith.constant 8 : i32
        %mul3A_534 = arith.muli %scan3A_331, %mul3A_533 : i32
        %add3A_535 = arith.constant 4 : i32
        %add3A_536 = arith.addi %mul3A_534, %add3A_535 : i32
        %swap3A_537 = arith.index_cast %add3A_536 : i32 to index
        %swap3A_538 = arith.constant 16 : index
        %swap3A_539 = tpu.vector_load %arg10[%swap3A_537, %swap3A_538] {strides = array<i32>} : memref<512x33xf32, #tpu.memory_space<vmem>>, vector<16xf32>,
        tpu.vector_store %arg10[%swap3A_537, %swap3A_538], %add3A_422 {strides = array<i32>} : memref<512x33xf32, #tpu.memory_space<vmem>>, vector<16xf32>,
        %mul3A_540 = arith.constant 8 : i32
        %mul3A_541 = arith.muli %scan3A_331, %mul3A_540 : i32
        %add3A_542 = arith.constant 5 : i32
        %add3A_543 = arith.addi %mul3A_541, %add3A_542 : i32
        %swap3A_544 = arith.index_cast %add3A_543 : i32 to index
        %swap3A_545 = arith.constant 0 : index
        %swap3A_546 = tpu.vector_load %arg10[%swap3A_544, %swap3A_545] {strides = array<i32>} : memref<512x33xf32, #tpu.memory_space<vmem>>, vector<16xf32>,
        tpu.vector_store %arg10[%swap3A_544, %swap3A_545], %add3A_430 {strides = array<i32>} : memref<512x33xf32, #tpu.memory_space<vmem>>, vector<16xf32>,
        %mul3A_547 = arith.constant 8 : i32
        %mul3A_548 = arith.muli %scan3A_331, %mul3A_547 : i32
        %add3A_549 = arith.constant 5 : i32
        %add3A_550 = arith.addi %mul3A_548, %add3A_549 : i32
        %swap3A_551 = arith.index_cast %add3A_550 : i32 to index
        %swap3A_552 = arith.constant 16 : index
        %swap3A_553 = tpu.vector_load %arg10[%swap3A_551, %swap3A_552] {strides = array<i32>} : memref<512x33xf32, #tpu.memory_space<vmem>>, vector<16xf32>,
        tpu.vector_store %arg10[%swap3A_551, %swap3A_552], %add3A_438 {strides = array<i32>} : memref<512x33xf32, #tpu.memory_space<vmem>>, vector<16xf32>,
        %mul3A_554 = arith.constant 8 : i32
        %mul3A_555 = arith.muli %scan3A_331, %mul3A_554 : i32
        %add3A_556 = arith.constant 6 : i32
        %add3A_557 = arith.addi %mul3A_555, %add3A_556 : i32
        %swap3A_558 = arith.index_cast %add3A_557 : i32 to index
        %swap3A_559 = arith.constant 0 : index
        %swap3A_560 = tpu.vector_load %arg10[%swap3A_558, %swap3A_559] {strides = array<i32>} : memref<512x33xf32, #tpu.memory_space<vmem>>, vector<16xf32>,
        tpu.vector_store %arg10[%swap3A_558, %swap3A_559], %add3A_446 {strides = array<i32>} : memref<512x33xf32, #tpu.memory_space<vmem>>, vector<16xf32>,
        %mul3A_561 = arith.constant 8 : i32
        %mul3A_562 = arith.muli %scan3A_331, %mul3A_561 : i32
        %add3A_563 = arith.constant 6 : i32
        %add3A_564 = arith.addi %mul3A_562, %add3A_563 : i32
        %swap3A_565 = arith.index_cast %add3A_564 : i32 to index
        %swap3A_566 = arith.constant 16 : index
        %swap3A_567 = tpu.vector_load %arg10[%swap3A_565, %swap3A_566] {strides = array<i32>} : memref<512x33xf32, #tpu.memory_space<vmem>>, vector<16xf32>,
        tpu.vector_store %arg10[%swap3A_565, %swap3A_566], %add3A_454 {strides = array<i32>} : memref<512x33xf32, #tpu.memory_space<vmem>>, vector<16xf32>,
        %mul3A_568 = arith.constant 8 : i32
        %mul3A_569 = arith.muli %scan3A_331, %mul3A_568 : i32
        %add3A_570 = arith.constant 7 : i32
        %add3A_571 = arith.addi %mul3A_569, %add3A_570 : i32
        %swap3A_572 = arith.index_cast %add3A_571 : i32 to index
        %swap3A_573 = arith.constant 0 : index
        %swap3A_574 = tpu.vector_load %arg10[%swap3A_572, %swap3A_573] {strides = array<i32>} : memref<512x33xf32, #tpu.memory_space<vmem>>, vector<16xf32>,
        tpu.vector_store %arg10[%swap3A_572, %swap3A_573], %add3A_462 {strides = array<i32>} : memref<512x33xf32, #tpu.memory_space<vmem>>, vector<16xf32>,
        %mul3A_575 = arith.constant 8 : i32
        %mul3A_576 = arith.muli %scan3A_331, %mul3A_575 : i32
        %add3A_577 = arith.constant 7 : i32
        %add3A_578 = arith.addi %mul3A_576, %add3A_577 : i32
        %swap3A_579 = arith.index_cast %add3A_578 : i32 to index
        %swap3A_580 = arith.constant 16 : index
        %swap3A_581 = tpu.vector_load %arg10[%swap3A_579, %swap3A_580] {strides = array<i32>} : memref<512x33xf32, #tpu.memory_space<vmem>>, vector<16xf32>,
        tpu.vector_store %arg10[%swap3A_579, %swap3A_580], %add3A_470 {strides = array<i32>} : memref<512x33xf32, #tpu.memory_space<vmem>>, vector<16xf32>,
      }
      %scan3A_311 = arith.constant 64 : i32
      %scan3A_312 = arith.constant 0 : i32
      %scan3A_313 = arith.constant 128 : i32
      %scan3A_314 = arith.addi %scan3A_312, %scan3A_313 : i32
      %scan3A_315 = arith.constant 1 : i32
      scf.for %scan3A_331 = %scan3A_312 to %scan3A_314 step %scan3A_315  : i32 {
        %shift_right_arithmetic3A = arith.constant 5 : i32
        %shift_right_arithmetic3A_332 = arith.shrsi %scan3A_331, %shift_right_arithmetic3A : i32
        %and3A = arith.constant 31 : i32
        %and3A_333 = arith.andi %scan3A_331, %and3A : i32
        %broadcast_in_dim3A = vector.broadcast %and3A_333 : i32 to vector<16xi32>
        %mul3A_334 = arith.constant 128 : i32
        %mul3A_335 = arith.muli %shift_right_arithmetic3A_332, %mul3A_334 : i32
        %add3A_336 = arith.constant 0 : i32
        %add3A_337 = arith.addi %mul3A_335, %add3A_336 : i32
        %gather3A = arith.constant 0 : i32
        %gather3A_338 = tpu.memref_slice %arg10[%add3A_337, %gather3A] : memref<512x33xf32, #tpu.memory_space<vmem>> -> memref<16x33xf32, #tpu.memory_space<vmem>>
        %gather3A_339 = tpu.vector_load_idx %gather3A_338[%iota3A, %broadcast_in_dim3A] : memref<16x33xf32, #tpu.memory_space<vmem>>[vector<16xi32>, vector<16xi32>], vector<16xf32>,
        %mul3A_340 = arith.constant 128 : i32
        %mul3A_341 = arith.muli %shift_right_arithmetic3A_332, %mul3A_340 : i32
        %add3A_342 = arith.constant 16 : i32
        %add3A_343 = arith.addi %mul3A_341, %add3A_342 : i32
        %gather3A_344 = arith.constant 0 : i32
        %gather3A_345 = tpu.memref_slice %arg10[%add3A_343, %gather3A_344] : memref<512x33xf32, #tpu.memory_space<vmem>> -> memref<16x33xf32, #tpu.memory_space<vmem>>
        %gather3A_346 = tpu.vector_load_idx %gather3A_345[%iota3A, %broadcast_in_dim3A] : memref<16x33xf32, #tpu.memory_space<vmem>>[vector<16xi32>, vector<16xi32>], vector<16xf32>,
        %mul3A_347 = arith.constant 128 : i32
        %mul3A_348 = arith.muli %shift_right_arithmetic3A_332, %mul3A_347 : i32
        %add3A_349 = arith.constant 32 : i32
        %add3A_350 = arith.addi %mul3A_348, %add3A_349 : i32
        %gather3A_351 = arith.constant 0 : i32
        %gather3A_352 = tpu.memref_slice %arg10[%add3A_350, %gather3A_351] : memref<512x33xf32, #tpu.memory_space<vmem>> -> memref<16x33xf32, #tpu.memory_space<vmem>>
        %gather3A_353 = tpu.vector_load_idx %gather3A_352[%iota3A, %broadcast_in_dim3A] : memref<16x33xf32, #tpu.memory_space<vmem>>[vector<16xi32>, vector<16xi32>], vector<16xf32>,
        %mul3A_354 = arith.constant 128 : i32
        %mul3A_355 = arith.muli %shift_right_arithmetic3A_332, %mul3A_354 : i32
        %add3A_356 = arith.constant 48 : i32
        %add3A_357 = arith.addi %mul3A_355, %add3A_356 : i32
        %gather3A_358 = arith.constant 0 : i32
        %gather3A_359 = tpu.memref_slice %arg10[%add3A_357, %gather3A_358] : memref<512x33xf32, #tpu.memory_space<vmem>> -> memref<16x33xf32, #tpu.memory_space<vmem>>
        %gather3A_360 = tpu.vector_load_idx %gather3A_359[%iota3A, %broadcast_in_dim3A] : memref<16x33xf32, #tpu.memory_space<vmem>>[vector<16xi32>, vector<16xi32>], vector<16xf32>,
        %mul3A_361 = arith.constant 128 : i32
        %mul3A_362 = arith.muli %shift_right_arithmetic3A_332, %mul3A_361 : i32
        %add3A_363 = arith.constant 64 : i32
        %add3A_364 = arith.addi %mul3A_362, %add3A_363 : i32
        %gather3A_365 = arith.constant 0 : i32
        %gather3A_366 = tpu.memref_slice %arg10[%add3A_364, %gather3A_365] : memref<512x33xf32, #tpu.memory_space<vmem>> -> memref<16x33xf32, #tpu.memory_space<vmem>>
        %gather3A_367 = tpu.vector_load_idx %gather3A_366[%iota3A, %broadcast_in_dim3A] : memref<16x33xf32, #tpu.memory_space<vmem>>[vector<16xi32>, vector<16xi32>], vector<16xf32>,
        %mul3A_368 = arith.constant 128 : i32
        %mul3A_369 = arith.muli %shift_right_arithmetic3A_332, %mul3A_368 : i32
        %add3A_370 = arith.constant 80 : i32
        %add3A_371 = arith.addi %mul3A_369, %add3A_370 : i32
        %gather3A_372 = arith.constant 0 : i32
        %gather3A_373 = tpu.memref_slice %arg10[%add3A_371, %gather3A_372] : memref<512x33xf32, #tpu.memory_space<vmem>> -> memref<16x33xf32, #tpu.memory_space<vmem>>
        %gather3A_374 = tpu.vector_load_idx %gather3A_373[%iota3A, %broadcast_in_dim3A] : memref<16x33xf32, #tpu.memory_space<vmem>>[vector<16xi32>, vector<16xi32>], vector<16xf32>,
        %mul3A_375 = arith.constant 128 : i32
        %mul3A_376 = arith.muli %shift_right_arithmetic3A_332, %mul3A_375 : i32
        %add3A_377 = arith.constant 96 : i32
        %add3A_378 = arith.addi %mul3A_376, %add3A_377 : i32
        %gather3A_379 = arith.constant 0 : i32
        %gather3A_380 = tpu.memref_slice %arg10[%add3A_378, %gather3A_379] : memref<512x33xf32, #tpu.memory_space<vmem>> -> memref<16x33xf32, #tpu.memory_space<vmem>>
        %gather3A_381 = tpu.vector_load_idx %gather3A_380[%iota3A, %broadcast_in_dim3A] : memref<16x33xf32, #tpu.memory_space<vmem>>[vector<16xi32>, vector<16xi32>], vector<16xf32>,
        %mul3A_382 = arith.constant 128 : i32
        %mul3A_383 = arith.muli %shift_right_arithmetic3A_332, %mul3A_382 : i32
        %add3A_384 = arith.constant 112 : i32
        %add3A_385 = arith.addi %mul3A_383, %add3A_384 : i32
        %gather3A_386 = arith.constant 0 : i32
        %gather3A_387 = tpu.memref_slice %arg10[%add3A_385, %gather3A_386] : memref<512x33xf32, #tpu.memory_space<vmem>> -> memref<16x33xf32, #tpu.memory_space<vmem>>
        %gather3A_388 = tpu.vector_load_idx %gather3A_387[%iota3A, %broadcast_in_dim3A] : memref<16x33xf32, #tpu.memory_space<vmem>>[vector<16xi32>, vector<16xi32>], vector<16xf32>,
        %shift_right_arithmetic3A_389 = arith.constant 3 : i32
        %shift_right_arithmetic3A_390 = arith.shrsi %and3A_333, %shift_right_arithmetic3A_389 : i32
        %and3A_391 = arith.constant 7 : i32
        %and3A_392 = arith.andi %and3A_333, %and3A_391 : i32
        %swap3A = arith.index_cast %shift_right_arithmetic3A_332 : i32 to index
        %swap3A_393 = arith.index_cast %shift_right_arithmetic3A_390 : i32 to index
        %swap3A_394 = arith.index_cast %and3A_392 : i32 to index
        %swap3A_395 = arith.constant 0 : index
        %swap3A_396 = tpu.vector_load %arg12[%swap3A, %swap3A_393, %swap3A_394, %swap3A_395] {strides = array<i32>} : memref<4x4x8x128xf32, #tpu.memory_space<vmem>>, vector<16xf32>,
        tpu.vector_store %arg12[%swap3A, %swap3A_393, %swap3A_394, %swap3A_395], %gather3A_339 {strides = array<i32>} : memref<4x4x8x128xf32, #tpu.memory_space<vmem>>, vector<16xf32>,
        %shift_right_arithmetic3A_397 = arith.constant 3 : i32
        %shift_right_arithmetic3A_398 = arith.shrsi %and3A_333, %shift_right_arithmetic3A_397 : i32
        %and3A_399 = arith.constant 7 : i32
        %and3A_400 = arith.andi %and3A_333, %and3A_399 : i32
        %swap3A_401 = arith.index_cast %shift_right_arithmetic3A_332 : i32 to index
        %swap3A_402 = arith.index_cast %shift_right_arithmetic3A_398 : i32 to index
        %swap3A_403 = arith.index_cast %and3A_400 : i32 to index
        %swap3A_404 = arith.constant 16 : index
        %swap3A_405 = tpu.vector_load %arg12[%swap3A_401, %swap3A_402, %swap3A_403, %swap3A_404] {strides = array<i32>} : memref<4x4x8x128xf32, #tpu.memory_space<vmem>>, vector<16xf32>,
        tpu.vector_store %arg12[%swap3A_401, %swap3A_402, %swap3A_403, %swap3A_404], %gather3A_346 {strides = array<i32>} : memref<4x4x8x128xf32, #tpu.memory_space<vmem>>, vector<16xf32>,
        %shift_right_arithmetic3A_406 = arith.constant 3 : i32
        %shift_right_arithmetic3A_407 = arith.shrsi %and3A_333, %shift_right_arithmetic3A_406 : i32
        %and3A_408 = arith.constant 7 : i32
        %and3A_409 = arith.andi %and3A_333, %and3A_408 : i32
        %swap3A_410 = arith.index_cast %shift_right_arithmetic3A_332 : i32 to index
        %swap3A_411 = arith.index_cast %shift_right_arithmetic3A_407 : i32 to index
        %swap3A_412 = arith.index_cast %and3A_409 : i32 to index
        %swap3A_413 = arith.constant 32 : index
        %swap3A_414 = tpu.vector_load %arg12[%swap3A_410, %swap3A_411, %swap3A_412, %swap3A_413] {strides = array<i32>} : memref<4x4x8x128xf32, #tpu.memory_space<vmem>>, vector<16xf32>,
        tpu.vector_store %arg12[%swap3A_410, %swap3A_411, %swap3A_412, %swap3A_413], %gather3A_353 {strides = array<i32>} : memref<4x4x8x128xf32, #tpu.memory_space<vmem>>, vector<16xf32>,
        %shift_right_arithmetic3A_415 = arith.constant 3 : i32
        %shift_right_arithmetic3A_416 = arith.shrsi %and3A_333, %shift_right_arithmetic3A_415 : i32
        %and3A_417 = arith.constant 7 : i32
        %and3A_418 = arith.andi %and3A_333, %and3A_417 : i32
        %swap3A_419 = arith.index_cast %shift_right_arithmetic3A_332 : i32 to index
        %swap3A_420 = arith.index_cast %shift_right_arithmetic3A_416 : i32 to index
        %swap3A_421 = arith.index_cast %and3A_418 : i32 to index
        %swap3A_422 = arith.constant 48 : index
        %swap3A_423 = tpu.vector_load %arg12[%swap3A_419, %swap3A_420, %swap3A_421, %swap3A_422] {strides = array<i32>} : memref<4x4x8x128xf32, #tpu.memory_space<vmem>>, vector<16xf32>,
        tpu.vector_store %arg12[%swap3A_419, %swap3A_420, %swap3A_421, %swap3A_422], %gather3A_360 {strides = array<i32>} : memref<4x4x8x128xf32, #tpu.memory_space<vmem>>, vector<16xf32>,
        %shift_right_arithmetic3A_424 = arith.constant 3 : i32
        %shift_right_arithmetic3A_425 = arith.shrsi %and3A_333, %shift_right_arithmetic3A_424 : i32
        %and3A_426 = arith.constant 7 : i32
        %and3A_427 = arith.andi %and3A_333, %and3A_426 : i32
        %swap3A_428 = arith.index_cast %shift_right_arithmetic3A_332 : i32 to index
        %swap3A_429 = arith.index_cast %shift_right_arithmetic3A_425 : i32 to index
        %swap3A_430 = arith.index_cast %and3A_427 : i32 to index
        %swap3A_431 = arith.constant 64 : index
        %swap3A_432 = tpu.vector_load %arg12[%swap3A_428, %swap3A_429, %swap3A_430, %swap3A_431] {strides = array<i32>} : memref<4x4x8x128xf32, #tpu.memory_space<vmem>>, vector<16xf32>,
        tpu.vector_store %arg12[%swap3A_428, %swap3A_429, %swap3A_430, %swap3A_431], %gather3A_367 {strides = array<i32>} : memref<4x4x8x128xf32, #tpu.memory_space<vmem>>, vector<16xf32>,
        %shift_right_arithmetic3A_433 = arith.constant 3 : i32
        %shift_right_arithmetic3A_434 = arith.shrsi %and3A_333, %shift_right_arithmetic3A_433 : i32
        %and3A_435 = arith.constant 7 : i32
        %and3A_436 = arith.andi %and3A_333, %and3A_435 : i32
        %swap3A_437 = arith.index_cast %shift_right_arithmetic3A_332 : i32 to index
        %swap3A_438 = arith.index_cast %shift_right_arithmetic3A_434 : i32 to index
        %swap3A_439 = arith.index_cast %and3A_436 : i32 to index
        %swap3A_440 = arith.constant 80 : index
        %swap3A_441 = tpu.vector_load %arg12[%swap3A_437, %swap3A_438, %swap3A_439, %swap3A_440] {strides = array<i32>} : memref<4x4x8x128xf32, #tpu.memory_space<vmem>>, vector<16xf32>,
        tpu.vector_store %arg12[%swap3A_437, %swap3A_438, %swap3A_439, %swap3A_440], %gather3A_374 {strides = array<i32>} : memref<4x4x8x128xf32, #tpu.memory_space<vmem>>, vector<16xf32>,
        %shift_right_arithmetic3A_442 = arith.constant 3 : i32
        %shift_right_arithmetic3A_443 = arith.shrsi %and3A_333, %shift_right_arithmetic3A_442 : i32
        %and3A_444 = arith.constant 7 : i32
        %and3A_445 = arith.andi %and3A_333, %and3A_444 : i32
        %swap3A_446 = arith.index_cast %shift_right_arithmetic3A_332 : i32 to index
        %swap3A_447 = arith.index_cast %shift_right_arithmetic3A_443 : i32 to index
        %swap3A_448 = arith.index_cast %and3A_445 : i32 to index
        %swap3A_449 = arith.constant 96 : index
        %swap3A_450 = tpu.vector_load %arg12[%swap3A_446, %swap3A_447, %swap3A_448, %swap3A_449] {strides = array<i32>} : memref<4x4x8x128xf32, #tpu.memory_space<vmem>>, vector<16xf32>,
        tpu.vector_store %arg12[%swap3A_446, %swap3A_447, %swap3A_448, %swap3A_449], %gather3A_381 {strides = array<i32>} : memref<4x4x8x128xf32, #tpu.memory_space<vmem>>, vector<16xf32>,
        %shift_right_arithmetic3A_451 = arith.constant 3 : i32
        %shift_right_arithmetic3A_452 = arith.shrsi %and3A_333, %shift_right_arithmetic3A_451 : i32
        %and3A_453 = arith.constant 7 : i32
        %and3A_454 = arith.andi %and3A_333, %and3A_453 : i32
        %swap3A_455 = arith.index_cast %shift_right_arithmetic3A_332 : i32 to index
        %swap3A_456 = arith.index_cast %shift_right_arithmetic3A_452 : i32 to index
        %swap3A_457 = arith.index_cast %and3A_454 : i32 to index
        %swap3A_458 = arith.constant 112 : index
        %swap3A_459 = tpu.vector_load %arg12[%swap3A_455, %swap3A_456, %swap3A_457, %swap3A_458] {strides = array<i32>} : memref<4x4x8x128xf32, #tpu.memory_space<vmem>>, vector<16xf32>,
        tpu.vector_store %arg12[%swap3A_455, %swap3A_456, %swap3A_457, %swap3A_458], %gather3A_388 {strides = array<i32>} : memref<4x4x8x128xf32, #tpu.memory_space<vmem>>, vector<16xf32>,
      }
      %scan3A_316 = arith.constant 128 : i32
      %add3A_317 = arith.constant 1 : i32
      %add3A_318 = arith.addi %mul3A_211, %add3A_317 : i32
      %mul3A_319 = arith.constant 4 : i32
      %mul3A_320 = arith.muli %add3A_318, %mul3A_319 : i32
      %dma_start3A_321 = arith.constant 0 : i32
      %dma_start3A_322 = arith.constant 0 : i32
      %dma_start3A_323 = arith.constant 0 : i32
      %dma_start3A_324 = tpu.memref_slice %arg5[%mul3A_320, %dma_start3A_321, %add3A, %dma_start3A_322, %dma_start3A_323] : memref<200x4x32x8x128xf32, #tpu.memory_space<hbm>> -> memref<4x4x1x8x128xf32, #tpu.memory_space<hbm>>
      %dma_start3A_325 = tpu.memref_squeeze %dma_start3A_324 : memref<4x4x1x8x128xf32, #tpu.memory_space<hbm>> -> memref<4x4x8x128xf32, #tpu.memory_space<hbm>>
      %dma_start3A_326 = arith.constant 0 : i32
      %dma_start3A_327 = arith.constant 0 : i32
      %dma_start3A_328 = arith.constant 0 : i32
      %dma_start3A_329 = tpu.memref_slice %arg5[%mul3A_320, %dma_start3A_326, %add3A, %dma_start3A_327, %dma_start3A_328] : memref<200x4x32x8x128xf32, #tpu.memory_space<hbm>> -> memref<4x4x1x8x128xf32, #tpu.memory_space<hbm>>
      %dma_start3A_330 = tpu.memref_squeeze %dma_start3A_329 : memref<4x4x1x8x128xf32, #tpu.memory_space<hbm>> -> memref<4x4x8x128xf32, #tpu.memory_space<hbm>>
      tpu.enqueue_dma source(%arg12 : memref<4x4x8x128xf32, #tpu.memory_space<vmem>>) target(%dma_start3A_330 : memref<4x4x8x128xf32, #tpu.memory_space<hbm>>) target_semaphore(%arg17 : memref<!tpu.dma_semaphore, #tpu.memory_space<semaphore_mem>>)
    }
    %scan3A_101 = arith.constant 23 : i32
    %dma_wait3A_102 = arith.constant 184 : i32
    %dma_wait3A_103 = arith.constant 0 : i32
    %dma_wait3A_104 = arith.constant 0 : i32
    %dma_wait3A_105 = arith.constant 0 : i32
    %dma_wait3A_106 = tpu.memref_slice %arg5[%dma_wait3A_102, %dma_wait3A_103, %add3A, %dma_wait3A_104, %dma_wait3A_105] : memref<200x4x32x8x128xf32, #tpu.memory_space<hbm>> -> memref<4x4x1x8x128xf32, #tpu.memory_space<hbm>>
    %dma_wait3A_107 = tpu.memref_squeeze %dma_wait3A_106 : memref<4x4x1x8x128xf32, #tpu.memory_space<hbm>> -> memref<4x4x8x128xf32, #tpu.memory_space<hbm>>
    %dma_wait3A_108 = arith.constant 184 : i32
    %dma_wait3A_109 = arith.constant 0 : i32
    %dma_wait3A_110 = arith.constant 0 : i32
    %dma_wait3A_111 = arith.constant 0 : i32
    %dma_wait3A_112 = tpu.memref_slice %arg5[%dma_wait3A_108, %dma_wait3A_109, %add3A, %dma_wait3A_110, %dma_wait3A_111] : memref<200x4x32x8x128xf32, #tpu.memory_space<hbm>> -> memref<4x4x1x8x128xf32, #tpu.memory_space<hbm>>
    %dma_wait3A_113 = tpu.memref_squeeze %dma_wait3A_112 : memref<4x4x1x8x128xf32, #tpu.memory_space<hbm>> -> memref<4x4x8x128xf32, #tpu.memory_space<hbm>>
    tpu.wait_dma2 semaphore(%arg16 : memref<!tpu.dma_semaphore, #tpu.memory_space<semaphore_mem>>) src(%arg11 : memref<4x4x8x128xf32, #tpu.memory_space<vmem>>) dst(%dma_wait3A_113 : memref<4x4x8x128xf32, #tpu.memory_space<hbm>>)
    %dma_start3A_114 = arith.constant 25088 : i32
    %dma_start3A_115 = tpu.memref_slice %arg7[%dma_start3A_114] : memref<25600xi32, #tpu.memory_space<vmem>> -> memref<512xi32, #tpu.memory_space<vmem>>
    %dma_start3A_116 = arith.constant 0 : i32
    %dma_start3A_117 = arith.constant 0 : i32
    %dma_start3A_118 = tpu.memref_slice %arg3[%dma_start3A_116, %dma_start3A_117] : memref<1000000x32xf32, #tpu.memory_space<hbm>> -> memref<1000000x32xf32, #tpu.memory_space<hbm>>
    tpu.enqueue_indirect_dma source(%dma_start3A_118 : memref<1000000x32xf32, #tpu.memory_space<hbm>>) target(%arg9 : memref<512x32xf32, #tpu.memory_space<vmem>>) offsets(%dma_start3A_115 : memref<512xi32, #tpu.memory_space<vmem>>) semaphore(%arg15 : memref<!tpu.dma_semaphore, #tpu.memory_space<semaphore_mem>>)
    %dma_wait3A_119 = arith.constant 24576 : i32
    %dma_wait3A_120 = tpu.memref_slice %arg7[%dma_wait3A_119] : memref<25600xi32, #tpu.memory_space<vmem>> -> memref<512xi32, #tpu.memory_space<vmem>>
    %dma_wait3A_121 = arith.constant 0 : i32
    %dma_wait3A_122 = arith.constant 0 : i32
    %dma_wait3A_123 = tpu.memref_slice %arg3[%dma_wait3A_121, %dma_wait3A_122] : memref<1000000x32xf32, #tpu.memory_space<hbm>> -> memref<1000000x32xf32, #tpu.memory_space<hbm>>
    tpu.wait_indirect_dma semaphore(%arg14 : memref<!tpu.dma_semaphore, #tpu.memory_space<semaphore_mem>>) src(%dma_wait3A_123 : memref<1000000x32xf32, #tpu.memory_space<hbm>>) dst(%arg8 : memref<512x32xf32, #tpu.memory_space<vmem>>)
    %scan3A_124 = arith.constant 0 : i32
    %scan3A_125 = arith.constant 64 : i32
    %scan3A_126 = arith.addi %scan3A_124, %scan3A_125 : i32
    %scan3A_127 = arith.constant 1 : i32
    scf.for %scan3A_209 = %scan3A_124 to %scan3A_126 step %scan3A_127  : i32 {
      %mul3A_210 = arith.constant 8 : i32
      %mul3A_211 = arith.muli %scan3A_209, %mul3A_210 : i32
      %shift_right_arithmetic3A = arith.constant 7 : i32
      %shift_right_arithmetic3A_212 = arith.shrsi %mul3A_211, %shift_right_arithmetic3A : i32
      %add3A_213 = arith.constant 192 : i32
      %add3A_214 = arith.addi %add3A_213, %shift_right_arithmetic3A_212 : i32
      %get3A = arith.index_cast %add3A_214 : i32 to index
      %get3A_215 = arith.constant 0 : index
      %get3A_216 = tpu.vector_load %arg13[%get3A, %get3A_215] {strides = array<i32>} : memref<200x32xf32, #tpu.memory_space<vmem>>, vector<16xf32>,
      %get3A_217 = arith.index_cast %add3A_214 : i32 to index
      %get3A_218 = arith.constant 16 : index
      %get3A_219 = tpu.vector_load %arg13[%get3A_217, %get3A_218] {strides = array<i32>} : memref<200x32xf32, #tpu.memory_space<vmem>>, vector<16xf32>,
      %mul3A_220 = arith.constant 8 : i32
      %mul3A_221 = arith.muli %scan3A_209, %mul3A_220 : i32
      %add3A_222 = arith.constant 0 : i32
      %add3A_223 = arith.addi %mul3A_221, %add3A_222 : i32
      %get3A_224 = arith.index_cast %add3A_223 : i32 to index
      %get3A_225 = arith.constant 0 : index
      %get3A_226 = tpu.vector_load %arg8[%get3A_224, %get3A_225] {strides = array<i32>} : memref<512x32xf32, #tpu.memory_space<vmem>>, vector<16xf32>,
      %add3A_227 = arith.addf %get3A_226, %get3A_216 : vector<16xf32>
      %mul3A_228 = arith.constant 8 : i32
      %mul3A_229 = arith.muli %scan3A_209, %mul3A_228 : i32
      %add3A_230 = arith.constant 0 : i32
      %add3A_231 = arith.addi %mul3A_229, %add3A_230 : i32
      %get3A_232 = arith.index_cast %add3A_231 : i32 to index
      %get3A_233 = arith.constant 16 : index
      %get3A_234 = tpu.vector_load %arg8[%get3A_232, %get3A_233] {strides = array<i32>} : memref<512x32xf32, #tpu.memory_space<vmem>>, vector<16xf32>,
      %add3A_235 = arith.addf %get3A_234, %get3A_219 : vector<16xf32>
      %mul3A_236 = arith.constant 8 : i32
      %mul3A_237 = arith.muli %scan3A_209, %mul3A_236 : i32
      %add3A_238 = arith.constant 1 : i32
      %add3A_239 = arith.addi %mul3A_237, %add3A_238 : i32
      %get3A_240 = arith.index_cast %add3A_239 : i32 to index
      %get3A_241 = arith.constant 0 : index
      %get3A_242 = tpu.vector_load %arg8[%get3A_240, %get3A_241] {strides = array<i32>} : memref<512x32xf32, #tpu.memory_space<vmem>>, vector<16xf32>,
      %add3A_243 = arith.addf %get3A_242, %get3A_216 : vector<16xf32>
      %mul3A_244 = arith.constant 8 : i32
      %mul3A_245 = arith.muli %scan3A_209, %mul3A_244 : i32
      %add3A_246 = arith.constant 1 : i32
      %add3A_247 = arith.addi %mul3A_245, %add3A_246 : i32
      %get3A_248 = arith.index_cast %add3A_247 : i32 to index
      %get3A_249 = arith.constant 16 : index
      %get3A_250 = tpu.vector_load %arg8[%get3A_248, %get3A_249] {strides = array<i32>} : memref<512x32xf32, #tpu.memory_space<vmem>>, vector<16xf32>,
      %add3A_251 = arith.addf %get3A_250, %get3A_219 : vector<16xf32>
      %mul3A_252 = arith.constant 8 : i32
      %mul3A_253 = arith.muli %scan3A_209, %mul3A_252 : i32
      %add3A_254 = arith.constant 2 : i32
      %add3A_255 = arith.addi %mul3A_253, %add3A_254 : i32
      %get3A_256 = arith.index_cast %add3A_255 : i32 to index
      %get3A_257 = arith.constant 0 : index
      %get3A_258 = tpu.vector_load %arg8[%get3A_256, %get3A_257] {strides = array<i32>} : memref<512x32xf32, #tpu.memory_space<vmem>>, vector<16xf32>,
      %add3A_259 = arith.addf %get3A_258, %get3A_216 : vector<16xf32>
      %mul3A_260 = arith.constant 8 : i32
      %mul3A_261 = arith.muli %scan3A_209, %mul3A_260 : i32
      %add3A_262 = arith.constant 2 : i32
      %add3A_263 = arith.addi %mul3A_261, %add3A_262 : i32
      %get3A_264 = arith.index_cast %add3A_263 : i32 to index
      %get3A_265 = arith.constant 16 : index
      %get3A_266 = tpu.vector_load %arg8[%get3A_264, %get3A_265] {strides = array<i32>} : memref<512x32xf32, #tpu.memory_space<vmem>>, vector<16xf32>,
      %add3A_267 = arith.addf %get3A_266, %get3A_219 : vector<16xf32>
      %mul3A_268 = arith.constant 8 : i32
      %mul3A_269 = arith.muli %scan3A_209, %mul3A_268 : i32
      %add3A_270 = arith.constant 3 : i32
      %add3A_271 = arith.addi %mul3A_269, %add3A_270 : i32
      %get3A_272 = arith.index_cast %add3A_271 : i32 to index
      %get3A_273 = arith.constant 0 : index
      %get3A_274 = tpu.vector_load %arg8[%get3A_272, %get3A_273] {strides = array<i32>} : memref<512x32xf32, #tpu.memory_space<vmem>>, vector<16xf32>,
      %add3A_275 = arith.addf %get3A_274, %get3A_216 : vector<16xf32>
      %mul3A_276 = arith.constant 8 : i32
      %mul3A_277 = arith.muli %scan3A_209, %mul3A_276 : i32
      %add3A_278 = arith.constant 3 : i32
      %add3A_279 = arith.addi %mul3A_277, %add3A_278 : i32
      %get3A_280 = arith.index_cast %add3A_279 : i32 to index
      %get3A_281 = arith.constant 16 : index
      %get3A_282 = tpu.vector_load %arg8[%get3A_280, %get3A_281] {strides = array<i32>} : memref<512x32xf32, #tpu.memory_space<vmem>>, vector<16xf32>,
      %add3A_283 = arith.addf %get3A_282, %get3A_219 : vector<16xf32>
      %mul3A_284 = arith.constant 8 : i32
      %mul3A_285 = arith.muli %scan3A_209, %mul3A_284 : i32
      %add3A_286 = arith.constant 4 : i32
      %add3A_287 = arith.addi %mul3A_285, %add3A_286 : i32
      %get3A_288 = arith.index_cast %add3A_287 : i32 to index
      %get3A_289 = arith.constant 0 : index
      %get3A_290 = tpu.vector_load %arg8[%get3A_288, %get3A_289] {strides = array<i32>} : memref<512x32xf32, #tpu.memory_space<vmem>>, vector<16xf32>,
      %add3A_291 = arith.addf %get3A_290, %get3A_216 : vector<16xf32>
      %mul3A_292 = arith.constant 8 : i32
      %mul3A_293 = arith.muli %scan3A_209, %mul3A_292 : i32
      %add3A_294 = arith.constant 4 : i32
      %add3A_295 = arith.addi %mul3A_293, %add3A_294 : i32
      %get3A_296 = arith.index_cast %add3A_295 : i32 to index
      %get3A_297 = arith.constant 16 : index
      %get3A_298 = tpu.vector_load %arg8[%get3A_296, %get3A_297] {strides = array<i32>} : memref<512x32xf32, #tpu.memory_space<vmem>>, vector<16xf32>,
      %add3A_299 = arith.addf %get3A_298, %get3A_219 : vector<16xf32>
      %mul3A_300 = arith.constant 8 : i32
      %mul3A_301 = arith.muli %scan3A_209, %mul3A_300 : i32
      %add3A_302 = arith.constant 5 : i32
      %add3A_303 = arith.addi %mul3A_301, %add3A_302 : i32
      %get3A_304 = arith.index_cast %add3A_303 : i32 to index
      %get3A_305 = arith.constant 0 : index
      %get3A_306 = tpu.vector_load %arg8[%get3A_304, %get3A_305] {strides = array<i32>} : memref<512x32xf32, #tpu.memory_space<vmem>>, vector<16xf32>,
      %add3A_307 = arith.addf %get3A_306, %get3A_216 : vector<16xf32>
      %mul3A_308 = arith.constant 8 : i32
      %mul3A_309 = arith.muli %scan3A_209, %mul3A_308 : i32
      %add3A_310 = arith.constant 5 : i32
      %add3A_311 = arith.addi %mul3A_309, %add3A_310 : i32
      %get3A_312 = arith.index_cast %add3A_311 : i32 to index
      %get3A_313 = arith.constant 16 : index
      %get3A_314 = tpu.vector_load %arg8[%get3A_312, %get3A_313] {strides = array<i32>} : memref<512x32xf32, #tpu.memory_space<vmem>>, vector<16xf32>,
      %add3A_315 = arith.addf %get3A_314, %get3A_219 : vector<16xf32>
      %mul3A_316 = arith.constant 8 : i32
      %mul3A_317 = arith.muli %scan3A_209, %mul3A_316 : i32
      %add3A_318 = arith.constant 6 : i32
      %add3A_319 = arith.addi %mul3A_317, %add3A_318 : i32
      %get3A_320 = arith.index_cast %add3A_319 : i32 to index
      %get3A_321 = arith.constant 0 : index
      %get3A_322 = tpu.vector_load %arg8[%get3A_320, %get3A_321] {strides = array<i32>} : memref<512x32xf32, #tpu.memory_space<vmem>>, vector<16xf32>,
      %add3A_323 = arith.addf %get3A_322, %get3A_216 : vector<16xf32>
      %mul3A_324 = arith.constant 8 : i32
      %mul3A_325 = arith.muli %scan3A_209, %mul3A_324 : i32
      %add3A_326 = arith.constant 6 : i32
      %add3A_327 = arith.addi %mul3A_325, %add3A_326 : i32
      %get3A_328 = arith.index_cast %add3A_327 : i32 to index
      %get3A_329 = arith.constant 16 : index
      %get3A_330 = tpu.vector_load %arg8[%get3A_328, %get3A_329] {strides = array<i32>} : memref<512x32xf32, #tpu.memory_space<vmem>>, vector<16xf32>,
      %add3A_331 = arith.addf %get3A_330, %get3A_219 : vector<16xf32>
      %mul3A_332 = arith.constant 8 : i32
      %mul3A_333 = arith.muli %scan3A_209, %mul3A_332 : i32
      %add3A_334 = arith.constant 7 : i32
      %add3A_335 = arith.addi %mul3A_333, %add3A_334 : i32
      %get3A_336 = arith.index_cast %add3A_335 : i32 to index
      %get3A_337 = arith.constant 0 : index
      %get3A_338 = tpu.vector_load %arg8[%get3A_336, %get3A_337] {strides = array<i32>} : memref<512x32xf32, #tpu.memory_space<vmem>>, vector<16xf32>,
      %add3A_339 = arith.addf %get3A_338, %get3A_216 : vector<16xf32>
      %mul3A_340 = arith.constant 8 : i32
      %mul3A_341 = arith.muli %scan3A_209, %mul3A_340 : i32
      %add3A_342 = arith.constant 7 : i32
      %add3A_343 = arith.addi %mul3A_341, %add3A_342 : i32
      %get3A_344 = arith.index_cast %add3A_343 : i32 to index
      %get3A_345 = arith.constant 16 : index
      %get3A_346 = tpu.vector_load %arg8[%get3A_344, %get3A_345] {strides = array<i32>} : memref<512x32xf32, #tpu.memory_space<vmem>>, vector<16xf32>,
      %add3A_347 = arith.addf %get3A_346, %get3A_219 : vector<16xf32>
      %mul3A_348 = arith.constant 8 : i32
      %mul3A_349 = arith.muli %scan3A_209, %mul3A_348 : i32
      %add3A_350 = arith.constant 0 : i32
      %add3A_351 = arith.addi %mul3A_349, %add3A_350 : i32
      %swap3A = arith.index_cast %add3A_351 : i32 to index
      %swap3A_352 = arith.constant 0 : index
      %swap3A_353 = tpu.vector_load %arg10[%swap3A, %swap3A_352] {strides = array<i32>} : memref<512x33xf32, #tpu.memory_space<vmem>>, vector<16xf32>,
      tpu.vector_store %arg10[%swap3A, %swap3A_352], %add3A_227 {strides = array<i32>} : memref<512x33xf32, #tpu.memory_space<vmem>>, vector<16xf32>,
      %mul3A_354 = arith.constant 8 : i32
      %mul3A_355 = arith.muli %scan3A_209, %mul3A_354 : i32
      %add3A_356 = arith.constant 0 : i32
      %add3A_357 = arith.addi %mul3A_355, %add3A_356 : i32
      %swap3A_358 = arith.index_cast %add3A_357 : i32 to index
      %swap3A_359 = arith.constant 16 : index
      %swap3A_360 = tpu.vector_load %arg10[%swap3A_358, %swap3A_359] {strides = array<i32>} : memref<512x33xf32, #tpu.memory_space<vmem>>, vector<16xf32>,
      tpu.vector_store %arg10[%swap3A_358, %swap3A_359], %add3A_235 {strides = array<i32>} : memref<512x33xf32, #tpu.memory_space<vmem>>, vector<16xf32>,
      %mul3A_361 = arith.constant 8 : i32
      %mul3A_362 = arith.muli %scan3A_209, %mul3A_361 : i32
      %add3A_363 = arith.constant 1 : i32
      %add3A_364 = arith.addi %mul3A_362, %add3A_363 : i32
      %swap3A_365 = arith.index_cast %add3A_364 : i32 to index
      %swap3A_366 = arith.constant 0 : index
      %swap3A_367 = tpu.vector_load %arg10[%swap3A_365, %swap3A_366] {strides = array<i32>} : memref<512x33xf32, #tpu.memory_space<vmem>>, vector<16xf32>,
      tpu.vector_store %arg10[%swap3A_365, %swap3A_366], %add3A_243 {strides = array<i32>} : memref<512x33xf32, #tpu.memory_space<vmem>>, vector<16xf32>,
      %mul3A_368 = arith.constant 8 : i32
      %mul3A_369 = arith.muli %scan3A_209, %mul3A_368 : i32
      %add3A_370 = arith.constant 1 : i32
      %add3A_371 = arith.addi %mul3A_369, %add3A_370 : i32
      %swap3A_372 = arith.index_cast %add3A_371 : i32 to index
      %swap3A_373 = arith.constant 16 : index
      %swap3A_374 = tpu.vector_load %arg10[%swap3A_372, %swap3A_373] {strides = array<i32>} : memref<512x33xf32, #tpu.memory_space<vmem>>, vector<16xf32>,
      tpu.vector_store %arg10[%swap3A_372, %swap3A_373], %add3A_251 {strides = array<i32>} : memref<512x33xf32, #tpu.memory_space<vmem>>, vector<16xf32>,
      %mul3A_375 = arith.constant 8 : i32
      %mul3A_376 = arith.muli %scan3A_209, %mul3A_375 : i32
      %add3A_377 = arith.constant 2 : i32
      %add3A_378 = arith.addi %mul3A_376, %add3A_377 : i32
      %swap3A_379 = arith.index_cast %add3A_378 : i32 to index
      %swap3A_380 = arith.constant 0 : index
      %swap3A_381 = tpu.vector_load %arg10[%swap3A_379, %swap3A_380] {strides = array<i32>} : memref<512x33xf32, #tpu.memory_space<vmem>>, vector<16xf32>,
      tpu.vector_store %arg10[%swap3A_379, %swap3A_380], %add3A_259 {strides = array<i32>} : memref<512x33xf32, #tpu.memory_space<vmem>>, vector<16xf32>,
      %mul3A_382 = arith.constant 8 : i32
      %mul3A_383 = arith.muli %scan3A_209, %mul3A_382 : i32
      %add3A_384 = arith.constant 2 : i32
      %add3A_385 = arith.addi %mul3A_383, %add3A_384 : i32
      %swap3A_386 = arith.index_cast %add3A_385 : i32 to index
      %swap3A_387 = arith.constant 16 : index
      %swap3A_388 = tpu.vector_load %arg10[%swap3A_386, %swap3A_387] {strides = array<i32>} : memref<512x33xf32, #tpu.memory_space<vmem>>, vector<16xf32>,
      tpu.vector_store %arg10[%swap3A_386, %swap3A_387], %add3A_267 {strides = array<i32>} : memref<512x33xf32, #tpu.memory_space<vmem>>, vector<16xf32>,
      %mul3A_389 = arith.constant 8 : i32
      %mul3A_390 = arith.muli %scan3A_209, %mul3A_389 : i32
      %add3A_391 = arith.constant 3 : i32
      %add3A_392 = arith.addi %mul3A_390, %add3A_391 : i32
      %swap3A_393 = arith.index_cast %add3A_392 : i32 to index
      %swap3A_394 = arith.constant 0 : index
      %swap3A_395 = tpu.vector_load %arg10[%swap3A_393, %swap3A_394] {strides = array<i32>} : memref<512x33xf32, #tpu.memory_space<vmem>>, vector<16xf32>,
      tpu.vector_store %arg10[%swap3A_393, %swap3A_394], %add3A_275 {strides = array<i32>} : memref<512x33xf32, #tpu.memory_space<vmem>>, vector<16xf32>,
      %mul3A_396 = arith.constant 8 : i32
      %mul3A_397 = arith.muli %scan3A_209, %mul3A_396 : i32
      %add3A_398 = arith.constant 3 : i32
      %add3A_399 = arith.addi %mul3A_397, %add3A_398 : i32
      %swap3A_400 = arith.index_cast %add3A_399 : i32 to index
      %swap3A_401 = arith.constant 16 : index
      %swap3A_402 = tpu.vector_load %arg10[%swap3A_400, %swap3A_401] {strides = array<i32>} : memref<512x33xf32, #tpu.memory_space<vmem>>, vector<16xf32>,
      tpu.vector_store %arg10[%swap3A_400, %swap3A_401], %add3A_283 {strides = array<i32>} : memref<512x33xf32, #tpu.memory_space<vmem>>, vector<16xf32>,
      %mul3A_403 = arith.constant 8 : i32
      %mul3A_404 = arith.muli %scan3A_209, %mul3A_403 : i32
      %add3A_405 = arith.constant 4 : i32
      %add3A_406 = arith.addi %mul3A_404, %add3A_405 : i32
      %swap3A_407 = arith.index_cast %add3A_406 : i32 to index
      %swap3A_408 = arith.constant 0 : index
      %swap3A_409 = tpu.vector_load %arg10[%swap3A_407, %swap3A_408] {strides = array<i32>} : memref<512x33xf32, #tpu.memory_space<vmem>>, vector<16xf32>,
      tpu.vector_store %arg10[%swap3A_407, %swap3A_408], %add3A_291 {strides = array<i32>} : memref<512x33xf32, #tpu.memory_space<vmem>>, vector<16xf32>,
      %mul3A_410 = arith.constant 8 : i32
      %mul3A_411 = arith.muli %scan3A_209, %mul3A_410 : i32
      %add3A_412 = arith.constant 4 : i32
      %add3A_413 = arith.addi %mul3A_411, %add3A_412 : i32
      %swap3A_414 = arith.index_cast %add3A_413 : i32 to index
      %swap3A_415 = arith.constant 16 : index
      %swap3A_416 = tpu.vector_load %arg10[%swap3A_414, %swap3A_415] {strides = array<i32>} : memref<512x33xf32, #tpu.memory_space<vmem>>, vector<16xf32>,
      tpu.vector_store %arg10[%swap3A_414, %swap3A_415], %add3A_299 {strides = array<i32>} : memref<512x33xf32, #tpu.memory_space<vmem>>, vector<16xf32>,
      %mul3A_417 = arith.constant 8 : i32
      %mul3A_418 = arith.muli %scan3A_209, %mul3A_417 : i32
      %add3A_419 = arith.constant 5 : i32
      %add3A_420 = arith.addi %mul3A_418, %add3A_419 : i32
      %swap3A_421 = arith.index_cast %add3A_420 : i32 to index
      %swap3A_422 = arith.constant 0 : index
      %swap3A_423 = tpu.vector_load %arg10[%swap3A_421, %swap3A_422] {strides = array<i32>} : memref<512x33xf32, #tpu.memory_space<vmem>>, vector<16xf32>,
      tpu.vector_store %arg10[%swap3A_421, %swap3A_422], %add3A_307 {strides = array<i32>} : memref<512x33xf32, #tpu.memory_space<vmem>>, vector<16xf32>,
      %mul3A_424 = arith.constant 8 : i32
      %mul3A_425 = arith.muli %scan3A_209, %mul3A_424 : i32
      %add3A_426 = arith.constant 5 : i32
      %add3A_427 = arith.addi %mul3A_425, %add3A_426 : i32
      %swap3A_428 = arith.index_cast %add3A_427 : i32 to index
      %swap3A_429 = arith.constant 16 : index
      %swap3A_430 = tpu.vector_load %arg10[%swap3A_428, %swap3A_429] {strides = array<i32>} : memref<512x33xf32, #tpu.memory_space<vmem>>, vector<16xf32>,
      tpu.vector_store %arg10[%swap3A_428, %swap3A_429], %add3A_315 {strides = array<i32>} : memref<512x33xf32, #tpu.memory_space<vmem>>, vector<16xf32>,
      %mul3A_431 = arith.constant 8 : i32
      %mul3A_432 = arith.muli %scan3A_209, %mul3A_431 : i32
      %add3A_433 = arith.constant 6 : i32
      %add3A_434 = arith.addi %mul3A_432, %add3A_433 : i32
      %swap3A_435 = arith.index_cast %add3A_434 : i32 to index
      %swap3A_436 = arith.constant 0 : index
      %swap3A_437 = tpu.vector_load %arg10[%swap3A_435, %swap3A_436] {strides = array<i32>} : memref<512x33xf32, #tpu.memory_space<vmem>>, vector<16xf32>,
      tpu.vector_store %arg10[%swap3A_435, %swap3A_436], %add3A_323 {strides = array<i32>} : memref<512x33xf32, #tpu.memory_space<vmem>>, vector<16xf32>,
      %mul3A_438 = arith.constant 8 : i32
      %mul3A_439 = arith.muli %scan3A_209, %mul3A_438 : i32
      %add3A_440 = arith.constant 6 : i32
      %add3A_441 = arith.addi %mul3A_439, %add3A_440 : i32
      %swap3A_442 = arith.index_cast %add3A_441 : i32 to index
      %swap3A_443 = arith.constant 16 : index
      %swap3A_444 = tpu.vector_load %arg10[%swap3A_442, %swap3A_443] {strides = array<i32>} : memref<512x33xf32, #tpu.memory_space<vmem>>, vector<16xf32>,
      tpu.vector_store %arg10[%swap3A_442, %swap3A_443], %add3A_331 {strides = array<i32>} : memref<512x33xf32, #tpu.memory_space<vmem>>, vector<16xf32>,
      %mul3A_445 = arith.constant 8 : i32
      %mul3A_446 = arith.muli %scan3A_209, %mul3A_445 : i32
      %add3A_447 = arith.constant 7 : i32
      %add3A_448 = arith.addi %mul3A_446, %add3A_447 : i32
      %swap3A_449 = arith.index_cast %add3A_448 : i32 to index
      %swap3A_450 = arith.constant 0 : index
      %swap3A_451 = tpu.vector_load %arg10[%swap3A_449, %swap3A_450] {strides = array<i32>} : memref<512x33xf32, #tpu.memory_space<vmem>>, vector<16xf32>,
      tpu.vector_store %arg10[%swap3A_449, %swap3A_450], %add3A_339 {strides = array<i32>} : memref<512x33xf32, #tpu.memory_space<vmem>>, vector<16xf32>,
      %mul3A_452 = arith.constant 8 : i32
      %mul3A_453 = arith.muli %scan3A_209, %mul3A_452 : i32
      %add3A_454 = arith.constant 7 : i32
      %add3A_455 = arith.addi %mul3A_453, %add3A_454 : i32
      %swap3A_456 = arith.index_cast %add3A_455 : i32 to index
      %swap3A_457 = arith.constant 16 : index
      %swap3A_458 = tpu.vector_load %arg10[%swap3A_456, %swap3A_457] {strides = array<i32>} : memref<512x33xf32, #tpu.memory_space<vmem>>, vector<16xf32>,
      tpu.vector_store %arg10[%swap3A_456, %swap3A_457], %add3A_347 {strides = array<i32>} : memref<512x33xf32, #tpu.memory_space<vmem>>, vector<16xf32>,
    }
    %scan3A_128 = arith.constant 64 : i32
    %scan3A_129 = arith.constant 0 : i32
    %scan3A_130 = arith.constant 128 : i32
    %scan3A_131 = arith.addi %scan3A_129, %scan3A_130 : i32
    %scan3A_132 = arith.constant 1 : i32
    scf.for %scan3A_209 = %scan3A_129 to %scan3A_131 step %scan3A_132  : i32 {
      %shift_right_arithmetic3A = arith.constant 5 : i32
      %shift_right_arithmetic3A_210 = arith.shrsi %scan3A_209, %shift_right_arithmetic3A : i32
      %and3A = arith.constant 31 : i32
      %and3A_211 = arith.andi %scan3A_209, %and3A : i32
      %broadcast_in_dim3A = vector.broadcast %and3A_211 : i32 to vector<16xi32>
      %mul3A_212 = arith.constant 128 : i32
      %mul3A_213 = arith.muli %shift_right_arithmetic3A_210, %mul3A_212 : i32
      %add3A_214 = arith.constant 0 : i32
      %add3A_215 = arith.addi %mul3A_213, %add3A_214 : i32
      %gather3A = arith.constant 0 : i32
      %gather3A_216 = tpu.memref_slice %arg10[%add3A_215, %gather3A] : memref<512x33xf32, #tpu.memory_space<vmem>> -> memref<16x33xf32, #tpu.memory_space<vmem>>
      %gather3A_217 = tpu.vector_load_idx %gather3A_216[%iota3A, %broadcast_in_dim3A] : memref<16x33xf32, #tpu.memory_space<vmem>>[vector<16xi32>, vector<16xi32>], vector<16xf32>,
      %mul3A_218 = arith.constant 128 : i32
      %mul3A_219 = arith.muli %shift_right_arithmetic3A_210, %mul3A_218 : i32
      %add3A_220 = arith.constant 16 : i32
      %add3A_221 = arith.addi %mul3A_219, %add3A_220 : i32
      %gather3A_222 = arith.constant 0 : i32
      %gather3A_223 = tpu.memref_slice %arg10[%add3A_221, %gather3A_222] : memref<512x33xf32, #tpu.memory_space<vmem>> -> memref<16x33xf32, #tpu.memory_space<vmem>>
      %gather3A_224 = tpu.vector_load_idx %gather3A_223[%iota3A, %broadcast_in_dim3A] : memref<16x33xf32, #tpu.memory_space<vmem>>[vector<16xi32>, vector<16xi32>], vector<16xf32>,
      %mul3A_225 = arith.constant 128 : i32
      %mul3A_226 = arith.muli %shift_right_arithmetic3A_210, %mul3A_225 : i32
      %add3A_227 = arith.constant 32 : i32
      %add3A_228 = arith.addi %mul3A_226, %add3A_227 : i32
      %gather3A_229 = arith.constant 0 : i32
      %gather3A_230 = tpu.memref_slice %arg10[%add3A_228, %gather3A_229] : memref<512x33xf32, #tpu.memory_space<vmem>> -> memref<16x33xf32, #tpu.memory_space<vmem>>
      %gather3A_231 = tpu.vector_load_idx %gather3A_230[%iota3A, %broadcast_in_dim3A] : memref<16x33xf32, #tpu.memory_space<vmem>>[vector<16xi32>, vector<16xi32>], vector<16xf32>,
      %mul3A_232 = arith.constant 128 : i32
      %mul3A_233 = arith.muli %shift_right_arithmetic3A_210, %mul3A_232 : i32
      %add3A_234 = arith.constant 48 : i32
      %add3A_235 = arith.addi %mul3A_233, %add3A_234 : i32
      %gather3A_236 = arith.constant 0 : i32
      %gather3A_237 = tpu.memref_slice %arg10[%add3A_235, %gather3A_236] : memref<512x33xf32, #tpu.memory_space<vmem>> -> memref<16x33xf32, #tpu.memory_space<vmem>>
      %gather3A_238 = tpu.vector_load_idx %gather3A_237[%iota3A, %broadcast_in_dim3A] : memref<16x33xf32, #tpu.memory_space<vmem>>[vector<16xi32>, vector<16xi32>], vector<16xf32>,
      %mul3A_239 = arith.constant 128 : i32
      %mul3A_240 = arith.muli %shift_right_arithmetic3A_210, %mul3A_239 : i32
      %add3A_241 = arith.constant 64 : i32
      %add3A_242 = arith.addi %mul3A_240, %add3A_241 : i32
      %gather3A_243 = arith.constant 0 : i32
      %gather3A_244 = tpu.memref_slice %arg10[%add3A_242, %gather3A_243] : memref<512x33xf32, #tpu.memory_space<vmem>> -> memref<16x33xf32, #tpu.memory_space<vmem>>
      %gather3A_245 = tpu.vector_load_idx %gather3A_244[%iota3A, %broadcast_in_dim3A] : memref<16x33xf32, #tpu.memory_space<vmem>>[vector<16xi32>, vector<16xi32>], vector<16xf32>,
      %mul3A_246 = arith.constant 128 : i32
      %mul3A_247 = arith.muli %shift_right_arithmetic3A_210, %mul3A_246 : i32
      %add3A_248 = arith.constant 80 : i32
      %add3A_249 = arith.addi %mul3A_247, %add3A_248 : i32
      %gather3A_250 = arith.constant 0 : i32
      %gather3A_251 = tpu.memref_slice %arg10[%add3A_249, %gather3A_250] : memref<512x33xf32, #tpu.memory_space<vmem>> -> memref<16x33xf32, #tpu.memory_space<vmem>>
      %gather3A_252 = tpu.vector_load_idx %gather3A_251[%iota3A, %broadcast_in_dim3A] : memref<16x33xf32, #tpu.memory_space<vmem>>[vector<16xi32>, vector<16xi32>], vector<16xf32>,
      %mul3A_253 = arith.constant 128 : i32
      %mul3A_254 = arith.muli %shift_right_arithmetic3A_210, %mul3A_253 : i32
      %add3A_255 = arith.constant 96 : i32
      %add3A_256 = arith.addi %mul3A_254, %add3A_255 : i32
      %gather3A_257 = arith.constant 0 : i32
      %gather3A_258 = tpu.memref_slice %arg10[%add3A_256, %gather3A_257] : memref<512x33xf32, #tpu.memory_space<vmem>> -> memref<16x33xf32, #tpu.memory_space<vmem>>
      %gather3A_259 = tpu.vector_load_idx %gather3A_258[%iota3A, %broadcast_in_dim3A] : memref<16x33xf32, #tpu.memory_space<vmem>>[vector<16xi32>, vector<16xi32>], vector<16xf32>,
      %mul3A_260 = arith.constant 128 : i32
      %mul3A_261 = arith.muli %shift_right_arithmetic3A_210, %mul3A_260 : i32
      %add3A_262 = arith.constant 112 : i32
      %add3A_263 = arith.addi %mul3A_261, %add3A_262 : i32
      %gather3A_264 = arith.constant 0 : i32
      %gather3A_265 = tpu.memref_slice %arg10[%add3A_263, %gather3A_264] : memref<512x33xf32, #tpu.memory_space<vmem>> -> memref<16x33xf32, #tpu.memory_space<vmem>>
      %gather3A_266 = tpu.vector_load_idx %gather3A_265[%iota3A, %broadcast_in_dim3A] : memref<16x33xf32, #tpu.memory_space<vmem>>[vector<16xi32>, vector<16xi32>], vector<16xf32>,
      %shift_right_arithmetic3A_267 = arith.constant 3 : i32
      %shift_right_arithmetic3A_268 = arith.shrsi %and3A_211, %shift_right_arithmetic3A_267 : i32
      %and3A_269 = arith.constant 7 : i32
      %and3A_270 = arith.andi %and3A_211, %and3A_269 : i32
      %swap3A = arith.index_cast %shift_right_arithmetic3A_210 : i32 to index
      %swap3A_271 = arith.index_cast %shift_right_arithmetic3A_268 : i32 to index
      %swap3A_272 = arith.index_cast %and3A_270 : i32 to index
      %swap3A_273 = arith.constant 0 : index
      %swap3A_274 = tpu.vector_load %arg11[%swap3A, %swap3A_271, %swap3A_272, %swap3A_273] {strides = array<i32>} : memref<4x4x8x128xf32, #tpu.memory_space<vmem>>, vector<16xf32>,
      tpu.vector_store %arg11[%swap3A, %swap3A_271, %swap3A_272, %swap3A_273], %gather3A_217 {strides = array<i32>} : memref<4x4x8x128xf32, #tpu.memory_space<vmem>>, vector<16xf32>,
      %shift_right_arithmetic3A_275 = arith.constant 3 : i32
      %shift_right_arithmetic3A_276 = arith.shrsi %and3A_211, %shift_right_arithmetic3A_275 : i32
      %and3A_277 = arith.constant 7 : i32
      %and3A_278 = arith.andi %and3A_211, %and3A_277 : i32
      %swap3A_279 = arith.index_cast %shift_right_arithmetic3A_210 : i32 to index
      %swap3A_280 = arith.index_cast %shift_right_arithmetic3A_276 : i32 to index
      %swap3A_281 = arith.index_cast %and3A_278 : i32 to index
      %swap3A_282 = arith.constant 16 : index
      %swap3A_283 = tpu.vector_load %arg11[%swap3A_279, %swap3A_280, %swap3A_281, %swap3A_282] {strides = array<i32>} : memref<4x4x8x128xf32, #tpu.memory_space<vmem>>, vector<16xf32>,
      tpu.vector_store %arg11[%swap3A_279, %swap3A_280, %swap3A_281, %swap3A_282], %gather3A_224 {strides = array<i32>} : memref<4x4x8x128xf32, #tpu.memory_space<vmem>>, vector<16xf32>,
      %shift_right_arithmetic3A_284 = arith.constant 3 : i32
      %shift_right_arithmetic3A_285 = arith.shrsi %and3A_211, %shift_right_arithmetic3A_284 : i32
      %and3A_286 = arith.constant 7 : i32
      %and3A_287 = arith.andi %and3A_211, %and3A_286 : i32
      %swap3A_288 = arith.index_cast %shift_right_arithmetic3A_210 : i32 to index
      %swap3A_289 = arith.index_cast %shift_right_arithmetic3A_285 : i32 to index
      %swap3A_290 = arith.index_cast %and3A_287 : i32 to index
      %swap3A_291 = arith.constant 32 : index
      %swap3A_292 = tpu.vector_load %arg11[%swap3A_288, %swap3A_289, %swap3A_290, %swap3A_291] {strides = array<i32>} : memref<4x4x8x128xf32, #tpu.memory_space<vmem>>, vector<16xf32>,
      tpu.vector_store %arg11[%swap3A_288, %swap3A_289, %swap3A_290, %swap3A_291], %gather3A_231 {strides = array<i32>} : memref<4x4x8x128xf32, #tpu.memory_space<vmem>>, vector<16xf32>,
      %shift_right_arithmetic3A_293 = arith.constant 3 : i32
      %shift_right_arithmetic3A_294 = arith.shrsi %and3A_211, %shift_right_arithmetic3A_293 : i32
      %and3A_295 = arith.constant 7 : i32
      %and3A_296 = arith.andi %and3A_211, %and3A_295 : i32
      %swap3A_297 = arith.index_cast %shift_right_arithmetic3A_210 : i32 to index
      %swap3A_298 = arith.index_cast %shift_right_arithmetic3A_294 : i32 to index
      %swap3A_299 = arith.index_cast %and3A_296 : i32 to index
      %swap3A_300 = arith.constant 48 : index
      %swap3A_301 = tpu.vector_load %arg11[%swap3A_297, %swap3A_298, %swap3A_299, %swap3A_300] {strides = array<i32>} : memref<4x4x8x128xf32, #tpu.memory_space<vmem>>, vector<16xf32>,
      tpu.vector_store %arg11[%swap3A_297, %swap3A_298, %swap3A_299, %swap3A_300], %gather3A_238 {strides = array<i32>} : memref<4x4x8x128xf32, #tpu.memory_space<vmem>>, vector<16xf32>,
      %shift_right_arithmetic3A_302 = arith.constant 3 : i32
      %shift_right_arithmetic3A_303 = arith.shrsi %and3A_211, %shift_right_arithmetic3A_302 : i32
      %and3A_304 = arith.constant 7 : i32
      %and3A_305 = arith.andi %and3A_211, %and3A_304 : i32
      %swap3A_306 = arith.index_cast %shift_right_arithmetic3A_210 : i32 to index
      %swap3A_307 = arith.index_cast %shift_right_arithmetic3A_303 : i32 to index
      %swap3A_308 = arith.index_cast %and3A_305 : i32 to index
      %swap3A_309 = arith.constant 64 : index
      %swap3A_310 = tpu.vector_load %arg11[%swap3A_306, %swap3A_307, %swap3A_308, %swap3A_309] {strides = array<i32>} : memref<4x4x8x128xf32, #tpu.memory_space<vmem>>, vector<16xf32>,
      tpu.vector_store %arg11[%swap3A_306, %swap3A_307, %swap3A_308, %swap3A_309], %gather3A_245 {strides = array<i32>} : memref<4x4x8x128xf32, #tpu.memory_space<vmem>>, vector<16xf32>,
      %shift_right_arithmetic3A_311 = arith.constant 3 : i32
      %shift_right_arithmetic3A_312 = arith.shrsi %and3A_211, %shift_right_arithmetic3A_311 : i32
      %and3A_313 = arith.constant 7 : i32
      %and3A_314 = arith.andi %and3A_211, %and3A_313 : i32
      %swap3A_315 = arith.index_cast %shift_right_arithmetic3A_210 : i32 to index
      %swap3A_316 = arith.index_cast %shift_right_arithmetic3A_312 : i32 to index
      %swap3A_317 = arith.index_cast %and3A_314 : i32 to index
      %swap3A_318 = arith.constant 80 : index
      %swap3A_319 = tpu.vector_load %arg11[%swap3A_315, %swap3A_316, %swap3A_317, %swap3A_318] {strides = array<i32>} : memref<4x4x8x128xf32, #tpu.memory_space<vmem>>, vector<16xf32>,
      tpu.vector_store %arg11[%swap3A_315, %swap3A_316, %swap3A_317, %swap3A_318], %gather3A_252 {strides = array<i32>} : memref<4x4x8x128xf32, #tpu.memory_space<vmem>>, vector<16xf32>,
      %shift_right_arithmetic3A_320 = arith.constant 3 : i32
      %shift_right_arithmetic3A_321 = arith.shrsi %and3A_211, %shift_right_arithmetic3A_320 : i32
      %and3A_322 = arith.constant 7 : i32
      %and3A_323 = arith.andi %and3A_211, %and3A_322 : i32
      %swap3A_324 = arith.index_cast %shift_right_arithmetic3A_210 : i32 to index
      %swap3A_325 = arith.index_cast %shift_right_arithmetic3A_321 : i32 to index
      %swap3A_326 = arith.index_cast %and3A_323 : i32 to index
      %swap3A_327 = arith.constant 96 : index
      %swap3A_328 = tpu.vector_load %arg11[%swap3A_324, %swap3A_325, %swap3A_326, %swap3A_327] {strides = array<i32>} : memref<4x4x8x128xf32, #tpu.memory_space<vmem>>, vector<16xf32>,
      tpu.vector_store %arg11[%swap3A_324, %swap3A_325, %swap3A_326, %swap3A_327], %gather3A_259 {strides = array<i32>} : memref<4x4x8x128xf32, #tpu.memory_space<vmem>>, vector<16xf32>,
      %shift_right_arithmetic3A_329 = arith.constant 3 : i32
      %shift_right_arithmetic3A_330 = arith.shrsi %and3A_211, %shift_right_arithmetic3A_329 : i32
      %and3A_331 = arith.constant 7 : i32
      %and3A_332 = arith.andi %and3A_211, %and3A_331 : i32
      %swap3A_333 = arith.index_cast %shift_right_arithmetic3A_210 : i32 to index
      %swap3A_334 = arith.index_cast %shift_right_arithmetic3A_330 : i32 to index
      %swap3A_335 = arith.index_cast %and3A_332 : i32 to index
      %swap3A_336 = arith.constant 112 : index
      %swap3A_337 = tpu.vector_load %arg11[%swap3A_333, %swap3A_334, %swap3A_335, %swap3A_336] {strides = array<i32>} : memref<4x4x8x128xf32, #tpu.memory_space<vmem>>, vector<16xf32>,
      tpu.vector_store %arg11[%swap3A_333, %swap3A_334, %swap3A_335, %swap3A_336], %gather3A_266 {strides = array<i32>} : memref<4x4x8x128xf32, #tpu.memory_space<vmem>>, vector<16xf32>,
    }
    %scan3A_133 = arith.constant 128 : i32
    %dma_start3A_134 = arith.constant 192 : i32
    %dma_start3A_135 = arith.constant 0 : i32
    %dma_start3A_136 = arith.constant 0 : i32
    %dma_start3A_137 = arith.constant 0 : i32
    %dma_start3A_138 = tpu.memref_slice %arg5[%dma_start3A_134, %dma_start3A_135, %add3A, %dma_start3A_136, %dma_start3A_137] : memref<200x4x32x8x128xf32, #tpu.memory_space<hbm>> -> memref<4x4x1x8x128xf32, #tpu.memory_space<hbm>>
    %dma_start3A_139 = tpu.memref_squeeze %dma_start3A_138 : memref<4x4x1x8x128xf32, #tpu.memory_space<hbm>> -> memref<4x4x8x128xf32, #tpu.memory_space<hbm>>
    %dma_start3A_140 = arith.constant 192 : i32
    %dma_start3A_141 = arith.constant 0 : i32
    %dma_start3A_142 = arith.constant 0 : i32
    %dma_start3A_143 = arith.constant 0 : i32
    %dma_start3A_144 = tpu.memref_slice %arg5[%dma_start3A_140, %dma_start3A_141, %add3A, %dma_start3A_142, %dma_start3A_143] : memref<200x4x32x8x128xf32, #tpu.memory_space<hbm>> -> memref<4x4x1x8x128xf32, #tpu.memory_space<hbm>>
    %dma_start3A_145 = tpu.memref_squeeze %dma_start3A_144 : memref<4x4x1x8x128xf32, #tpu.memory_space<hbm>> -> memref<4x4x8x128xf32, #tpu.memory_space<hbm>>
    tpu.enqueue_dma source(%arg11 : memref<4x4x8x128xf32, #tpu.memory_space<vmem>>) target(%dma_start3A_145 : memref<4x4x8x128xf32, #tpu.memory_space<hbm>>) target_semaphore(%arg16 : memref<!tpu.dma_semaphore, #tpu.memory_space<semaphore_mem>>)
    %dma_wait3A_146 = arith.constant 188 : i32
    %dma_wait3A_147 = arith.constant 0 : i32
    %dma_wait3A_148 = arith.constant 0 : i32
    %dma_wait3A_149 = arith.constant 0 : i32
    %dma_wait3A_150 = tpu.memref_slice %arg5[%dma_wait3A_146, %dma_wait3A_147, %add3A, %dma_wait3A_148, %dma_wait3A_149] : memref<200x4x32x8x128xf32, #tpu.memory_space<hbm>> -> memref<4x4x1x8x128xf32, #tpu.memory_space<hbm>>
    %dma_wait3A_151 = tpu.memref_squeeze %dma_wait3A_150 : memref<4x4x1x8x128xf32, #tpu.memory_space<hbm>> -> memref<4x4x8x128xf32, #tpu.memory_space<hbm>>
    %dma_wait3A_152 = arith.constant 188 : i32
    %dma_wait3A_153 = arith.constant 0 : i32
    %dma_wait3A_154 = arith.constant 0 : i32
    %dma_wait3A_155 = arith.constant 0 : i32
    %dma_wait3A_156 = tpu.memref_slice %arg5[%dma_wait3A_152, %dma_wait3A_153, %add3A, %dma_wait3A_154, %dma_wait3A_155] : memref<200x4x32x8x128xf32, #tpu.memory_space<hbm>> -> memref<4x4x1x8x128xf32, #tpu.memory_space<hbm>>
    %dma_wait3A_157 = tpu.memref_squeeze %dma_wait3A_156 : memref<4x4x1x8x128xf32, #tpu.memory_space<hbm>> -> memref<4x4x8x128xf32, #tpu.memory_space<hbm>>
    tpu.wait_dma2 semaphore(%arg17 : memref<!tpu.dma_semaphore, #tpu.memory_space<semaphore_mem>>) src(%arg12 : memref<4x4x8x128xf32, #tpu.memory_space<vmem>>) dst(%dma_wait3A_157 : memref<4x4x8x128xf32, #tpu.memory_space<hbm>>)
    %dma_wait3A_158 = arith.constant 25088 : i32
    %dma_wait3A_159 = tpu.memref_slice %arg7[%dma_wait3A_158] : memref<25600xi32, #tpu.memory_space<vmem>> -> memref<512xi32, #tpu.memory_space<vmem>>
    %dma_wait3A_160 = arith.constant 0 : i32
    %dma_wait3A_161 = arith.constant 0 : i32
    %dma_wait3A_162 = tpu.memref_slice %arg3[%dma_wait3A_160, %dma_wait3A_161] : memref<1000000x32xf32, #tpu.memory_space<hbm>> -> memref<1000000x32xf32, #tpu.memory_space<hbm>>
    tpu.wait_indirect_dma semaphore(%arg15 : memref<!tpu.dma_semaphore, #tpu.memory_space<semaphore_mem>>) src(%dma_wait3A_162 : memref<1000000x32xf32, #tpu.memory_space<hbm>>) dst(%arg9 : memref<512x32xf32, #tpu.memory_space<vmem>>)
    %scan3A_163 = arith.constant 0 : i32
    %scan3A_164 = arith.constant 64 : i32
    %scan3A_165 = arith.addi %scan3A_163, %scan3A_164 : i32
    %scan3A_166 = arith.constant 1 : i32
    scf.for %scan3A_209 = %scan3A_163 to %scan3A_165 step %scan3A_166  : i32 {
      %mul3A_210 = arith.constant 8 : i32
      %mul3A_211 = arith.muli %scan3A_209, %mul3A_210 : i32
      %shift_right_arithmetic3A = arith.constant 7 : i32
      %shift_right_arithmetic3A_212 = arith.shrsi %mul3A_211, %shift_right_arithmetic3A : i32
      %add3A_213 = arith.constant 196 : i32
      %add3A_214 = arith.addi %add3A_213, %shift_right_arithmetic3A_212 : i32
      %get3A = arith.index_cast %add3A_214 : i32 to index
      %get3A_215 = arith.constant 0 : index
      %get3A_216 = tpu.vector_load %arg13[%get3A, %get3A_215] {strides = array<i32>} : memref<200x32xf32, #tpu.memory_space<vmem>>, vector<16xf32>,
      %get3A_217 = arith.index_cast %add3A_214 : i32 to index
      %get3A_218 = arith.constant 16 : index
      %get3A_219 = tpu.vector_load %arg13[%get3A_217, %get3A_218] {strides = array<i32>} : memref<200x32xf32, #tpu.memory_space<vmem>>, vector<16xf32>,
      %mul3A_220 = arith.constant 8 : i32
      %mul3A_221 = arith.muli %scan3A_209, %mul3A_220 : i32
      %add3A_222 = arith.constant 0 : i32
      %add3A_223 = arith.addi %mul3A_221, %add3A_222 : i32
      %get3A_224 = arith.index_cast %add3A_223 : i32 to index
      %get3A_225 = arith.constant 0 : index
      %get3A_226 = tpu.vector_load %arg9[%get3A_224, %get3A_225] {strides = array<i32>} : memref<512x32xf32, #tpu.memory_space<vmem>>, vector<16xf32>,
      %add3A_227 = arith.addf %get3A_226, %get3A_216 : vector<16xf32>
      %mul3A_228 = arith.constant 8 : i32
      %mul3A_229 = arith.muli %scan3A_209, %mul3A_228 : i32
      %add3A_230 = arith.constant 0 : i32
      %add3A_231 = arith.addi %mul3A_229, %add3A_230 : i32
      %get3A_232 = arith.index_cast %add3A_231 : i32 to index
      %get3A_233 = arith.constant 16 : index
      %get3A_234 = tpu.vector_load %arg9[%get3A_232, %get3A_233] {strides = array<i32>} : memref<512x32xf32, #tpu.memory_space<vmem>>, vector<16xf32>,
      %add3A_235 = arith.addf %get3A_234, %get3A_219 : vector<16xf32>
      %mul3A_236 = arith.constant 8 : i32
      %mul3A_237 = arith.muli %scan3A_209, %mul3A_236 : i32
      %add3A_238 = arith.constant 1 : i32
      %add3A_239 = arith.addi %mul3A_237, %add3A_238 : i32
      %get3A_240 = arith.index_cast %add3A_239 : i32 to index
      %get3A_241 = arith.constant 0 : index
      %get3A_242 = tpu.vector_load %arg9[%get3A_240, %get3A_241] {strides = array<i32>} : memref<512x32xf32, #tpu.memory_space<vmem>>, vector<16xf32>,
      %add3A_243 = arith.addf %get3A_242, %get3A_216 : vector<16xf32>
      %mul3A_244 = arith.constant 8 : i32
      %mul3A_245 = arith.muli %scan3A_209, %mul3A_244 : i32
      %add3A_246 = arith.constant 1 : i32
      %add3A_247 = arith.addi %mul3A_245, %add3A_246 : i32
      %get3A_248 = arith.index_cast %add3A_247 : i32 to index
      %get3A_249 = arith.constant 16 : index
      %get3A_250 = tpu.vector_load %arg9[%get3A_248, %get3A_249] {strides = array<i32>} : memref<512x32xf32, #tpu.memory_space<vmem>>, vector<16xf32>,
      %add3A_251 = arith.addf %get3A_250, %get3A_219 : vector<16xf32>
      %mul3A_252 = arith.constant 8 : i32
      %mul3A_253 = arith.muli %scan3A_209, %mul3A_252 : i32
      %add3A_254 = arith.constant 2 : i32
      %add3A_255 = arith.addi %mul3A_253, %add3A_254 : i32
      %get3A_256 = arith.index_cast %add3A_255 : i32 to index
      %get3A_257 = arith.constant 0 : index
      %get3A_258 = tpu.vector_load %arg9[%get3A_256, %get3A_257] {strides = array<i32>} : memref<512x32xf32, #tpu.memory_space<vmem>>, vector<16xf32>,
      %add3A_259 = arith.addf %get3A_258, %get3A_216 : vector<16xf32>
      %mul3A_260 = arith.constant 8 : i32
      %mul3A_261 = arith.muli %scan3A_209, %mul3A_260 : i32
      %add3A_262 = arith.constant 2 : i32
      %add3A_263 = arith.addi %mul3A_261, %add3A_262 : i32
      %get3A_264 = arith.index_cast %add3A_263 : i32 to index
      %get3A_265 = arith.constant 16 : index
      %get3A_266 = tpu.vector_load %arg9[%get3A_264, %get3A_265] {strides = array<i32>} : memref<512x32xf32, #tpu.memory_space<vmem>>, vector<16xf32>,
      %add3A_267 = arith.addf %get3A_266, %get3A_219 : vector<16xf32>
      %mul3A_268 = arith.constant 8 : i32
      %mul3A_269 = arith.muli %scan3A_209, %mul3A_268 : i32
      %add3A_270 = arith.constant 3 : i32
      %add3A_271 = arith.addi %mul3A_269, %add3A_270 : i32
      %get3A_272 = arith.index_cast %add3A_271 : i32 to index
      %get3A_273 = arith.constant 0 : index
      %get3A_274 = tpu.vector_load %arg9[%get3A_272, %get3A_273] {strides = array<i32>} : memref<512x32xf32, #tpu.memory_space<vmem>>, vector<16xf32>,
      %add3A_275 = arith.addf %get3A_274, %get3A_216 : vector<16xf32>
      %mul3A_276 = arith.constant 8 : i32
      %mul3A_277 = arith.muli %scan3A_209, %mul3A_276 : i32
      %add3A_278 = arith.constant 3 : i32
      %add3A_279 = arith.addi %mul3A_277, %add3A_278 : i32
      %get3A_280 = arith.index_cast %add3A_279 : i32 to index
      %get3A_281 = arith.constant 16 : index
      %get3A_282 = tpu.vector_load %arg9[%get3A_280, %get3A_281] {strides = array<i32>} : memref<512x32xf32, #tpu.memory_space<vmem>>, vector<16xf32>,
      %add3A_283 = arith.addf %get3A_282, %get3A_219 : vector<16xf32>
      %mul3A_284 = arith.constant 8 : i32
      %mul3A_285 = arith.muli %scan3A_209, %mul3A_284 : i32
      %add3A_286 = arith.constant 4 : i32
      %add3A_287 = arith.addi %mul3A_285, %add3A_286 : i32
      %get3A_288 = arith.index_cast %add3A_287 : i32 to index
      %get3A_289 = arith.constant 0 : index
      %get3A_290 = tpu.vector_load %arg9[%get3A_288, %get3A_289] {strides = array<i32>} : memref<512x32xf32, #tpu.memory_space<vmem>>, vector<16xf32>,
      %add3A_291 = arith.addf %get3A_290, %get3A_216 : vector<16xf32>
      %mul3A_292 = arith.constant 8 : i32
      %mul3A_293 = arith.muli %scan3A_209, %mul3A_292 : i32
      %add3A_294 = arith.constant 4 : i32
      %add3A_295 = arith.addi %mul3A_293, %add3A_294 : i32
      %get3A_296 = arith.index_cast %add3A_295 : i32 to index
      %get3A_297 = arith.constant 16 : index
      %get3A_298 = tpu.vector_load %arg9[%get3A_296, %get3A_297] {strides = array<i32>} : memref<512x32xf32, #tpu.memory_space<vmem>>, vector<16xf32>,
      %add3A_299 = arith.addf %get3A_298, %get3A_219 : vector<16xf32>
      %mul3A_300 = arith.constant 8 : i32
      %mul3A_301 = arith.muli %scan3A_209, %mul3A_300 : i32
      %add3A_302 = arith.constant 5 : i32
      %add3A_303 = arith.addi %mul3A_301, %add3A_302 : i32
      %get3A_304 = arith.index_cast %add3A_303 : i32 to index
      %get3A_305 = arith.constant 0 : index
      %get3A_306 = tpu.vector_load %arg9[%get3A_304, %get3A_305] {strides = array<i32>} : memref<512x32xf32, #tpu.memory_space<vmem>>, vector<16xf32>,
      %add3A_307 = arith.addf %get3A_306, %get3A_216 : vector<16xf32>
      %mul3A_308 = arith.constant 8 : i32
      %mul3A_309 = arith.muli %scan3A_209, %mul3A_308 : i32
      %add3A_310 = arith.constant 5 : i32
      %add3A_311 = arith.addi %mul3A_309, %add3A_310 : i32
      %get3A_312 = arith.index_cast %add3A_311 : i32 to index
      %get3A_313 = arith.constant 16 : index
      %get3A_314 = tpu.vector_load %arg9[%get3A_312, %get3A_313] {strides = array<i32>} : memref<512x32xf32, #tpu.memory_space<vmem>>, vector<16xf32>,
      %add3A_315 = arith.addf %get3A_314, %get3A_219 : vector<16xf32>
      %mul3A_316 = arith.constant 8 : i32
      %mul3A_317 = arith.muli %scan3A_209, %mul3A_316 : i32
      %add3A_318 = arith.constant 6 : i32
      %add3A_319 = arith.addi %mul3A_317, %add3A_318 : i32
      %get3A_320 = arith.index_cast %add3A_319 : i32 to index
      %get3A_321 = arith.constant 0 : index
      %get3A_322 = tpu.vector_load %arg9[%get3A_320, %get3A_321] {strides = array<i32>} : memref<512x32xf32, #tpu.memory_space<vmem>>, vector<16xf32>,
      %add3A_323 = arith.addf %get3A_322, %get3A_216 : vector<16xf32>
      %mul3A_324 = arith.constant 8 : i32
      %mul3A_325 = arith.muli %scan3A_209, %mul3A_324 : i32
      %add3A_326 = arith.constant 6 : i32
      %add3A_327 = arith.addi %mul3A_325, %add3A_326 : i32
      %get3A_328 = arith.index_cast %add3A_327 : i32 to index
      %get3A_329 = arith.constant 16 : index
      %get3A_330 = tpu.vector_load %arg9[%get3A_328, %get3A_329] {strides = array<i32>} : memref<512x32xf32, #tpu.memory_space<vmem>>, vector<16xf32>,
      %add3A_331 = arith.addf %get3A_330, %get3A_219 : vector<16xf32>
      %mul3A_332 = arith.constant 8 : i32
      %mul3A_333 = arith.muli %scan3A_209, %mul3A_332 : i32
      %add3A_334 = arith.constant 7 : i32
      %add3A_335 = arith.addi %mul3A_333, %add3A_334 : i32
      %get3A_336 = arith.index_cast %add3A_335 : i32 to index
      %get3A_337 = arith.constant 0 : index
      %get3A_338 = tpu.vector_load %arg9[%get3A_336, %get3A_337] {strides = array<i32>} : memref<512x32xf32, #tpu.memory_space<vmem>>, vector<16xf32>,
      %add3A_339 = arith.addf %get3A_338, %get3A_216 : vector<16xf32>
      %mul3A_340 = arith.constant 8 : i32
      %mul3A_341 = arith.muli %scan3A_209, %mul3A_340 : i32
      %add3A_342 = arith.constant 7 : i32
      %add3A_343 = arith.addi %mul3A_341, %add3A_342 : i32
      %get3A_344 = arith.index_cast %add3A_343 : i32 to index
      %get3A_345 = arith.constant 16 : index
      %get3A_346 = tpu.vector_load %arg9[%get3A_344, %get3A_345] {strides = array<i32>} : memref<512x32xf32, #tpu.memory_space<vmem>>, vector<16xf32>,
      %add3A_347 = arith.addf %get3A_346, %get3A_219 : vector<16xf32>
      %mul3A_348 = arith.constant 8 : i32
      %mul3A_349 = arith.muli %scan3A_209, %mul3A_348 : i32
      %add3A_350 = arith.constant 0 : i32
      %add3A_351 = arith.addi %mul3A_349, %add3A_350 : i32
      %swap3A = arith.index_cast %add3A_351 : i32 to index
      %swap3A_352 = arith.constant 0 : index
      %swap3A_353 = tpu.vector_load %arg10[%swap3A, %swap3A_352] {strides = array<i32>} : memref<512x33xf32, #tpu.memory_space<vmem>>, vector<16xf32>,
      tpu.vector_store %arg10[%swap3A, %swap3A_352], %add3A_227 {strides = array<i32>} : memref<512x33xf32, #tpu.memory_space<vmem>>, vector<16xf32>,
      %mul3A_354 = arith.constant 8 : i32
      %mul3A_355 = arith.muli %scan3A_209, %mul3A_354 : i32
      %add3A_356 = arith.constant 0 : i32
      %add3A_357 = arith.addi %mul3A_355, %add3A_356 : i32
      %swap3A_358 = arith.index_cast %add3A_357 : i32 to index
      %swap3A_359 = arith.constant 16 : index
      %swap3A_360 = tpu.vector_load %arg10[%swap3A_358, %swap3A_359] {strides = array<i32>} : memref<512x33xf32, #tpu.memory_space<vmem>>, vector<16xf32>,
      tpu.vector_store %arg10[%swap3A_358, %swap3A_359], %add3A_235 {strides = array<i32>} : memref<512x33xf32, #tpu.memory_space<vmem>>, vector<16xf32>,
      %mul3A_361 = arith.constant 8 : i32
      %mul3A_362 = arith.muli %scan3A_209, %mul3A_361 : i32
      %add3A_363 = arith.constant 1 : i32
      %add3A_364 = arith.addi %mul3A_362, %add3A_363 : i32
      %swap3A_365 = arith.index_cast %add3A_364 : i32 to index
      %swap3A_366 = arith.constant 0 : index
      %swap3A_367 = tpu.vector_load %arg10[%swap3A_365, %swap3A_366] {strides = array<i32>} : memref<512x33xf32, #tpu.memory_space<vmem>>, vector<16xf32>,
      tpu.vector_store %arg10[%swap3A_365, %swap3A_366], %add3A_243 {strides = array<i32>} : memref<512x33xf32, #tpu.memory_space<vmem>>, vector<16xf32>,
      %mul3A_368 = arith.constant 8 : i32
      %mul3A_369 = arith.muli %scan3A_209, %mul3A_368 : i32
      %add3A_370 = arith.constant 1 : i32
      %add3A_371 = arith.addi %mul3A_369, %add3A_370 : i32
      %swap3A_372 = arith.index_cast %add3A_371 : i32 to index
      %swap3A_373 = arith.constant 16 : index
      %swap3A_374 = tpu.vector_load %arg10[%swap3A_372, %swap3A_373] {strides = array<i32>} : memref<512x33xf32, #tpu.memory_space<vmem>>, vector<16xf32>,
      tpu.vector_store %arg10[%swap3A_372, %swap3A_373], %add3A_251 {strides = array<i32>} : memref<512x33xf32, #tpu.memory_space<vmem>>, vector<16xf32>,
      %mul3A_375 = arith.constant 8 : i32
      %mul3A_376 = arith.muli %scan3A_209, %mul3A_375 : i32
      %add3A_377 = arith.constant 2 : i32
      %add3A_378 = arith.addi %mul3A_376, %add3A_377 : i32
      %swap3A_379 = arith.index_cast %add3A_378 : i32 to index
      %swap3A_380 = arith.constant 0 : index
      %swap3A_381 = tpu.vector_load %arg10[%swap3A_379, %swap3A_380] {strides = array<i32>} : memref<512x33xf32, #tpu.memory_space<vmem>>, vector<16xf32>,
      tpu.vector_store %arg10[%swap3A_379, %swap3A_380], %add3A_259 {strides = array<i32>} : memref<512x33xf32, #tpu.memory_space<vmem>>, vector<16xf32>,
      %mul3A_382 = arith.constant 8 : i32
      %mul3A_383 = arith.muli %scan3A_209, %mul3A_382 : i32
      %add3A_384 = arith.constant 2 : i32
      %add3A_385 = arith.addi %mul3A_383, %add3A_384 : i32
      %swap3A_386 = arith.index_cast %add3A_385 : i32 to index
      %swap3A_387 = arith.constant 16 : index
      %swap3A_388 = tpu.vector_load %arg10[%swap3A_386, %swap3A_387] {strides = array<i32>} : memref<512x33xf32, #tpu.memory_space<vmem>>, vector<16xf32>,
      tpu.vector_store %arg10[%swap3A_386, %swap3A_387], %add3A_267 {strides = array<i32>} : memref<512x33xf32, #tpu.memory_space<vmem>>, vector<16xf32>,
      %mul3A_389 = arith.constant 8 : i32
      %mul3A_390 = arith.muli %scan3A_209, %mul3A_389 : i32
      %add3A_391 = arith.constant 3 : i32
      %add3A_392 = arith.addi %mul3A_390, %add3A_391 : i32
      %swap3A_393 = arith.index_cast %add3A_392 : i32 to index
      %swap3A_394 = arith.constant 0 : index
      %swap3A_395 = tpu.vector_load %arg10[%swap3A_393, %swap3A_394] {strides = array<i32>} : memref<512x33xf32, #tpu.memory_space<vmem>>, vector<16xf32>,
      tpu.vector_store %arg10[%swap3A_393, %swap3A_394], %add3A_275 {strides = array<i32>} : memref<512x33xf32, #tpu.memory_space<vmem>>, vector<16xf32>,
      %mul3A_396 = arith.constant 8 : i32
      %mul3A_397 = arith.muli %scan3A_209, %mul3A_396 : i32
      %add3A_398 = arith.constant 3 : i32
      %add3A_399 = arith.addi %mul3A_397, %add3A_398 : i32
      %swap3A_400 = arith.index_cast %add3A_399 : i32 to index
      %swap3A_401 = arith.constant 16 : index
      %swap3A_402 = tpu.vector_load %arg10[%swap3A_400, %swap3A_401] {strides = array<i32>} : memref<512x33xf32, #tpu.memory_space<vmem>>, vector<16xf32>,
      tpu.vector_store %arg10[%swap3A_400, %swap3A_401], %add3A_283 {strides = array<i32>} : memref<512x33xf32, #tpu.memory_space<vmem>>, vector<16xf32>,
      %mul3A_403 = arith.constant 8 : i32
      %mul3A_404 = arith.muli %scan3A_209, %mul3A_403 : i32
      %add3A_405 = arith.constant 4 : i32
      %add3A_406 = arith.addi %mul3A_404, %add3A_405 : i32
      %swap3A_407 = arith.index_cast %add3A_406 : i32 to index
      %swap3A_408 = arith.constant 0 : index
      %swap3A_409 = tpu.vector_load %arg10[%swap3A_407, %swap3A_408] {strides = array<i32>} : memref<512x33xf32, #tpu.memory_space<vmem>>, vector<16xf32>,
      tpu.vector_store %arg10[%swap3A_407, %swap3A_408], %add3A_291 {strides = array<i32>} : memref<512x33xf32, #tpu.memory_space<vmem>>, vector<16xf32>,
      %mul3A_410 = arith.constant 8 : i32
      %mul3A_411 = arith.muli %scan3A_209, %mul3A_410 : i32
      %add3A_412 = arith.constant 4 : i32
      %add3A_413 = arith.addi %mul3A_411, %add3A_412 : i32
      %swap3A_414 = arith.index_cast %add3A_413 : i32 to index
      %swap3A_415 = arith.constant 16 : index
      %swap3A_416 = tpu.vector_load %arg10[%swap3A_414, %swap3A_415] {strides = array<i32>} : memref<512x33xf32, #tpu.memory_space<vmem>>, vector<16xf32>,
      tpu.vector_store %arg10[%swap3A_414, %swap3A_415], %add3A_299 {strides = array<i32>} : memref<512x33xf32, #tpu.memory_space<vmem>>, vector<16xf32>,
      %mul3A_417 = arith.constant 8 : i32
      %mul3A_418 = arith.muli %scan3A_209, %mul3A_417 : i32
      %add3A_419 = arith.constant 5 : i32
      %add3A_420 = arith.addi %mul3A_418, %add3A_419 : i32
      %swap3A_421 = arith.index_cast %add3A_420 : i32 to index
      %swap3A_422 = arith.constant 0 : index
      %swap3A_423 = tpu.vector_load %arg10[%swap3A_421, %swap3A_422] {strides = array<i32>} : memref<512x33xf32, #tpu.memory_space<vmem>>, vector<16xf32>,
      tpu.vector_store %arg10[%swap3A_421, %swap3A_422], %add3A_307 {strides = array<i32>} : memref<512x33xf32, #tpu.memory_space<vmem>>, vector<16xf32>,
      %mul3A_424 = arith.constant 8 : i32
      %mul3A_425 = arith.muli %scan3A_209, %mul3A_424 : i32
      %add3A_426 = arith.constant 5 : i32
      %add3A_427 = arith.addi %mul3A_425, %add3A_426 : i32
      %swap3A_428 = arith.index_cast %add3A_427 : i32 to index
      %swap3A_429 = arith.constant 16 : index
      %swap3A_430 = tpu.vector_load %arg10[%swap3A_428, %swap3A_429] {strides = array<i32>} : memref<512x33xf32, #tpu.memory_space<vmem>>, vector<16xf32>,
      tpu.vector_store %arg10[%swap3A_428, %swap3A_429], %add3A_315 {strides = array<i32>} : memref<512x33xf32, #tpu.memory_space<vmem>>, vector<16xf32>,
      %mul3A_431 = arith.constant 8 : i32
      %mul3A_432 = arith.muli %scan3A_209, %mul3A_431 : i32
      %add3A_433 = arith.constant 6 : i32
      %add3A_434 = arith.addi %mul3A_432, %add3A_433 : i32
      %swap3A_435 = arith.index_cast %add3A_434 : i32 to index
      %swap3A_436 = arith.constant 0 : index
      %swap3A_437 = tpu.vector_load %arg10[%swap3A_435, %swap3A_436] {strides = array<i32>} : memref<512x33xf32, #tpu.memory_space<vmem>>, vector<16xf32>,
      tpu.vector_store %arg10[%swap3A_435, %swap3A_436], %add3A_323 {strides = array<i32>} : memref<512x33xf32, #tpu.memory_space<vmem>>, vector<16xf32>,
      %mul3A_438 = arith.constant 8 : i32
      %mul3A_439 = arith.muli %scan3A_209, %mul3A_438 : i32
      %add3A_440 = arith.constant 6 : i32
      %add3A_441 = arith.addi %mul3A_439, %add3A_440 : i32
      %swap3A_442 = arith.index_cast %add3A_441 : i32 to index
      %swap3A_443 = arith.constant 16 : index
      %swap3A_444 = tpu.vector_load %arg10[%swap3A_442, %swap3A_443] {strides = array<i32>} : memref<512x33xf32, #tpu.memory_space<vmem>>, vector<16xf32>,
      tpu.vector_store %arg10[%swap3A_442, %swap3A_443], %add3A_331 {strides = array<i32>} : memref<512x33xf32, #tpu.memory_space<vmem>>, vector<16xf32>,
      %mul3A_445 = arith.constant 8 : i32
      %mul3A_446 = arith.muli %scan3A_209, %mul3A_445 : i32
      %add3A_447 = arith.constant 7 : i32
      %add3A_448 = arith.addi %mul3A_446, %add3A_447 : i32
      %swap3A_449 = arith.index_cast %add3A_448 : i32 to index
      %swap3A_450 = arith.constant 0 : index
      %swap3A_451 = tpu.vector_load %arg10[%swap3A_449, %swap3A_450] {strides = array<i32>} : memref<512x33xf32, #tpu.memory_space<vmem>>, vector<16xf32>,
      tpu.vector_store %arg10[%swap3A_449, %swap3A_450], %add3A_339 {strides = array<i32>} : memref<512x33xf32, #tpu.memory_space<vmem>>, vector<16xf32>,
      %mul3A_452 = arith.constant 8 : i32
      %mul3A_453 = arith.muli %scan3A_209, %mul3A_452 : i32
      %add3A_454 = arith.constant 7 : i32
      %add3A_455 = arith.addi %mul3A_453, %add3A_454 : i32
      %swap3A_456 = arith.index_cast %add3A_455 : i32 to index
      %swap3A_457 = arith.constant 16 : index
      %swap3A_458 = tpu.vector_load %arg10[%swap3A_456, %swap3A_457] {strides = array<i32>} : memref<512x33xf32, #tpu.memory_space<vmem>>, vector<16xf32>,
      tpu.vector_store %arg10[%swap3A_456, %swap3A_457], %add3A_347 {strides = array<i32>} : memref<512x33xf32, #tpu.memory_space<vmem>>, vector<16xf32>,
    }
    %scan3A_167 = arith.constant 64 : i32
    %scan3A_168 = arith.constant 0 : i32
    %scan3A_169 = arith.constant 128 : i32
    %scan3A_170 = arith.addi %scan3A_168, %scan3A_169 : i32
    %scan3A_171 = arith.constant 1 : i32
    scf.for %scan3A_209 = %scan3A_168 to %scan3A_170 step %scan3A_171  : i32 {
      %shift_right_arithmetic3A = arith.constant 5 : i32
      %shift_right_arithmetic3A_210 = arith.shrsi %scan3A_209, %shift_right_arithmetic3A : i32
      %and3A = arith.constant 31 : i32
      %and3A_211 = arith.andi %scan3A_209, %and3A : i32
      %broadcast_in_dim3A = vector.broadcast %and3A_211 : i32 to vector<16xi32>
      %mul3A_212 = arith.constant 128 : i32
      %mul3A_213 = arith.muli %shift_right_arithmetic3A_210, %mul3A_212 : i32
      %add3A_214 = arith.constant 0 : i32
      %add3A_215 = arith.addi %mul3A_213, %add3A_214 : i32
      %gather3A = arith.constant 0 : i32
      %gather3A_216 = tpu.memref_slice %arg10[%add3A_215, %gather3A] : memref<512x33xf32, #tpu.memory_space<vmem>> -> memref<16x33xf32, #tpu.memory_space<vmem>>
      %gather3A_217 = tpu.vector_load_idx %gather3A_216[%iota3A, %broadcast_in_dim3A] : memref<16x33xf32, #tpu.memory_space<vmem>>[vector<16xi32>, vector<16xi32>], vector<16xf32>,
      %mul3A_218 = arith.constant 128 : i32
      %mul3A_219 = arith.muli %shift_right_arithmetic3A_210, %mul3A_218 : i32
      %add3A_220 = arith.constant 16 : i32
      %add3A_221 = arith.addi %mul3A_219, %add3A_220 : i32
      %gather3A_222 = arith.constant 0 : i32
      %gather3A_223 = tpu.memref_slice %arg10[%add3A_221, %gather3A_222] : memref<512x33xf32, #tpu.memory_space<vmem>> -> memref<16x33xf32, #tpu.memory_space<vmem>>
      %gather3A_224 = tpu.vector_load_idx %gather3A_223[%iota3A, %broadcast_in_dim3A] : memref<16x33xf32, #tpu.memory_space<vmem>>[vector<16xi32>, vector<16xi32>], vector<16xf32>,
      %mul3A_225 = arith.constant 128 : i32
      %mul3A_226 = arith.muli %shift_right_arithmetic3A_210, %mul3A_225 : i32
      %add3A_227 = arith.constant 32 : i32
      %add3A_228 = arith.addi %mul3A_226, %add3A_227 : i32
      %gather3A_229 = arith.constant 0 : i32
      %gather3A_230 = tpu.memref_slice %arg10[%add3A_228, %gather3A_229] : memref<512x33xf32, #tpu.memory_space<vmem>> -> memref<16x33xf32, #tpu.memory_space<vmem>>
      %gather3A_231 = tpu.vector_load_idx %gather3A_230[%iota3A, %broadcast_in_dim3A] : memref<16x33xf32, #tpu.memory_space<vmem>>[vector<16xi32>, vector<16xi32>], vector<16xf32>,
      %mul3A_232 = arith.constant 128 : i32
      %mul3A_233 = arith.muli %shift_right_arithmetic3A_210, %mul3A_232 : i32
      %add3A_234 = arith.constant 48 : i32
      %add3A_235 = arith.addi %mul3A_233, %add3A_234 : i32
      %gather3A_236 = arith.constant 0 : i32
      %gather3A_237 = tpu.memref_slice %arg10[%add3A_235, %gather3A_236] : memref<512x33xf32, #tpu.memory_space<vmem>> -> memref<16x33xf32, #tpu.memory_space<vmem>>
      %gather3A_238 = tpu.vector_load_idx %gather3A_237[%iota3A, %broadcast_in_dim3A] : memref<16x33xf32, #tpu.memory_space<vmem>>[vector<16xi32>, vector<16xi32>], vector<16xf32>,
      %mul3A_239 = arith.constant 128 : i32
      %mul3A_240 = arith.muli %shift_right_arithmetic3A_210, %mul3A_239 : i32
      %add3A_241 = arith.constant 64 : i32
      %add3A_242 = arith.addi %mul3A_240, %add3A_241 : i32
      %gather3A_243 = arith.constant 0 : i32
      %gather3A_244 = tpu.memref_slice %arg10[%add3A_242, %gather3A_243] : memref<512x33xf32, #tpu.memory_space<vmem>> -> memref<16x33xf32, #tpu.memory_space<vmem>>
      %gather3A_245 = tpu.vector_load_idx %gather3A_244[%iota3A, %broadcast_in_dim3A] : memref<16x33xf32, #tpu.memory_space<vmem>>[vector<16xi32>, vector<16xi32>], vector<16xf32>,
      %mul3A_246 = arith.constant 128 : i32
      %mul3A_247 = arith.muli %shift_right_arithmetic3A_210, %mul3A_246 : i32
      %add3A_248 = arith.constant 80 : i32
      %add3A_249 = arith.addi %mul3A_247, %add3A_248 : i32
      %gather3A_250 = arith.constant 0 : i32
      %gather3A_251 = tpu.memref_slice %arg10[%add3A_249, %gather3A_250] : memref<512x33xf32, #tpu.memory_space<vmem>> -> memref<16x33xf32, #tpu.memory_space<vmem>>
      %gather3A_252 = tpu.vector_load_idx %gather3A_251[%iota3A, %broadcast_in_dim3A] : memref<16x33xf32, #tpu.memory_space<vmem>>[vector<16xi32>, vector<16xi32>], vector<16xf32>,
      %mul3A_253 = arith.constant 128 : i32
      %mul3A_254 = arith.muli %shift_right_arithmetic3A_210, %mul3A_253 : i32
      %add3A_255 = arith.constant 96 : i32
      %add3A_256 = arith.addi %mul3A_254, %add3A_255 : i32
      %gather3A_257 = arith.constant 0 : i32
      %gather3A_258 = tpu.memref_slice %arg10[%add3A_256, %gather3A_257] : memref<512x33xf32, #tpu.memory_space<vmem>> -> memref<16x33xf32, #tpu.memory_space<vmem>>
      %gather3A_259 = tpu.vector_load_idx %gather3A_258[%iota3A, %broadcast_in_dim3A] : memref<16x33xf32, #tpu.memory_space<vmem>>[vector<16xi32>, vector<16xi32>], vector<16xf32>,
      %mul3A_260 = arith.constant 128 : i32
      %mul3A_261 = arith.muli %shift_right_arithmetic3A_210, %mul3A_260 : i32
      %add3A_262 = arith.constant 112 : i32
      %add3A_263 = arith.addi %mul3A_261, %add3A_262 : i32
      %gather3A_264 = arith.constant 0 : i32
      %gather3A_265 = tpu.memref_slice %arg10[%add3A_263, %gather3A_264] : memref<512x33xf32, #tpu.memory_space<vmem>> -> memref<16x33xf32, #tpu.memory_space<vmem>>
      %gather3A_266 = tpu.vector_load_idx %gather3A_265[%iota3A, %broadcast_in_dim3A] : memref<16x33xf32, #tpu.memory_space<vmem>>[vector<16xi32>, vector<16xi32>], vector<16xf32>,
      %shift_right_arithmetic3A_267 = arith.constant 3 : i32
      %shift_right_arithmetic3A_268 = arith.shrsi %and3A_211, %shift_right_arithmetic3A_267 : i32
      %and3A_269 = arith.constant 7 : i32
      %and3A_270 = arith.andi %and3A_211, %and3A_269 : i32
      %swap3A = arith.index_cast %shift_right_arithmetic3A_210 : i32 to index
      %swap3A_271 = arith.index_cast %shift_right_arithmetic3A_268 : i32 to index
      %swap3A_272 = arith.index_cast %and3A_270 : i32 to index
      %swap3A_273 = arith.constant 0 : index
      %swap3A_274 = tpu.vector_load %arg12[%swap3A, %swap3A_271, %swap3A_272, %swap3A_273] {strides = array<i32>} : memref<4x4x8x128xf32, #tpu.memory_space<vmem>>, vector<16xf32>,
      tpu.vector_store %arg12[%swap3A, %swap3A_271, %swap3A_272, %swap3A_273], %gather3A_217 {strides = array<i32>} : memref<4x4x8x128xf32, #tpu.memory_space<vmem>>, vector<16xf32>,
      %shift_right_arithmetic3A_275 = arith.constant 3 : i32
      %shift_right_arithmetic3A_276 = arith.shrsi %and3A_211, %shift_right_arithmetic3A_275 : i32
      %and3A_277 = arith.constant 7 : i32
      %and3A_278 = arith.andi %and3A_211, %and3A_277 : i32
      %swap3A_279 = arith.index_cast %shift_right_arithmetic3A_210 : i32 to index
      %swap3A_280 = arith.index_cast %shift_right_arithmetic3A_276 : i32 to index
      %swap3A_281 = arith.index_cast %and3A_278 : i32 to index
      %swap3A_282 = arith.constant 16 : index
      %swap3A_283 = tpu.vector_load %arg12[%swap3A_279, %swap3A_280, %swap3A_281, %swap3A_282] {strides = array<i32>} : memref<4x4x8x128xf32, #tpu.memory_space<vmem>>, vector<16xf32>,
      tpu.vector_store %arg12[%swap3A_279, %swap3A_280, %swap3A_281, %swap3A_282], %gather3A_224 {strides = array<i32>} : memref<4x4x8x128xf32, #tpu.memory_space<vmem>>, vector<16xf32>,
      %shift_right_arithmetic3A_284 = arith.constant 3 : i32
      %shift_right_arithmetic3A_285 = arith.shrsi %and3A_211, %shift_right_arithmetic3A_284 : i32
      %and3A_286 = arith.constant 7 : i32
      %and3A_287 = arith.andi %and3A_211, %and3A_286 : i32
      %swap3A_288 = arith.index_cast %shift_right_arithmetic3A_210 : i32 to index
      %swap3A_289 = arith.index_cast %shift_right_arithmetic3A_285 : i32 to index
      %swap3A_290 = arith.index_cast %and3A_287 : i32 to index
      %swap3A_291 = arith.constant 32 : index
      %swap3A_292 = tpu.vector_load %arg12[%swap3A_288, %swap3A_289, %swap3A_290, %swap3A_291] {strides = array<i32>} : memref<4x4x8x128xf32, #tpu.memory_space<vmem>>, vector<16xf32>,
      tpu.vector_store %arg12[%swap3A_288, %swap3A_289, %swap3A_290, %swap3A_291], %gather3A_231 {strides = array<i32>} : memref<4x4x8x128xf32, #tpu.memory_space<vmem>>, vector<16xf32>,
      %shift_right_arithmetic3A_293 = arith.constant 3 : i32
      %shift_right_arithmetic3A_294 = arith.shrsi %and3A_211, %shift_right_arithmetic3A_293 : i32
      %and3A_295 = arith.constant 7 : i32
      %and3A_296 = arith.andi %and3A_211, %and3A_295 : i32
      %swap3A_297 = arith.index_cast %shift_right_arithmetic3A_210 : i32 to index
      %swap3A_298 = arith.index_cast %shift_right_arithmetic3A_294 : i32 to index
      %swap3A_299 = arith.index_cast %and3A_296 : i32 to index
      %swap3A_300 = arith.constant 48 : index
      %swap3A_301 = tpu.vector_load %arg12[%swap3A_297, %swap3A_298, %swap3A_299, %swap3A_300] {strides = array<i32>} : memref<4x4x8x128xf32, #tpu.memory_space<vmem>>, vector<16xf32>,
      tpu.vector_store %arg12[%swap3A_297, %swap3A_298, %swap3A_299, %swap3A_300], %gather3A_238 {strides = array<i32>} : memref<4x4x8x128xf32, #tpu.memory_space<vmem>>, vector<16xf32>,
      %shift_right_arithmetic3A_302 = arith.constant 3 : i32
      %shift_right_arithmetic3A_303 = arith.shrsi %and3A_211, %shift_right_arithmetic3A_302 : i32
      %and3A_304 = arith.constant 7 : i32
      %and3A_305 = arith.andi %and3A_211, %and3A_304 : i32
      %swap3A_306 = arith.index_cast %shift_right_arithmetic3A_210 : i32 to index
      %swap3A_307 = arith.index_cast %shift_right_arithmetic3A_303 : i32 to index
      %swap3A_308 = arith.index_cast %and3A_305 : i32 to index
      %swap3A_309 = arith.constant 64 : index
      %swap3A_310 = tpu.vector_load %arg12[%swap3A_306, %swap3A_307, %swap3A_308, %swap3A_309] {strides = array<i32>} : memref<4x4x8x128xf32, #tpu.memory_space<vmem>>, vector<16xf32>,
      tpu.vector_store %arg12[%swap3A_306, %swap3A_307, %swap3A_308, %swap3A_309], %gather3A_245 {strides = array<i32>} : memref<4x4x8x128xf32, #tpu.memory_space<vmem>>, vector<16xf32>,
      %shift_right_arithmetic3A_311 = arith.constant 3 : i32
      %shift_right_arithmetic3A_312 = arith.shrsi %and3A_211, %shift_right_arithmetic3A_311 : i32
      %and3A_313 = arith.constant 7 : i32
      %and3A_314 = arith.andi %and3A_211, %and3A_313 : i32
      %swap3A_315 = arith.index_cast %shift_right_arithmetic3A_210 : i32 to index
      %swap3A_316 = arith.index_cast %shift_right_arithmetic3A_312 : i32 to index
      %swap3A_317 = arith.index_cast %and3A_314 : i32 to index
      %swap3A_318 = arith.constant 80 : index
      %swap3A_319 = tpu.vector_load %arg12[%swap3A_315, %swap3A_316, %swap3A_317, %swap3A_318] {strides = array<i32>} : memref<4x4x8x128xf32, #tpu.memory_space<vmem>>, vector<16xf32>,
      tpu.vector_store %arg12[%swap3A_315, %swap3A_316, %swap3A_317, %swap3A_318], %gather3A_252 {strides = array<i32>} : memref<4x4x8x128xf32, #tpu.memory_space<vmem>>, vector<16xf32>,
      %shift_right_arithmetic3A_320 = arith.constant 3 : i32
      %shift_right_arithmetic3A_321 = arith.shrsi %and3A_211, %shift_right_arithmetic3A_320 : i32
      %and3A_322 = arith.constant 7 : i32
      %and3A_323 = arith.andi %and3A_211, %and3A_322 : i32
      %swap3A_324 = arith.index_cast %shift_right_arithmetic3A_210 : i32 to index
      %swap3A_325 = arith.index_cast %shift_right_arithmetic3A_321 : i32 to index
      %swap3A_326 = arith.index_cast %and3A_323 : i32 to index
      %swap3A_327 = arith.constant 96 : index
      %swap3A_328 = tpu.vector_load %arg12[%swap3A_324, %swap3A_325, %swap3A_326, %swap3A_327] {strides = array<i32>} : memref<4x4x8x128xf32, #tpu.memory_space<vmem>>, vector<16xf32>,
      tpu.vector_store %arg12[%swap3A_324, %swap3A_325, %swap3A_326, %swap3A_327], %gather3A_259 {strides = array<i32>} : memref<4x4x8x128xf32, #tpu.memory_space<vmem>>, vector<16xf32>,
      %shift_right_arithmetic3A_329 = arith.constant 3 : i32
      %shift_right_arithmetic3A_330 = arith.shrsi %and3A_211, %shift_right_arithmetic3A_329 : i32
      %and3A_331 = arith.constant 7 : i32
      %and3A_332 = arith.andi %and3A_211, %and3A_331 : i32
      %swap3A_333 = arith.index_cast %shift_right_arithmetic3A_210 : i32 to index
      %swap3A_334 = arith.index_cast %shift_right_arithmetic3A_330 : i32 to index
      %swap3A_335 = arith.index_cast %and3A_332 : i32 to index
      %swap3A_336 = arith.constant 112 : index
      %swap3A_337 = tpu.vector_load %arg12[%swap3A_333, %swap3A_334, %swap3A_335, %swap3A_336] {strides = array<i32>} : memref<4x4x8x128xf32, #tpu.memory_space<vmem>>, vector<16xf32>,
      tpu.vector_store %arg12[%swap3A_333, %swap3A_334, %swap3A_335, %swap3A_336], %gather3A_266 {strides = array<i32>} : memref<4x4x8x128xf32, #tpu.memory_space<vmem>>, vector<16xf32>,
    }
    %scan3A_172 = arith.constant 128 : i32
    %dma_start3A_173 = arith.constant 196 : i32
    %dma_start3A_174 = arith.constant 0 : i32
    %dma_start3A_175 = arith.constant 0 : i32
    %dma_start3A_176 = arith.constant 0 : i32
    %dma_start3A_177 = tpu.memref_slice %arg5[%dma_start3A_173, %dma_start3A_174, %add3A, %dma_start3A_175, %dma_start3A_176] : memref<200x4x32x8x128xf32, #tpu.memory_space<hbm>> -> memref<4x4x1x8x128xf32, #tpu.memory_space<hbm>>
    %dma_start3A_178 = tpu.memref_squeeze %dma_start3A_177 : memref<4x4x1x8x128xf32, #tpu.memory_space<hbm>> -> memref<4x4x8x128xf32, #tpu.memory_space<hbm>>
    %dma_start3A_179 = arith.constant 196 : i32
    %dma_start3A_180 = arith.constant 0 : i32
    %dma_start3A_181 = arith.constant 0 : i32
    %dma_start3A_182 = arith.constant 0 : i32
    %dma_start3A_183 = tpu.memref_slice %arg5[%dma_start3A_179, %dma_start3A_180, %add3A, %dma_start3A_181, %dma_start3A_182] : memref<200x4x32x8x128xf32, #tpu.memory_space<hbm>> -> memref<4x4x1x8x128xf32, #tpu.memory_space<hbm>>
    %dma_start3A_184 = tpu.memref_squeeze %dma_start3A_183 : memref<4x4x1x8x128xf32, #tpu.memory_space<hbm>> -> memref<4x4x8x128xf32, #tpu.memory_space<hbm>>
    tpu.enqueue_dma source(%arg12 : memref<4x4x8x128xf32, #tpu.memory_space<vmem>>) target(%dma_start3A_184 : memref<4x4x8x128xf32, #tpu.memory_space<hbm>>) target_semaphore(%arg17 : memref<!tpu.dma_semaphore, #tpu.memory_space<semaphore_mem>>)
    %dma_wait3A_185 = arith.constant 192 : i32
    %dma_wait3A_186 = arith.constant 0 : i32
    %dma_wait3A_187 = arith.constant 0 : i32
    %dma_wait3A_188 = arith.constant 0 : i32
    %dma_wait3A_189 = tpu.memref_slice %arg5[%dma_wait3A_185, %dma_wait3A_186, %add3A, %dma_wait3A_187, %dma_wait3A_188] : memref<200x4x32x8x128xf32, #tpu.memory_space<hbm>> -> memref<4x4x1x8x128xf32, #tpu.memory_space<hbm>>
    %dma_wait3A_190 = tpu.memref_squeeze %dma_wait3A_189 : memref<4x4x1x8x128xf32, #tpu.memory_space<hbm>> -> memref<4x4x8x128xf32, #tpu.memory_space<hbm>>
    %dma_wait3A_191 = arith.constant 192 : i32
    %dma_wait3A_192 = arith.constant 0 : i32
    %dma_wait3A_193 = arith.constant 0 : i32
    %dma_wait3A_194 = arith.constant 0 : i32
    %dma_wait3A_195 = tpu.memref_slice %arg5[%dma_wait3A_191, %dma_wait3A_192, %add3A, %dma_wait3A_193, %dma_wait3A_194] : memref<200x4x32x8x128xf32, #tpu.memory_space<hbm>> -> memref<4x4x1x8x128xf32, #tpu.memory_space<hbm>>
    %dma_wait3A_196 = tpu.memref_squeeze %dma_wait3A_195 : memref<4x4x1x8x128xf32, #tpu.memory_space<hbm>> -> memref<4x4x8x128xf32, #tpu.memory_space<hbm>>
    tpu.wait_dma2 semaphore(%arg16 : memref<!tpu.dma_semaphore, #tpu.memory_space<semaphore_mem>>) src(%arg11 : memref<4x4x8x128xf32, #tpu.memory_space<vmem>>) dst(%dma_wait3A_196 : memref<4x4x8x128xf32, #tpu.memory_space<hbm>>)
    %dma_wait3A_197 = arith.constant 196 : i32
    %dma_wait3A_198 = arith.constant 0 : i32
    %dma_wait3A_199 = arith.constant 0 : i32
    %dma_wait3A_200 = arith.constant 0 : i32
    %dma_wait3A_201 = tpu.memref_slice %arg5[%dma_wait3A_197, %dma_wait3A_198, %add3A, %dma_wait3A_199, %dma_wait3A_200] : memref<200x4x32x8x128xf32, #tpu.memory_space<hbm>> -> memref<4x4x1x8x128xf32, #tpu.memory_space<hbm>>
    %dma_wait3A_202 = tpu.memref_squeeze %dma_wait3A_201 : memref<4x4x1x8x128xf32, #tpu.memory_space<hbm>> -> memref<4x4x8x128xf32, #tpu.memory_space<hbm>>
    %dma_wait3A_203 = arith.constant 196 : i32
    %dma_wait3A_204 = arith.constant 0 : i32
    %dma_wait3A_205 = arith.constant 0 : i32
    %dma_wait3A_206 = arith.constant 0 : i32
    %dma_wait3A_207 = tpu.memref_slice %arg5[%dma_wait3A_203, %dma_wait3A_204, %add3A, %dma_wait3A_205, %dma_wait3A_206] : memref<200x4x32x8x128xf32, #tpu.memory_space<hbm>> -> memref<4x4x1x8x128xf32, #tpu.memory_space<hbm>>
    %dma_wait3A_208 = tpu.memref_squeeze %dma_wait3A_207 : memref<4x4x1x8x128xf32, #tpu.memory_space<hbm>> -> memref<4x4x8x128xf32, #tpu.memory_space<hbm>>
    tpu.wait_dma2 semaphore(%arg17 : memref<!tpu.dma_semaphore, #tpu.memory_space<semaphore_mem>>) src(%arg12 : memref<4x4x8x128xf32, #tpu.memory_space<vmem>>) dst(%dma_wait3A_208 : memref<4x4x8x128xf32, #tpu.memory_space<hbm>>)
    return
  }
}

</mosaic_0001>

<sc_bundles>
// kernel: kernel.3.cloned.1.call-start
scs
__scs_entry_jumppad:
0x0: {  	(pc) =	sbr.rel $0x88, $3  }
0x1: {  	(tag) =	ssettag $0x0;
	lr =	simm.s32 $0x1  }
0x2: {  	[smem:$0x3F9E] =	sst lr;
	_ =	strace $0xD0000000  }
0x3: {  	_ = 	snop  }
0x4: {  	_ = 	snop  }
0x5: {  	_ = 	snop  }
0x6: {  	_ = 	snop  }
0x7: {  	_ = 	snop  }
__scs_overlays_trampoline_lowered:
0x8: {  	[smem:$0x3FAD] =	sst s0  }
0x9: {  	[smem:$0x3FAE] =	sst s1  }
0xa: {  	[smem:$0x3FAF] =	sst s2  }
0xb: {  	[smem:$0x3FB0] =	sst s3  }
0xc: {  	[smem:$0x3FB1] =	sst s4  }
0xd: {  	[smem:$0x3FB2] =	sst s5  }
0xe: {  	[smem:$0x3FB3] =	sst s6  }
0xf: {  	[smem:$0x3FB4] =	sst s7  }
0x10: {  	[smem:$0x3FB5] =	sst s8  }
0x11: {  	[smem:$0x3FB6] =	sst s9;
	s0 =	simm.s32 @!p0 $0x0  }
0x12: {  	s1 =	sld [smem:$0x3F9C];
	s0 =	simm.s32 @p0 $0x1  }
0x13: {  	[smem:$0x3FB7] =	sst s0;
	s0 =	simm.s32 @!p1 $0x0  }
0x14: {  	s2 =	sld [smem:$0x3F9B];
	s0 =	simm.s32 @p1 $0x1  }
0x15: {  	[smem:$0x3FB8] =	sst s0;
	s0 =	simm.s32 @!p2 $0x0  }
0x16: {  	s3 =	sld [smem:$0x3FDB];
	s0 =	simm.s32 @p2 $0x1  }
0x17: {  	s4 =	simm.s32 $0x1BF5;
	[smem:$0x3FBA] =	sst s0  }
0x18: {  	s0 =	sld [smem:$0x3F9D];
	_ =	swait.ge [sflag:s4], $0x0  }
0x19: {  	s7 =	sld [smem:$0x3F9E]  }
0x1a: {  	s8 =	sadd.s32 $0xFFFFE003, lr  }
0x1b: {  	s9 =	sadd.s32 $0xFFFFFEF7, lr;
	s5 =	simm.s32 $0xFFFFFFFF;
	p2 =	slt.u32 s8, $0xFFFFF086  }
0x1c: {  	p1 =	slt.u32 s9, $0xF7A;
	s5 =	simm.s32 @!p2 $0x0  }
0x1d: {  	s5 =	simm.s32 @p1 $0x1;
	p0 =	seq.s32 s7, s2  }
0x1e: {  	s7 =	smul.u32 @!p0 $0xF7A, s2;
	p2 =	seq.s32 @!p0 s5, $0x0  }
0x1f: {  	s9 =	smul.u32 $0xF7A, s1;
	s8 =	simm.s32 @!p0 $0x1BF5;
	p2 =	por !p2, p0  }
0x20: {  	[sflag:s8] =	ssyncset.s32 @!p0 $0xFFFFF086;
	s6 =	sadd.s32 @!p0 s3, s7;
	s7 =	simm.s32 @!p0 $0x108  }
0x21: {  	s3 =	sadd.s32 s3, s9;
	s6 =	sadd.s32 @!p0 $0x88, s6;
	s7 =	simm.s32 @p2 $0x1082  }
0x22: {  	[simem:s7], [sflag:s8] =	dma.local @!p0 [hbm:s6], $0xF7A  }
0x23: {  	s9 =	sor.u32 $0xD0000000, s2;
	s6 =	simm.s32 $0x108;
	_ =	swait.ge @!p0 [sflag:s8], $0x0  }
0x24: {  	s3 =	sadd.s32 $0x88, s3;
	s6 =	simm.s32 @!p1 $0x1082;
	[sflag:s4] =	ssyncset.s32 $0xFFFFF086  }
0x25: {  	[simem:s6], [sflag:s4] =	dma.local [hbm:s3], $0xF7A  }
0x26: {  	[smem:$0x3F9E] =	sst s1;
	(tag) =	ssettag s2;
	_ =	strace s9  }
0x27: {  	s1 =	sld [smem:$0x3FAE]  }
0x28: {  	s2 =	sld [smem:$0x3FAF]  }
0x29: {  	s4 =	sld [smem:$0x3FB1]  }
0x2a: {  	p0 =	seq.s32 s5, $0x0;
	s5 =	sld [smem:$0x3FB2]  }
0x2b: {  	s6 =	sld [smem:$0x3FB3]  }
0x2c: {  	s7 =	sld [smem:$0x3FB4]  }
0x2d: {  	s3 =	simm.s32 $0x108;
	s8 =	sld [smem:$0x3FB5]  }
0x2e: {  	s3 =	simm.s32 @!p0 $0x1082;
	s9 =	sld [smem:$0x3FB6]  }
0x2f: {  	lr =	sadd.s32 s0, s3;
	s0 =	sld [smem:$0x3FAD]  }
0x30: {  	s3 =	sld [smem:$0x3FB0]  }
0x31: {  	[smem:$0x3FB9] =	sst s10  }
0x32: {  	s10 =	sld [smem:$0x3FB7];
	_ =	sdelay $0x3  }
0x33: {  	p0 =	seq.s32 s10, $0x1;
	s10 =	sld [smem:$0x3FB9];
	_ =	sdelay $0x3  }
0x34: {  	[smem:$0x3FB9] =	sst s10  }
0x35: {  	s10 =	sld [smem:$0x3FB8];
	_ =	sdelay $0x3  }
0x36: {  	p1 =	seq.s32 s10, $0x1;
	s10 =	sld [smem:$0x3FB9];
	_ =	sdelay $0x3  }
0x37: {  	[smem:$0x3FB9] =	sst s10  }
0x38: {  	s10 =	sld [smem:$0x3FBA]  }
0x39: {  	_ = 	snop;
	(pc) =	sbr.ind lr, $3  }
0x3a: {  	_ = 	snop  }
0x3b: {  	_ = 	snop  }
0x3c: {  	p2 =	seq.s32 s10, $0x1;
	s10 =	sld [smem:$0x3FB9]  }
0x3d: {  	_ =	shalt  }
0x3e: {  	_ =	shalt  }
0x3f: {  	_ =	shalt  }
0x40: {  	_ =	shalt  }
0x41: {  	_ =	shalt  }
0x42: {  	_ =	shalt  }
0x43: {  	_ =	shalt  }
0x44: {  	_ =	shalt  }
0x45: {  	_ =	shalt  }
0x46: {  	_ =	shalt  }
0x47: {  	_ =	shalt  }
0x48: {  	_ =	shalt  }
0x49: {  	_ =	shalt  }
0x4a: {  	_ =	shalt  }
0x4b: {  	_ =	shalt  }
0x4c: {  	_ =	shalt  }
0x4d: {  	_ =	shalt  }
0x4e: {  	_ =	shalt  }
0x4f: {  	_ =	shalt  }
0x50: {  	_ =	shalt  }
0x51: {  	_ =	shalt  }
0x52: {  	_ =	shalt  }
0x53: {  	_ =	shalt  }
0x54: {  	_ =	shalt  }
0x55: {  	_ =	shalt  }
0x56: {  	_ =	shalt  }
0x57: {  	_ =	shalt  }
0x58: {  	_ =	shalt  }
0x59: {  	_ =	shalt  }
0x5a: {  	_ =	shalt  }
0x5b: {  	_ =	shalt  }
0x5c: {  	_ =	shalt  }
0x5d: {  	_ =	shalt  }
0x5e: {  	_ =	shalt  }
0x5f: {  	_ =	shalt  }
0x60: {  	_ =	shalt  }
0x61: {  	_ =	shalt  }
0x62: {  	_ =	shalt  }
0x63: {  	_ =	shalt  }
0x64: {  	_ =	shalt  }
0x65: {  	_ =	shalt  }
0x66: {  	_ =	shalt  }
0x67: {  	_ =	shalt  }
0x68: {  	_ =	shalt  }
0x69: {  	_ =	shalt  }
0x6a: {  	_ =	shalt  }
0x6b: {  	_ =	shalt  }
0x6c: {  	_ =	shalt  }
0x6d: {  	_ =	shalt  }
0x6e: {  	_ =	shalt  }
0x6f: {  	_ =	shalt  }
0x70: {  	_ =	shalt  }
0x71: {  	_ =	shalt  }
0x72: {  	_ =	shalt  }
0x73: {  	_ =	shalt  }
0x74: {  	_ =	shalt  }
0x75: {  	_ =	shalt  }
0x76: {  	_ =	shalt  }
0x77: {  	_ =	shalt  }
0x78: {  	_ =	shalt  }
0x79: {  	_ =	shalt  }
0x7a: {  	_ =	shalt  }
0x7b: {  	_ =	shalt  }
0x7c: {  	_ =	shalt  }
0x7d: {  	_ =	shalt  }
0x7e: {  	_ =	shalt  }
0x7f: {  	_ =	shalt  }
0x80: {  	_ =	shalt  }
0x81: {  	_ =	shalt  }
0x82: {  	_ =	shalt  }
0x83: {  	_ =	shalt  }
0x84: {  	_ =	shalt  }
0x85: {  	_ =	shalt  }
0x86: {  	_ =	shalt  }
0x87: {  	_ =	shalt  }
.Lfunc_end0:
.L_simem_size_0:
called_computation_lowered:
.L_overlay_start_0:
0x88: {  	s2 =	sld [smem:$0x3FD9]  }
0x89: {  	s3 =	sld [smem:$0x3FFE];
	_ =	sdelay $0x1  }
0x8a: {  	s1 =	srdreg.scid  }
0x8b: {  	s0 =	sand.u32 $0x1, s1  }
0x8c: {  	s17 =	sshll.u32 s0, $0xA;
	s2 =	sadd.s32 s3, s2  }
0x8d: {  	s2 =	sadd.s32 s2, s17  }
0x8e: {  	[smem:$0x3FC5] =	sst s2  }
0x8f: {  	_ = 	snop  }
0x90: {  	s2 =	sld [smem:$0x3FD0];
	(tm) =	ssettm $0x1  }
0x91: {  	s18 =	sld [smem:$0x3FFB];
	_ =	sdelay $0x3  }
0x92: {  	_ =	strace s18  }
0x93: {  	s3 =	sld [smem:$0x3FFC];
	_ =	sdelay $0x3  }
0x94: {  	_ =	strace s3  }
0x95: {  	s3 =	sld [smem:$0x3FFD];
	_ =	sdelay $0x3  }
0x96: {  	_ =	strace s3  }
0x97: {  	_ =	strace $0x8FFFFFFF  }
0x98: {  	s19 =	sld [smem:$0x3FDB];
	_ =	sdelay $0x1  }
0x99: {  	s4 =	simm.s32 $_scs_section_size  }
0x9a: {  	s5 =	simm.s32 $_size__tile_overlayer_lowered;
	s6 =	simm.s32 $_tile_overlayer_lowered  }
0x9b: {  	s22 =	simm.s32 $0x1BFF;
	s21 =	sshll.u32 s6, $0x1;
	s3 =	sadd.s32 s4, s19  }
0x9c: {  	s7 =	simm.s32 $0x0;
	s20 =	sshll.u32 s5, $0x1;
	s5 =	sadd.s32 s21, s3  }
0x9d: {  	[timem:s7], [sflag:s22] =	dma.local [hbm:s5], s20  }
0x9e: {  	_ =	swait.ge [sflag:s22], s20  }
0x9f: {  	s4 =	ssub.s32 $0x0, s20;
	[sflag:s22] =	ssyncset.done $0x0  }
0xa0: {  	[sflag:s22] =	ssyncadd.s32 s4;
	_ =	sdelay $0x1  }
0xa1: {  	s23 =	simm.s32 $0x1B8B  }
0xa2: {  	_ =	swait.ge [sflag:s23], $0x1  }
0xa3: {  	[sflag:s23] =	ssyncset.done $0x0  }
0xa4: {  	s25 =	simm.s32 $0x1B8E;
	s24 =	sld [smem:$0x3FFE];
	[sflag:s23] =	ssyncadd.s32 $0xFFFFFFFF  }
0xa5: {  	s26 =	simm.s32 $execute0_lowered;
	[smem:$0x3FD2] =	sst s25  }
0xa6: {  	s5 =	sshll.u32 s26, $0x1;
	_ =	strace $0x80000046;
	[dreg:$0x1] =	wrdreg $0xFFFFFFFF  }
0xa7: {  	s28 =	simm.s32 $_size_execute0_lowered;
	s3 =	sadd.s32 s3, s5;
	[dreg:$0x0] =	wrdreg $0x0  }
0xa8: {  	s5 =	sshll.u32 s28, $0x1;
	[dreg:$0x2] =	wrdreg s3  }
0xa9: {  	[dreg:$0x3] =	wrdreg s5  }
0xaa: {  	[dreg:$0x4] =	wrdreg $0xC0  }
0xab: {  	_ =	task [dreg:s7], $0x5FFFF  }
0xac: {  	[dreg:$0x1] =	wrdreg $0xFFFFFFFF  }
0xad: {  	[dreg:$0x0] =	wrdreg $0x60  }
0xae: {  	[dreg:$0x2] =	wrdreg s24  }
0xaf: {  	[dreg:$0x3] =	wrdreg s2  }
0xb0: {  	[dreg:$0x4] =	wrdreg $0x9  }
0xb1: {  	_ =	task.clear_ibuf [dreg:s7], $0x5FFFF;
	_ =	strace $0x90000046  }
0xb2: {  	s29 =	simm.s32 $0x9;
	_ =	strace $0x80000048  }
0xb3: {  	_ =	swait.ge [sflag:s29], $0x1  }
0xb4: {  	[sflag:s29] =	ssyncadd.s32 $0xFFFFFFFF  }
0xb5: {  	_ =	strace $0x90000048  }
0xb6: {  	_ =	sfence  }
0xb7: {  	s30 =	sld [smem:$0x0];
	_ =	sdelay $0x2  }
0xb8: {  	s31 =	sshll.u32 s1, $0xD;
	s1 =	sshrl.u32 s1, $0x2  }
0xb9: {  	s3 =	sand.u32 $0x4000, s31;
	s1 =	sadd.s32 s1, s30  }
0xba: {  	s0 =	sor.u32 s3, s0;
	s1 =	sshll.u32 s1, $0x11  }
0xbb: {  	s0 =	sor.u32 s1, s0  }
0xbc: {  	s0 =	sadd.s32 $0x8F2B, s0  }
0xbd: {  	[sflag:s0] =	ssyncadd.remote.s32 $0x1  }
0xbe: {  	_ =	sfence.sel $0xFFFF  }
0xbf: {  	[dreg:$0x0] =	wrdreg $0xFFFFFFFF;
	(pc) =	sbr.abs _section_cstart, $3  }
0xc0: {  	[dreg:$0x1] =	wrdreg $0xFFFFFFFF  }
0xc1: {  	_ =	task.clear_ibuf [dreg:s7], $0x2FFFF;
	_ =	strace $0x9FFFFFFF  }
0xc2: {  	(tm) =	ssettm $0x7FFFFFFF  }
0xc3: {  	_ =	shalt  }
tec
execute0_lowered:
.L_overlay_start_1:
0x0: {  	(tag) =	ssettag $0x1  }
0x1: {  	s0 =	rddreg [dreg:$0x0]  }
0x2: {  	s2 =	rddreg [dreg:$0x1];
	s3 =	simm.s32 $0x0  }
0x3: {  	s1 =	srdreg.scid;
	s4 =	stileid.u32;
	s17 =	simm.s32 $0x5  }
0x4: {  	s18 =	simm.s32 $0x200;
	s20 =	simm.s32 $0x7D00;
	s29 =	simm.s32 $0x2  }
0x5: {  	s30 =	simm.s32 $0x18D00;
	s31 =	simm.s32 $0x3;
	s16 =	simm.s32 $0x0  }
0x6: {  	[smem:$0x7FF] =	sst s3;
	s1 =	sand.u32 $0x1, s1;
	s4 =	sshll.u32 s4, $0x1  }
0x7: {  	s6 =	sadd.s32 $0x800, s0;
	_ =	strace $0x80000047;
	s5 =	sor.u32 s1, s4  }
0x8: {  	s1 =	ssub.s32 $0x2, s1;
	s4 =	sadd.s32 $0xF42C00, s0;
	s7 =	smul.u32 $0x6400, s5  }
0x9: {  	s0 =	sadd.s32 $0x19800, s0;
	s8 =	sshrl.u32 s1, $0x1;
	s9 =	smul.u32 $0xC80, s5  }
0xa: {  	[dreg:$0x3] =	wrdreg s0;
	s25 =	sshll.u32 s5, $0x7;
	s11 =	sshll.u32 s5, $0xA  }
0xb: {  	s0 =	simm.s32 $0x4;
	s22 =	ssub.s32 s1, s8;
	s23 =	sshrl.u32 s7, $0x3  }
0xc: {  	s24 =	sadd.s32 s6, s9;
	s9 =	sadd.s32 s2, s25;
	s15 =	smax.u32 s22, $0x1  }
0xd: {  	s22 =	simm.s32 $0xBD00;
	s25 =	simm.s32 $0x8000;
	[dreg:$0x4] =	wrdreg s24  }
0xe: {  	v2 =	vlaneseq.u32;
	s1 =	sadd.s32 s6, s23;
	s12 =	sadd.s32 $0x10000, s9;
	s13 =	sadd.s32 $0x300000, s9  }
0xf: {  	v0 =	vmul.u32 $0xC8, v2;
	s14 =	sadd.s32 $0x310000, s9;
	s23 =	simm.s32 $0x1;
	s26 =	sadd.s32 $0x320, s1  }
0x10: {  	s24 =	simm.s32 $0x400;
	s28 =	sadd.s32 $0x640, s1;
	[dreg:$0x5] =	wrdreg s26  }
0x11: {  	v2 =	vmul.u32 $0x28, v2;
	v1 =	vadd.s32 $0xC80, v0;
	s10 =	sadd.s32 $0x960, s1;
	[dreg:$0x6] =	wrdreg s28;
	s26 =	simm.s32 $0x14D00  }
.LBB2_1:
0x12: {  	s1 =	rddreg [dreg:$0x3];
	s5 =	simm.s32 $0x1CD00  }
0x13: {  	[tilespmem:s5], [sflag:$0x5] =	stream.linear.gather [hbm4b:s1+s3], $0x1900, $0x38;
	[tilespmem:$0x1E600] =	vst v63  }
0x14: {  	v3 =	vmov s3;
	_ =	swait.ge [sflag:s17], $0x1900  }
0x15: {  	v3 =	vand.u32 $0xFF, v3;
	[sflag:s17] =	ssyncset.done $0x0  }
0x16: {  	v4 =	vadd.s32 v0, v3;
	s21 =	rddreg [dreg:$0x4];
	[sflag:s17] =	ssyncadd.s32 $0xFFFFE700  }
0x17: {  	[tilespmem:s3], [sflag:$0x5] =	stream.linear.gather [hbm4b:s21+s3], $0x1900, $0x38;
	[tilespmem:$0x1E600] =	vst v63  }
0x18: {  	_ =	swait.ge [sflag:s17], $0x1900  }
0x19: {  	[sflag:s17] =	ssyncset.done $0x0  }
0x1a: {  	[sflag:s17] =	ssyncadd.s32 $0xFFFFE700  }
0x1b: {  	v4 =	vld.idx.msk [tilespmem:v4+s3+$0x0], $0xffff  }
0x1c: {  	v3 =	vadd.s32 v1, v3;
	_ =	sdelay $0x2  }
0x1d: {  	s1 =	simm.s32 $0x1910  }
0x1e: {  	s28 =	simm.s32 $0x1;
	[tilespmem:s1+$0xFFFFFFF0] =	vst v4  }
0x1f: {  	s5 =	simm.s32 $0x2;
	v4 =	vmov s28;
	v3 =	vld.idx.msk [tilespmem:v3+s3+$0x0], $0xffff  }
.LBB2_2:
0x20: {  	p0 =	sne.s32 s5, $0xC7;
	v4 =	vand.u32 $0xFF, v4  }
0x21: {  	v5 =	vadd.s32 v0, v4;
	_ =	sdelay $0x3  }
0x22: {  	[tilespmem:s1+$0x0] =	vst v3  }
0x23: {  	v3 =	vld.idx.msk [tilespmem:v5+s3+$0x0], $0xffff;
	_ =	sdelay $0x1  }
0x24: {  	v5 =	vadd.s32 v1, v4  }
.Ltmp0:
0x25: {  	(pc) =	sbr.rel @p0 .LBB2_2-.Ltmp0, $4  }
0x26: {  	_ = 	snop  }
0x27: {  	s1 =	sadd.s32 $0x80, s1  }
0x28: {  	[tilespmem:s1+$0xFFFFFFF0] =	vst v3  }
0x29: {  	v4 =	vmov s5;
	s5 =	sadd.s32 $0x1, s5;
	v3 =	vld.idx.msk [tilespmem:v5+s3+$0x0], $0xffff  }
0x2a: {  	v4 =	vand.u32 $0xFF, v4  }
0x2b: {  	v5 =	vadd.s32 v0, v4;
	_ =	sdelay $0x3  }
0x2c: {  	[tilespmem:s1+$0x0] =	vst v3  }
0x2d: {  	v3 =	vld.idx.msk [tilespmem:v5+s3+$0x0], $0xffff  }
0x2e: {  	v4 =	vadd.s32 v1, v4;
	_ =	sdelay $0x2  }
0x2f: {  	s19 =	sadd.s32 $0x80, s1  }
0x30: {  	[tilespmem:s19+$0xFFFFFFF0] =	vst v3  }
0x31: {  	v3 =	vld.idx.msk [tilespmem:v4+s3+$0x0], $0xffff;
	_ =	sdelay $0x1  }
0x32: {  	s5 =	simm.s32 $0x0  }
0x33: {  	v4 =	vmov s5  }
0x34: {  	v4 =	vand.u32 $0xFF, v4  }
0x35: {  	s21 =	rddreg [dreg:$0x5];
	[tilespmem:s19+$0x0] =	vst v3;
	v3 =	vadd.s32 v0, v4  }
0x36: {  	[tilespmem:s5], [sflag:$0x5] =	stream.linear.gather [hbm4b:s21+s5], $0x1900, $0x38;
	[tilespmem:$0x1E600] =	vst v63  }
0x37: {  	_ =	swait.ge [sflag:s17], $0x1900  }
0x38: {  	[sflag:s17] =	ssyncset.done $0x0  }
0x39: {  	[sflag:s17] =	ssyncadd.s32 $0xFFFFE700  }
0x3a: {  	v3 =	vld.idx.msk [tilespmem:v3+s3+$0x0], $0xffff  }
0x3b: {  	v5 =	vadd.s32 v1, v4;
	_ =	sdelay $0x2  }
0x3c: {  	s1 =	simm.s32 $0x1930  }
0x3d: {  	s28 =	simm.s32 $0x1;
	[tilespmem:s1+$0xFFFFFFF0] =	vst v3  }
0x3e: {  	v4 =	vmov s28;
	s5 =	simm.s32 $0x2;
	v3 =	vld.idx.msk [tilespmem:v5+s3+$0x0], $0xffff  }
.LBB2_4:
0x3f: {  	p0 =	sne.s32 s5, $0xC7;
	v4 =	vand.u32 $0xFF, v4  }
0x40: {  	v5 =	vadd.s32 v0, v4;
	_ =	sdelay $0x3  }
0x41: {  	[tilespmem:s1+$0x0] =	vst v3  }
0x42: {  	v3 =	vld.idx.msk [tilespmem:v5+s3+$0x0], $0xffff;
	_ =	sdelay $0x1  }
0x43: {  	v5 =	vadd.s32 v1, v4  }
.Ltmp1:
0x44: {  	(pc) =	sbr.rel @p0 .LBB2_4-.Ltmp1, $4  }
0x45: {  	_ = 	snop  }
0x46: {  	s1 =	sadd.s32 $0x80, s1  }
0x47: {  	[tilespmem:s1+$0xFFFFFFF0] =	vst v3  }
0x48: {  	v4 =	vmov s5;
	s5 =	sadd.s32 $0x1, s5;
	v3 =	vld.idx.msk [tilespmem:v5+s3+$0x0], $0xffff  }
0x49: {  	v4 =	vand.u32 $0xFF, v4  }
0x4a: {  	v5 =	vadd.s32 v0, v4;
	_ =	sdelay $0x3  }
0x4b: {  	[tilespmem:s1+$0x0] =	vst v3  }
0x4c: {  	v3 =	vld.idx.msk [tilespmem:v5+s3+$0x0], $0xffff  }
0x4d: {  	v4 =	vadd.s32 v1, v4;
	_ =	sdelay $0x2  }
0x4e: {  	s19 =	sadd.s32 $0x80, s1  }
0x4f: {  	[tilespmem:s19+$0xFFFFFFF0] =	vst v3  }
0x50: {  	v3 =	vld.idx.msk [tilespmem:v4+s3+$0x0], $0xffff;
	_ =	sdelay $0x1  }
0x51: {  	s5 =	simm.s32 $0x0  }
0x52: {  	v4 =	vmov s5  }
0x53: {  	v4 =	vand.u32 $0xFF, v4  }
0x54: {  	s21 =	rddreg [dreg:$0x6];
	[tilespmem:s19+$0x0] =	vst v3;
	v3 =	vadd.s32 v0, v4  }
0x55: {  	[tilespmem:s5], [sflag:$0x5] =	stream.linear.gather [hbm4b:s21+s5], $0x1900, $0x38;
	[tilespmem:$0x1E600] =	vst v63  }
0x56: {  	_ =	swait.ge [sflag:s17], $0x1900  }
0x57: {  	[sflag:s17] =	ssyncset.done $0x0  }
0x58: {  	[sflag:s17] =	ssyncadd.s32 $0xFFFFE700  }
0x59: {  	v3 =	vld.idx.msk [tilespmem:v3+s3+$0x0], $0xffff  }
0x5a: {  	v5 =	vadd.s32 v1, v4;
	_ =	sdelay $0x2  }
0x5b: {  	s1 =	simm.s32 $0x1950  }
0x5c: {  	s28 =	simm.s32 $0x1;
	[tilespmem:s1+$0xFFFFFFF0] =	vst v3  }
0x5d: {  	v4 =	vmov s28;
	s5 =	simm.s32 $0x2;
	v3 =	vld.idx.msk [tilespmem:v5+s3+$0x0], $0xffff  }
.LBB2_6:
0x5e: {  	p0 =	sne.s32 s5, $0xC7;
	v4 =	vand.u32 $0xFF, v4  }
0x5f: {  	v5 =	vadd.s32 v0, v4;
	_ =	sdelay $0x3  }
0x60: {  	[tilespmem:s1+$0x0] =	vst v3  }
0x61: {  	v3 =	vld.idx.msk [tilespmem:v5+s3+$0x0], $0xffff;
	_ =	sdelay $0x1  }
0x62: {  	v5 =	vadd.s32 v1, v4  }
.Ltmp2:
0x63: {  	(pc) =	sbr.rel @p0 .LBB2_6-.Ltmp2, $4  }
0x64: {  	_ = 	snop  }
0x65: {  	s1 =	sadd.s32 $0x80, s1  }
0x66: {  	[tilespmem:s1+$0xFFFFFFF0] =	vst v3  }
0x67: {  	v4 =	vmov s5;
	s5 =	sadd.s32 $0x1, s5;
	v3 =	vld.idx.msk [tilespmem:v5+s3+$0x0], $0xffff  }
0x68: {  	v4 =	vand.u32 $0xFF, v4  }
0x69: {  	v5 =	vadd.s32 v0, v4;
	_ =	sdelay $0x3  }
0x6a: {  	[tilespmem:s1+$0x0] =	vst v3  }
0x6b: {  	v3 =	vld.idx.msk [tilespmem:v5+s3+$0x0], $0xffff  }
0x6c: {  	v4 =	vadd.s32 v1, v4;
	_ =	sdelay $0x2  }
0x6d: {  	s21 =	sadd.s32 $0x80, s1  }
0x6e: {  	[tilespmem:s21+$0xFFFFFFF0] =	vst v3  }
0x6f: {  	v3 =	vld.idx.msk [tilespmem:v4+s3+$0x0], $0xffff;
	_ =	sdelay $0x1  }
0x70: {  	s5 =	simm.s32 $0x0  }
0x71: {  	v4 =	vmov s5  }
0x72: {  	v4 =	vand.u32 $0xFF, v4  }
0x73: {  	[tilespmem:s21+$0x0] =	vst v3;
	v3 =	vadd.s32 v0, v4  }
0x74: {  	[tilespmem:s5], [sflag:$0x5] =	stream.linear.gather [hbm4b:s10+s5], $0x1900, $0x38;
	[tilespmem:$0x1E600] =	vst v63  }
0x75: {  	_ =	swait.ge [sflag:s17], $0x1900  }
0x76: {  	[sflag:s17] =	ssyncset.done $0x0  }
0x77: {  	[sflag:s17] =	ssyncadd.s32 $0xFFFFE700  }
0x78: {  	v3 =	vld.idx.msk [tilespmem:v3+s3+$0x0], $0xffff  }
0x79: {  	v5 =	vadd.s32 v1, v4;
	_ =	sdelay $0x2  }
0x7a: {  	s1 =	simm.s32 $0x1970  }
0x7b: {  	s28 =	simm.s32 $0x1;
	[tilespmem:s1+$0xFFFFFFF0] =	vst v3  }
0x7c: {  	v4 =	vmov s28;
	s5 =	simm.s32 $0x2;
	v3 =	vld.idx.msk [tilespmem:v5+s3+$0x0], $0xffff  }
.LBB2_8:
0x7d: {  	p0 =	sne.s32 s5, $0xC7;
	v4 =	vand.u32 $0xFF, v4  }
0x7e: {  	v5 =	vadd.s32 v0, v4;
	_ =	sdelay $0x3  }
0x7f: {  	[tilespmem:s1+$0x0] =	vst v3  }
0x80: {  	v3 =	vld.idx.msk [tilespmem:v5+s3+$0x0], $0xffff;
	_ =	sdelay $0x1  }
0x81: {  	v5 =	vadd.s32 v1, v4  }
.Ltmp3:
0x82: {  	(pc) =	sbr.rel @p0 .LBB2_8-.Ltmp3, $4  }
0x83: {  	_ = 	snop  }
0x84: {  	s1 =	sadd.s32 $0x80, s1  }
0x85: {  	[tilespmem:s1+$0xFFFFFFF0] =	vst v3  }
0x86: {  	v4 =	vmov s5;
	s5 =	sadd.s32 $0x1, s5;
	v3 =	vld.idx.msk [tilespmem:v5+s3+$0x0], $0xffff  }
0x87: {  	v4 =	vand.u32 $0xFF, v4  }
0x88: {  	v5 =	vadd.s32 v0, v4;
	_ =	sdelay $0x3  }
0x89: {  	[tilespmem:s1+$0x0] =	vst v3  }
0x8a: {  	v3 =	vld.idx.msk [tilespmem:v5+s3+$0x0], $0xffff  }
0x8b: {  	v4 =	vadd.s32 v1, v4;
	_ =	sdelay $0x2  }
0x8c: {  	s19 =	sadd.s32 $0x80, s1  }
0x8d: {  	[tilespmem:s19+$0xFFFFFFF0] =	vst v3  }
0x8e: {  	v3 =	vld.idx.msk [tilespmem:v4+s3+$0x0], $0xffff;
	_ =	sdelay $0x4  }
0x8f: {  	s21 =	simm.s32 $0x1900;
	[tilespmem:s19+$0x0] =	vst v3  }
0x90: {  	[tilespmem:s20], [sflag:$0x1] =	stream.indirect.gather [hbm4b:s4+s18], $0x20, s21, s18, $0xb8;
	[tilespmem:$0x1E600] =	vst v63  }
0x91: {  	s28 =	simm.s32 $0x1B00  }
0x92: {  	[tilespmem:s22], [sflag:$0x2] =	stream.indirect.gather [hbm4b:s4+s18], $0x20, s28, s18, $0xb8;
	[tilespmem:$0x1E600] =	vst v63  }
0x93: {  	_ =	swait.ge [sflag:s23], $0x4000  }
0x94: {  	[sflag:s23] =	ssyncset.done $0x0  }
0x95: {  	s1 =	simm.s32 $0x7D80;
	[sflag:s23] =	ssyncadd.s32 $0xFFFFC000  }
0x96: {  	v3 =	vld [tilespmem:s1+$0x10]  }
0x97: {  	v6 =	vld [tilespmem:s1+$0x0]  }
0x98: {  	v5 =	vld [tilespmem:s1+$0xFFFFFFE0]  }
0x99: {  	v4 =	vld [tilespmem:s1+$0x30]  }
0x9a: {  	v8 =	vld [tilespmem:s1+$0x70]  }
0x9b: {  	v10 =	vld [tilespmem:s1+$0x60]  }
0x9c: {  	v12 =	vld [tilespmem:s1+$0x40]  }
0x9d: {  	v20 =	vld [tilespmem:s1+$0x20]  }
0x9e: {  	v14 =	vld [tilespmem:s1+$0xFFFFFF90]  }
0x9f: {  	s19 =	simm.s32 $0x0;
	v15 =	vld [tilespmem:s1+$0xFFFFFFA0]  }
0xa0: {  	s5 =	sand.u32 $0x60, s19;
	v17 =	vld [tilespmem:s1+$0xFFFFFF80]  }
0xa1: {  	v9 =	vld [tilespmem:s5+$0x1CD00]  }
0xa2: {  	v7 =	vld [tilespmem:s5+$0x1CD10]  }
0xa3: {  	v16 =	vld [tilespmem:s1+$0xFFFFFFD0]  }
0xa4: {  	v13 =	vld [tilespmem:s1+$0xFFFFFFB0]  }
0xa5: {  	v11 =	vld [tilespmem:s1+$0x50]  }
0xa6: {  	v19 =	vadd.f32 v17, v9;
	v15 =	vadd.f32 v15, v9;
	v17 =	vld [tilespmem:s1+$0xFFFFFFF0]  }
0xa7: {  	s6 =	simm.s32 $0xFDA0;
	s21 =	simm.s32 $0xFDA0;
	s5 =	simm.s32 $0x2;
	v18 =	vadd.f32 v14, v7;
	v14 =	vld [tilespmem:s1+$0xFFFFFFC0];
	v20 =	vadd.f32 v20, v9  }
.LBB2_10:
0xa8: {  	p0 =	sne.s32 s5, $0x7E;
	v16 =	vadd.f32 v16, v7;
	v12 =	vadd.f32 v12, v9;
	[tilespmem:s21+$0xFFFFFF60] =	vst v19;
	s6 =	sadd.s32 $0x140, s6;
	s1 =	sadd.s32 $0x100, s1  }
0xa9: {  	v10 =	vadd.f32 v10, v9;
	s7 =	smov.u32 s5;
	s5 =	sadd.s32 $0x2, s5;
	v13 =	vadd.f32 v13, v7;
	[tilespmem:s21+$0x28] =	vst v20  }
0xaa: {  	v8 =	vadd.f32 v8, v7;
	v11 =	vadd.f32 v11, v7;
	[tilespmem:s21+$0x50] =	vst v12  }
0xab: {  	v4 =	vadd.f32 v4, v7;
	v12 =	vadd.f32 v17, v7;
	[tilespmem:s21+$0xFFFFFF70] =	vst v18  }
0xac: {  	v6 =	vadd.f32 v6, v9;
	v3 =	vadd.f32 v3, v7;
	[tilespmem:s21+$0xFFFFFF88] =	vst v15  }
0xad: {  	v5 =	vadd.f32 v5, v9;
	v7 =	vadd.f32 v14, v9;
	[tilespmem:s21+$0x78] =	vst v10  }
0xae: {  	[tilespmem:s21+$0x88] =	vst v8  }
0xaf: {  	[tilespmem:s21+$0xFFFFFFE8] =	vst v12  }
0xb0: {  	[tilespmem:s21+$0x0] =	vst v6  }
0xb1: {  	[tilespmem:s21+$0xFFFFFFC0] =	vst v16  }
0xb2: {  	[tilespmem:s21+$0xFFFFFFD8] =	vst v5  }
0xb3: {  	[tilespmem:s21+$0xFFFFFFB0] =	vst v7  }
0xb4: {  	[tilespmem:s21+$0x10] =	vst v3  }
0xb5: {  	[tilespmem:s21+$0xFFFFFF98] =	vst v13  }
0xb6: {  	[tilespmem:s21+$0x38] =	vst v4  }
0xb7: {  	[tilespmem:s21+$0x60] =	vst v11;
	s21 =	smov.u32 s6  }
0xb8: {  	v3 =	vld [tilespmem:s1+$0x10]  }
0xb9: {  	v6 =	vld [tilespmem:s1+$0x0]  }
0xba: {  	v5 =	vld [tilespmem:s1+$0xFFFFFFE0]  }
0xbb: {  	v4 =	vld [tilespmem:s1+$0x30]  }
0xbc: {  	v8 =	vld [tilespmem:s1+$0x70]  }
0xbd: {  	v10 =	vld [tilespmem:s1+$0x60]  }
0xbe: {  	v12 =	vld [tilespmem:s1+$0x40]  }
0xbf: {  	v20 =	vld [tilespmem:s1+$0x20]  }
0xc0: {  	v14 =	vld [tilespmem:s1+$0xFFFFFF90]  }
0xc1: {  	v15 =	vld [tilespmem:s1+$0xFFFFFFA0]  }
0xc2: {  	s7 =	sand.u32 $0x60, s7;
	v17 =	vld [tilespmem:s1+$0xFFFFFF80]  }
0xc3: {  	v9 =	vld [tilespmem:s7+$0x1CD00]  }
0xc4: {  	v7 =	vld [tilespmem:s7+$0x1CD10]  }
.Ltmp4:
0xc5: {  	v16 =	vld [tilespmem:s1+$0xFFFFFFD0];
	(pc) =	sbr.rel @p0 .LBB2_10-.Ltmp4, $4  }
0xc6: {  	v13 =	vld [tilespmem:s1+$0xFFFFFFB0]  }
0xc7: {  	v11 =	vld [tilespmem:s1+$0x50]  }
0xc8: {  	v19 =	vadd.f32 v17, v9;
	v15 =	vadd.f32 v15, v9;
	v17 =	vld [tilespmem:s1+$0xFFFFFFF0]  }
0xc9: {  	v20 =	vadd.f32 v20, v9;
	v18 =	vadd.f32 v14, v7;
	v14 =	vld [tilespmem:s1+$0xFFFFFFC0]  }
0xca: {  	[tilespmem:s21+$0xFFFFFF60] =	vst v19  }
0xcb: {  	[tilespmem:s21+$0xFFFFFF88] =	vst v15  }
0xcc: {  	v12 =	vadd.f32 v12, v9;
	[tilespmem:s21+$0x28] =	vst v20  }
0xcd: {  	v10 =	vadd.f32 v10, v9;
	[tilespmem:s21+$0xFFFFFF70] =	vst v18  }
0xce: {  	v8 =	vadd.f32 v8, v7;
	[tilespmem:s21+$0x50] =	vst v12  }
0xcf: {  	v6 =	vadd.f32 v6, v9;
	[tilespmem:s21+$0x78] =	vst v10  }
0xd0: {  	v5 =	vadd.f32 v5, v9;
	[tilespmem:s21+$0x88] =	vst v8  }
0xd1: {  	v8 =	vadd.f32 v16, v7;
	[tilespmem:s21+$0x0] =	vst v6  }
0xd2: {  	v3 =	vadd.f32 v3, v7;
	[tilespmem:s21+$0xFFFFFFD8] =	vst v5  }
0xd3: {  	v4 =	vadd.f32 v4, v7;
	[tilespmem:s21+$0xFFFFFFC0] =	vst v8;
	v8 =	vmov s19  }
0xd4: {  	[tilespmem:s21+$0x10] =	vst v3;
	v3 =	vadd.f32 v11, v7;
	v5 =	vand.u32 $0x1F, v8  }
0xd5: {  	[tilespmem:s21+$0x38] =	vst v4;
	v63 =	vadd.f32 v17, v7;
	v5 =	vadd.s32 v2, v5  }
0xd6: {  	s1 =	simm.s32 $0x0;
	v6 =	vadd.f32 v14, v9;
	[tilespmem:s21+$0x60] =	vst v3  }
0xd7: {  	s1 =	smul.u32 $0x5000, s1;
	[tilespmem:s21+$0xFFFFFFE8] =	vst v63;
	v8 =	vadd.f32 v13, v7  }
0xd8: {  	[tilespmem:s21+$0xFFFFFFB0] =	vst v6  }
0xd9: {  	s5 =	sshra.s32 s1, $0x2;
	[tilespmem:s21+$0xFFFFFF98] =	vst v8  }
0xda: {  	v4 =	vld.idx.msk [tilespmem:v5+s5+$0xFF80], $0xffff  }
0xdb: {  	v3 =	vld.idx.msk [tilespmem:v5+s5+$0x10480], $0xffff  }
0xdc: {  	v10 =	vld.idx.msk [tilespmem:v5+s5+$0x10980], $0xffff  }
0xdd: {  	v8 =	vld.idx.msk [tilespmem:v5+s5+$0xFD00], $0xffff  }
0xde: {  	s28 =	simm.s32 $0x0;
	v7 =	vld.idx.msk [tilespmem:v5+s5+$0x10700], $0xffff  }
0xdf: {  	s6 =	sand.u32 $0xF80, s19;
	s7 =	sand.u32 $0x3FFFF000, s28;
	v9 =	vld.idx.msk [tilespmem:v5+s5+$0x10200], $0xffff  }
0xe0: {  	s6 =	sor.u32 s6, s7;
	s1 =	simm.s32 $0x1;
	v6 =	vld.idx.msk [tilespmem:v5+s5+$0x10C00], $0xffff  }
.LBB2_12:
0xe1: {  	p0 =	sne.s32 s1, $0x7F;
	v11 =	vld.idx.msk [tilespmem:v5+s5+$0x10E80], $0xffff;
	s7 =	sadd.s32 $0x14D00, s6;
	s19 =	sadd.s32 $0x80, s19  }
0xe2: {  	s21 =	smov.u32 s1;
	s1 =	sadd.s32 $0x1, s1;
	[tilespmem:s7+$0x50] =	vst v10  }
0xe3: {  	v5 =	vmov s21;
	[tilespmem:s6+$0x14D00] =	vst v8  }
0xe4: {  	v5 =	vand.u32 $0x1F, v5;
	[tilespmem:s7+$0x40] =	vst v7  }
0xe5: {  	v5 =	vadd.s32 v2, v5;
	[tilespmem:s7+$0x20] =	vst v9  }
0xe6: {  	s5 =	sshrl.u32 s21, $0x5;
	[tilespmem:s7+$0x10] =	vst v4  }
0xe7: {  	s5 =	smul.u32 $0x5000, s5;
	[tilespmem:s7+$0x70] =	vst v11  }
0xe8: {  	[tilespmem:s7+$0x30] =	vst v3  }
0xe9: {  	s5 =	sshra.s32 s5, $0x2;
	[tilespmem:s7+$0x60] =	vst v6  }
0xea: {  	v4 =	vld.idx.msk [tilespmem:v5+s5+$0xFF80], $0xffff  }
0xeb: {  	v3 =	vld.idx.msk [tilespmem:v5+s5+$0x10480], $0xffff  }
.Ltmp5:
0xec: {  	v10 =	vld.idx.msk [tilespmem:v5+s5+$0x10980], $0xffff;
	(pc) =	sbr.rel @p0 .LBB2_12-.Ltmp5, $4  }
0xed: {  	v8 =	vld.idx.msk [tilespmem:v5+s5+$0xFD00], $0xffff  }
0xee: {  	s6 =	sshll.u32 s21, $0x7;
	v7 =	vld.idx.msk [tilespmem:v5+s5+$0x10700], $0xffff  }
0xef: {  	s6 =	sand.u32 $0x3FFFF000, s6;
	s7 =	sand.u32 $0xF80, s19;
	v9 =	vld.idx.msk [tilespmem:v5+s5+$0x10200], $0xffff  }
0xf0: {  	s6 =	sor.u32 s7, s6;
	v6 =	vld.idx.msk [tilespmem:v5+s5+$0x10C00], $0xffff  }
0xf1: {  	_ =	sdelay $0x2  }
0xf2: {  	s1 =	sadd.s32 $0x14D00, s6  }
0xf3: {  	v5 =	vld.idx.msk [tilespmem:v5+s5+$0x10E80], $0xffff;
	[tilespmem:s1+$0x50] =	vst v10  }
0xf4: {  	[tilespmem:s6+$0x14D00] =	vst v8  }
0xf5: {  	[tilespmem:s1+$0x40] =	vst v7  }
0xf6: {  	[tilespmem:s1+$0x10] =	vst v4  }
0xf7: {  	[tilespmem:s1+$0x30] =	vst v3  }
0xf8: {  	[tilespmem:s1+$0x20] =	vst v9  }
0xf9: {  	[tilespmem:s1+$0x60] =	vst v6  }
0xfa: {  	[tilespmem:s1+$0x70] =	vst v5  }
0xfb: {  	[hbm4b:s9+s24] =	stream.strided.scatter [tilespmem:s26], [sflag:$0x3], $0x4000, s25, s24, $0x38;
	[tilespmem:$0x1E600] =	vst v63  }
0xfc: {  	s21 =	simm.s32 $0x1D00  }
0xfd: {  	[tilespmem:s20], [sflag:$0x1] =	stream.indirect.gather [hbm4b:s4+s18], $0x20, s21, s18, $0xb8;
	[tilespmem:$0x1E600] =	vst v63  }
0xfe: {  	_ =	swait.ge [sflag:s29], $0x4000  }
0xff: {  	[sflag:s29] =	ssyncset.done $0x0  }
0x100: {  	s1 =	simm.s32 $0xBD80;
	[sflag:s29] =	ssyncadd.s32 $0xFFFFC000  }
0x101: {  	v3 =	vld [tilespmem:s1+$0x10]  }
0x102: {  	v6 =	vld [tilespmem:s1+$0x0]  }
0x103: {  	v5 =	vld [tilespmem:s1+$0xFFFFFFE0]  }
0x104: {  	v4 =	vld [tilespmem:s1+$0x30]  }
0x105: {  	v8 =	vld [tilespmem:s1+$0x70]  }
0x106: {  	v10 =	vld [tilespmem:s1+$0x60]  }
0x107: {  	v12 =	vld [tilespmem:s1+$0x40]  }
0x108: {  	v20 =	vld [tilespmem:s1+$0x20]  }
0x109: {  	v14 =	vld [tilespmem:s1+$0xFFFFFF90]  }
0x10a: {  	s19 =	simm.s32 $0x0;
	v15 =	vld [tilespmem:s1+$0xFFFFFFA0]  }
0x10b: {  	s28 =	sand.u32 $0x60, s19;
	v17 =	vld [tilespmem:s1+$0xFFFFFF80]  }
0x10c: {  	v9 =	vld [tilespmem:s28+$0x1CD80]  }
0x10d: {  	v7 =	vld [tilespmem:s28+$0x1CD90]  }
0x10e: {  	v16 =	vld [tilespmem:s1+$0xFFFFFFD0]  }
0x10f: {  	v13 =	vld [tilespmem:s1+$0xFFFFFFB0]  }
0x110: {  	v11 =	vld [tilespmem:s1+$0x50]  }
0x111: {  	v19 =	vadd.f32 v17, v9;
	v15 =	vadd.f32 v15, v9;
	v17 =	vld [tilespmem:s1+$0xFFFFFFF0]  }
0x112: {  	s5 =	simm.s32 $0x2;
	s6 =	simm.s32 $0xFDA0;
	s21 =	simm.s32 $0xFDA0;
	v18 =	vadd.f32 v14, v7;
	v14 =	vld [tilespmem:s1+$0xFFFFFFC0];
	v20 =	vadd.f32 v20, v9  }
.LBB2_14:
0x113: {  	p0 =	sne.s32 s5, $0x7E;
	v16 =	vadd.f32 v16, v7;
	v12 =	vadd.f32 v12, v9;
	[tilespmem:s21+$0xFFFFFF60] =	vst v19;
	s6 =	sadd.s32 $0x140, s6;
	s1 =	sadd.s32 $0x100, s1  }
0x114: {  	v10 =	vadd.f32 v10, v9;
	s7 =	smov.u32 s5;
	s5 =	sadd.s32 $0x2, s5;
	v13 =	vadd.f32 v13, v7;
	[tilespmem:s21+$0x28] =	vst v20  }
0x115: {  	v8 =	vadd.f32 v8, v7;
	v11 =	vadd.f32 v11, v7;
	[tilespmem:s21+$0x50] =	vst v12  }
0x116: {  	v4 =	vadd.f32 v4, v7;
	v12 =	vadd.f32 v17, v7;
	[tilespmem:s21+$0xFFFFFF70] =	vst v18  }
0x117: {  	v6 =	vadd.f32 v6, v9;
	v3 =	vadd.f32 v3, v7;
	[tilespmem:s21+$0xFFFFFF88] =	vst v15  }
0x118: {  	v5 =	vadd.f32 v5, v9;
	v7 =	vadd.f32 v14, v9;
	[tilespmem:s21+$0x78] =	vst v10  }
0x119: {  	[tilespmem:s21+$0x88] =	vst v8  }
0x11a: {  	[tilespmem:s21+$0xFFFFFFE8] =	vst v12  }
0x11b: {  	[tilespmem:s21+$0x0] =	vst v6  }
0x11c: {  	[tilespmem:s21+$0xFFFFFFC0] =	vst v16  }
0x11d: {  	[tilespmem:s21+$0xFFFFFFD8] =	vst v5  }
0x11e: {  	[tilespmem:s21+$0xFFFFFFB0] =	vst v7  }
0x11f: {  	[tilespmem:s21+$0x10] =	vst v3  }
0x120: {  	[tilespmem:s21+$0xFFFFFF98] =	vst v13  }
0x121: {  	[tilespmem:s21+$0x38] =	vst v4  }
0x122: {  	[tilespmem:s21+$0x60] =	vst v11;
	s21 =	smov.u32 s6  }
0x123: {  	v3 =	vld [tilespmem:s1+$0x10]  }
0x124: {  	v6 =	vld [tilespmem:s1+$0x0]  }
0x125: {  	v5 =	vld [tilespmem:s1+$0xFFFFFFE0]  }
0x126: {  	v4 =	vld [tilespmem:s1+$0x30]  }
0x127: {  	v8 =	vld [tilespmem:s1+$0x70]  }
0x128: {  	v10 =	vld [tilespmem:s1+$0x60]  }
0x129: {  	v12 =	vld [tilespmem:s1+$0x40]  }
0x12a: {  	v20 =	vld [tilespmem:s1+$0x20]  }
0x12b: {  	v14 =	vld [tilespmem:s1+$0xFFFFFF90]  }
0x12c: {  	v15 =	vld [tilespmem:s1+$0xFFFFFFA0]  }
0x12d: {  	s7 =	sand.u32 $0x60, s7;
	v17 =	vld [tilespmem:s1+$0xFFFFFF80]  }
0x12e: {  	v9 =	vld [tilespmem:s7+$0x1CD80]  }
0x12f: {  	v7 =	vld [tilespmem:s7+$0x1CD90]  }
.Ltmp6:
0x130: {  	v16 =	vld [tilespmem:s1+$0xFFFFFFD0];
	(pc) =	sbr.rel @p0 .LBB2_14-.Ltmp6, $4  }
0x131: {  	v13 =	vld [tilespmem:s1+$0xFFFFFFB0]  }
0x132: {  	v11 =	vld [tilespmem:s1+$0x50]  }
0x133: {  	v19 =	vadd.f32 v17, v9;
	v15 =	vadd.f32 v15, v9;
	v17 =	vld [tilespmem:s1+$0xFFFFFFF0]  }
0x134: {  	v20 =	vadd.f32 v20, v9;
	v18 =	vadd.f32 v14, v7;
	v14 =	vld [tilespmem:s1+$0xFFFFFFC0]  }
0x135: {  	[tilespmem:s21+$0xFFFFFF60] =	vst v19  }
0x136: {  	[tilespmem:s21+$0xFFFFFF88] =	vst v15  }
0x137: {  	v12 =	vadd.f32 v12, v9;
	[tilespmem:s21+$0x28] =	vst v20  }
0x138: {  	v10 =	vadd.f32 v10, v9;
	[tilespmem:s21+$0xFFFFFF70] =	vst v18  }
0x139: {  	v8 =	vadd.f32 v8, v7;
	[tilespmem:s21+$0x50] =	vst v12  }
0x13a: {  	v6 =	vadd.f32 v6, v9;
	[tilespmem:s21+$0x78] =	vst v10  }
0x13b: {  	v5 =	vadd.f32 v5, v9;
	[tilespmem:s21+$0x88] =	vst v8  }
0x13c: {  	v8 =	vadd.f32 v16, v7;
	[tilespmem:s21+$0x0] =	vst v6  }
0x13d: {  	v3 =	vadd.f32 v3, v7;
	[tilespmem:s21+$0xFFFFFFD8] =	vst v5  }
0x13e: {  	v4 =	vadd.f32 v4, v7;
	[tilespmem:s21+$0xFFFFFFC0] =	vst v8;
	v8 =	vmov s19  }
0x13f: {  	[tilespmem:s21+$0x10] =	vst v3;
	v3 =	vadd.f32 v11, v7;
	v5 =	vand.u32 $0x1F, v8  }
0x140: {  	[tilespmem:s21+$0x38] =	vst v4;
	v63 =	vadd.f32 v17, v7;
	v5 =	vadd.s32 v2, v5  }
0x141: {  	s1 =	simm.s32 $0x0;
	v6 =	vadd.f32 v14, v9;
	[tilespmem:s21+$0x60] =	vst v3  }
0x142: {  	s1 =	smul.u32 $0x5000, s1;
	[tilespmem:s21+$0xFFFFFFE8] =	vst v63;
	v8 =	vadd.f32 v13, v7  }
0x143: {  	[tilespmem:s21+$0xFFFFFFB0] =	vst v6  }
0x144: {  	s5 =	sshra.s32 s1, $0x2;
	[tilespmem:s21+$0xFFFFFF98] =	vst v8  }
0x145: {  	v4 =	vld.idx.msk [tilespmem:v5+s5+$0xFF80], $0xffff  }
0x146: {  	v3 =	vld.idx.msk [tilespmem:v5+s5+$0x10480], $0xffff  }
0x147: {  	v10 =	vld.idx.msk [tilespmem:v5+s5+$0x10980], $0xffff  }
0x148: {  	v8 =	vld.idx.msk [tilespmem:v5+s5+$0xFD00], $0xffff  }
0x149: {  	s28 =	simm.s32 $0x0;
	v7 =	vld.idx.msk [tilespmem:v5+s5+$0x10700], $0xffff  }
0x14a: {  	s6 =	sand.u32 $0xF80, s19;
	s7 =	sand.u32 $0x3FFFF000, s28;
	v9 =	vld.idx.msk [tilespmem:v5+s5+$0x10200], $0xffff  }
0x14b: {  	s6 =	sor.u32 s6, s7;
	s1 =	simm.s32 $0x1;
	v6 =	vld.idx.msk [tilespmem:v5+s5+$0x10C00], $0xffff  }
.LBB2_16:
0x14c: {  	p0 =	sne.s32 s1, $0x7F;
	v11 =	vld.idx.msk [tilespmem:v5+s5+$0x10E80], $0xffff;
	s7 =	sadd.s32 $0x18D00, s6;
	s19 =	sadd.s32 $0x80, s19  }
0x14d: {  	s21 =	smov.u32 s1;
	s1 =	sadd.s32 $0x1, s1;
	[tilespmem:s7+$0x50] =	vst v10  }
0x14e: {  	v5 =	vmov s21;
	[tilespmem:s6+$0x18D00] =	vst v8  }
0x14f: {  	v5 =	vand.u32 $0x1F, v5;
	[tilespmem:s7+$0x40] =	vst v7  }
0x150: {  	v5 =	vadd.s32 v2, v5;
	[tilespmem:s7+$0x20] =	vst v9  }
0x151: {  	s5 =	sshrl.u32 s21, $0x5;
	[tilespmem:s7+$0x10] =	vst v4  }
0x152: {  	s5 =	smul.u32 $0x5000, s5;
	[tilespmem:s7+$0x70] =	vst v11  }
0x153: {  	[tilespmem:s7+$0x30] =	vst v3  }
0x154: {  	s5 =	sshra.s32 s5, $0x2;
	[tilespmem:s7+$0x60] =	vst v6  }
0x155: {  	v4 =	vld.idx.msk [tilespmem:v5+s5+$0xFF80], $0xffff  }
0x156: {  	v3 =	vld.idx.msk [tilespmem:v5+s5+$0x10480], $0xffff  }
.Ltmp7:
0x157: {  	v10 =	vld.idx.msk [tilespmem:v5+s5+$0x10980], $0xffff;
	(pc) =	sbr.rel @p0 .LBB2_16-.Ltmp7, $4  }
0x158: {  	v8 =	vld.idx.msk [tilespmem:v5+s5+$0xFD00], $0xffff  }
0x159: {  	s6 =	sshll.u32 s21, $0x7;
	v7 =	vld.idx.msk [tilespmem:v5+s5+$0x10700], $0xffff  }
0x15a: {  	s6 =	sand.u32 $0x3FFFF000, s6;
	s7 =	sand.u32 $0xF80, s19;
	v9 =	vld.idx.msk [tilespmem:v5+s5+$0x10200], $0xffff  }
0x15b: {  	s6 =	sor.u32 s7, s6;
	v6 =	vld.idx.msk [tilespmem:v5+s5+$0x10C00], $0xffff  }
0x15c: {  	_ =	sdelay $0x2  }
0x15d: {  	s1 =	sadd.s32 $0x18D00, s6  }
0x15e: {  	v5 =	vld.idx.msk [tilespmem:v5+s5+$0x10E80], $0xffff;
	[tilespmem:s1+$0x50] =	vst v10  }
0x15f: {  	[tilespmem:s6+$0x18D00] =	vst v8  }
0x160: {  	[tilespmem:s1+$0x40] =	vst v7  }
0x161: {  	[tilespmem:s1+$0x10] =	vst v4  }
0x162: {  	[tilespmem:s1+$0x30] =	vst v3  }
0x163: {  	[tilespmem:s1+$0x20] =	vst v9  }
0x164: {  	[tilespmem:s1+$0x60] =	vst v6  }
0x165: {  	s19 =	simm.s32 $0x1;
	[tilespmem:s1+$0x70] =	vst v5  }
0x166: {  	[hbm4b:s12+s24] =	stream.strided.scatter [tilespmem:s30], [sflag:$0x4], $0x4000, s25, s24, $0x38;
	[tilespmem:$0x1E600] =	vst v63  }
.LBB2_18:
0x167: {  	s21 =	sshllo.u32 s19, $0x1  }
0x168: {  	_ =	swait.ge [sflag:s31], $0x4000;
	s1 =	sshll.u32 s21, $0x9  }
0x169: {  	[sflag:s31] =	ssyncset.done $0x0;
	s1 =	sand.u32 $0x3FFFFE00, s1  }
0x16a: {  	[sflag:s31] =	ssyncadd.s32 $0xFFFFC000;
	s1 =	sadd.s32 $0x1900, s1  }
0x16b: {  	[tilespmem:s22], [sflag:$0x2] =	stream.indirect.gather [hbm4b:s4+s18], $0x20, s1, s18, $0xb8;
	[tilespmem:$0x1E600] =	vst v63  }
0x16c: {  	_ =	swait.ge [sflag:s23], $0x4000  }
0x16d: {  	[sflag:s23] =	ssyncset.done $0x0  }
0x16e: {  	s5 =	simm.s32 $0x7D80;
	[sflag:s23] =	ssyncadd.s32 $0xFFFFC000  }
0x16f: {  	v3 =	vld [tilespmem:s5+$0x10]  }
0x170: {  	v7 =	vld [tilespmem:s5+$0x0]  }
0x171: {  	v5 =	vld [tilespmem:s5+$0xFFFFFFE0]  }
0x172: {  	s7 =	sshll.u32 s19, $0x8;
	v6 =	vld [tilespmem:s5+$0x30]  }
0x173: {  	s1 =	sand.u32 $0x3FFFFF00, s7;
	v10 =	vld [tilespmem:s5+$0x70]  }
0x174: {  	s1 =	sadd.s32 $0x1CD00, s1;
	v11 =	vld [tilespmem:s5+$0x60]  }
0x175: {  	v4 =	vmov s1;
	v13 =	vld [tilespmem:s5+$0x40]  }
0x176: {  	v21 =	vld [tilespmem:s5+$0x20]  }
0x177: {  	v15 =	vld [tilespmem:s5+$0xFFFFFFA0]  }
0x178: {  	s28 =	simm.s32 $0x0;
	v16 =	vld [tilespmem:s5+$0xFFFFFF80]  }
0x179: {  	s8 =	sand.u32 $0x60, s28;
	v19 =	vld [tilespmem:s5+$0xFFFFFF90]  }
0x17a: {  	v9 =	vld.idx.msk [tilespmem:v4+s8+$0x0 ss:$0x1], $0xffff  }
0x17b: {  	v8 =	vld.idx.msk [tilespmem:v4+s8+$0x10 ss:$0x1], $0xffff  }
0x17c: {  	v17 =	vld [tilespmem:s5+$0xFFFFFFD0]  }
0x17d: {  	v14 =	vld [tilespmem:s5+$0xFFFFFFB0]  }
0x17e: {  	v12 =	vld [tilespmem:s5+$0x50]  }
0x17f: {  	v18 =	vld [tilespmem:s5+$0xFFFFFFF0];
	v20 =	vadd.f32 v16, v9;
	v16 =	vadd.f32 v15, v9  }
0x180: {  	s6 =	simm.s32 $0x2;
	s7 =	simm.s32 $0xFDA0;
	s1 =	simm.s32 $0xFDA0;
	v19 =	vadd.f32 v19, v8;
	v15 =	vld [tilespmem:s5+$0xFFFFFFC0];
	v21 =	vadd.f32 v21, v9  }
.LBB2_19:
0x181: {  	p0 =	sne.s32 s6, $0x7E;
	v17 =	vadd.f32 v17, v8;
	v13 =	vadd.f32 v13, v9;
	[tilespmem:s1+$0xFFFFFF60] =	vst v20;
	s7 =	sadd.s32 $0x140, s7;
	s5 =	sadd.s32 $0x100, s5  }
0x182: {  	v11 =	vadd.f32 v11, v9;
	s8 =	smov.u32 s6;
	s6 =	sadd.s32 $0x2, s6;
	v14 =	vadd.f32 v14, v8;
	[tilespmem:s1+$0x28] =	vst v21  }
0x183: {  	v10 =	vadd.f32 v10, v8;
	v12 =	vadd.f32 v12, v8;
	[tilespmem:s1+$0x50] =	vst v13  }
0x184: {  	v6 =	vadd.f32 v6, v8;
	v13 =	vadd.f32 v18, v8;
	[tilespmem:s1+$0xFFFFFF70] =	vst v19  }
0x185: {  	v7 =	vadd.f32 v7, v9;
	v3 =	vadd.f32 v3, v8;
	[tilespmem:s1+$0xFFFFFF88] =	vst v16  }
0x186: {  	v5 =	vadd.f32 v5, v9;
	v8 =	vadd.f32 v15, v9;
	[tilespmem:s1+$0x78] =	vst v11  }
0x187: {  	[tilespmem:s1+$0x88] =	vst v10  }
0x188: {  	[tilespmem:s1+$0xFFFFFFE8] =	vst v13  }
0x189: {  	[tilespmem:s1+$0x0] =	vst v7  }
0x18a: {  	[tilespmem:s1+$0xFFFFFFC0] =	vst v17  }
0x18b: {  	[tilespmem:s1+$0xFFFFFFD8] =	vst v5  }
0x18c: {  	[tilespmem:s1+$0xFFFFFFB0] =	vst v8  }
0x18d: {  	[tilespmem:s1+$0x10] =	vst v3  }
0x18e: {  	[tilespmem:s1+$0xFFFFFF98] =	vst v14  }
0x18f: {  	[tilespmem:s1+$0x38] =	vst v6  }
0x190: {  	[tilespmem:s1+$0x60] =	vst v12;
	s1 =	smov.u32 s7  }
0x191: {  	v3 =	vld [tilespmem:s5+$0x10]  }
0x192: {  	v7 =	vld [tilespmem:s5+$0x0]  }
0x193: {  	v5 =	vld [tilespmem:s5+$0xFFFFFFE0]  }
0x194: {  	v6 =	vld [tilespmem:s5+$0x30]  }
0x195: {  	v10 =	vld [tilespmem:s5+$0x70]  }
0x196: {  	v11 =	vld [tilespmem:s5+$0x60]  }
0x197: {  	v13 =	vld [tilespmem:s5+$0x40]  }
0x198: {  	v21 =	vld [tilespmem:s5+$0x20]  }
0x199: {  	v15 =	vld [tilespmem:s5+$0xFFFFFFA0]  }
0x19a: {  	s8 =	sand.u32 $0x60, s8;
	v16 =	vld [tilespmem:s5+$0xFFFFFF80]  }
0x19b: {  	v9 =	vld.idx.msk [tilespmem:v4+s8+$0x0 ss:$0x1], $0xffff  }
0x19c: {  	v8 =	vld.idx.msk [tilespmem:v4+s8+$0x10 ss:$0x1], $0xffff  }
0x19d: {  	v19 =	vld [tilespmem:s5+$0xFFFFFF90]  }
.Ltmp8:
0x19e: {  	v17 =	vld [tilespmem:s5+$0xFFFFFFD0];
	(pc) =	sbr.rel @p0 .LBB2_19-.Ltmp8, $4  }
0x19f: {  	v14 =	vld [tilespmem:s5+$0xFFFFFFB0]  }
0x1a0: {  	v12 =	vld [tilespmem:s5+$0x50]  }
0x1a1: {  	v20 =	vadd.f32 v16, v9;
	v16 =	vadd.f32 v15, v9;
	v18 =	vld [tilespmem:s5+$0xFFFFFFF0]  }
0x1a2: {  	v21 =	vadd.f32 v21, v9;
	v19 =	vadd.f32 v19, v8;
	v15 =	vld [tilespmem:s5+$0xFFFFFFC0]  }
0x1a3: {  	[tilespmem:s1+$0xFFFFFF60] =	vst v20  }
0x1a4: {  	[tilespmem:s1+$0xFFFFFF88] =	vst v16  }
0x1a5: {  	v4 =	vadd.f32 v13, v9;
	[tilespmem:s1+$0x28] =	vst v21  }
0x1a6: {  	v10 =	vadd.f32 v10, v8;
	[tilespmem:s1+$0xFFFFFF70] =	vst v19  }
0x1a7: {  	[tilespmem:s1+$0x50] =	vst v4;
	v4 =	vadd.f32 v11, v9  }
0x1a8: {  	v5 =	vadd.f32 v5, v9;
	[tilespmem:s1+$0x88] =	vst v10  }
0x1a9: {  	[tilespmem:s1+$0x78] =	vst v4;
	v4 =	vadd.f32 v7, v9  }
0x1aa: {  	[tilespmem:s1+$0xFFFFFFD8] =	vst v5;
	v7 =	vadd.f32 v17, v8  }
0x1ab: {  	v3 =	vadd.f32 v3, v8;
	[tilespmem:s1+$0x0] =	vst v4  }
0x1ac: {  	v4 =	vadd.f32 v15, v9;
	[tilespmem:s1+$0xFFFFFFC0] =	vst v7;
	v7 =	vmov s28  }
0x1ad: {  	[tilespmem:s1+$0x10] =	vst v3;
	v3 =	vadd.f32 v12, v8;
	v5 =	vand.u32 $0x1F, v7  }
0x1ae: {  	v11 =	vadd.f32 v18, v8;
	[tilespmem:s1+$0xFFFFFFB0] =	vst v4;
	v4 =	vadd.s32 v2, v5  }
0x1af: {  	s5 =	simm.s32 $0x0;
	[tilespmem:s1+$0x60] =	vst v3;
	v7 =	vadd.f32 v14, v8  }
0x1b0: {  	s5 =	smul.u32 $0x5000, s5;
	[tilespmem:s1+$0xFFFFFFE8] =	vst v11;
	v5 =	vadd.f32 v6, v8  }
0x1b1: {  	[tilespmem:s1+$0xFFFFFF98] =	vst v7  }
0x1b2: {  	s5 =	sshra.s32 s5, $0x2;
	[tilespmem:s1+$0x38] =	vst v5  }
0x1b3: {  	v5 =	vld.idx.msk [tilespmem:v4+s5+$0xFF80], $0xffff  }
0x1b4: {  	v3 =	vld.idx.msk [tilespmem:v4+s5+$0x10480], $0xffff  }
0x1b5: {  	v10 =	vld.idx.msk [tilespmem:v4+s5+$0x10980], $0xffff  }
0x1b6: {  	v8 =	vld.idx.msk [tilespmem:v4+s5+$0xFD00], $0xffff  }
0x1b7: {  	s8 =	simm.s32 $0x0;
	v7 =	vld.idx.msk [tilespmem:v4+s5+$0x10700], $0xffff  }
0x1b8: {  	s6 =	sand.u32 $0xF80, s28;
	s7 =	sand.u32 $0x3FFFF000, s8;
	v9 =	vld.idx.msk [tilespmem:v4+s5+$0x10200], $0xffff  }
0x1b9: {  	s6 =	sor.u32 s6, s7;
	s1 =	simm.s32 $0x1;
	v6 =	vld.idx.msk [tilespmem:v4+s5+$0x10C00], $0xffff  }
.LBB2_21:
0x1ba: {  	p0 =	sne.s32 s1, $0x7F;
	v11 =	vld.idx.msk [tilespmem:v4+s5+$0x10E80], $0xffff;
	s7 =	sadd.s32 $0x14D00, s6;
	s28 =	sadd.s32 $0x80, s28  }
0x1bb: {  	s8 =	smov.u32 s1;
	s1 =	sadd.s32 $0x1, s1;
	[tilespmem:s7+$0x50] =	vst v10  }
0x1bc: {  	v4 =	vmov s8;
	[tilespmem:s6+$0x14D00] =	vst v8  }
0x1bd: {  	v4 =	vand.u32 $0x1F, v4;
	[tilespmem:s7+$0x40] =	vst v7  }
0x1be: {  	v4 =	vadd.s32 v2, v4;
	[tilespmem:s7+$0x20] =	vst v9  }
0x1bf: {  	s5 =	sshrl.u32 s8, $0x5;
	[tilespmem:s7+$0x10] =	vst v5  }
0x1c0: {  	s5 =	smul.u32 $0x5000, s5;
	[tilespmem:s7+$0x70] =	vst v11  }
0x1c1: {  	[tilespmem:s7+$0x30] =	vst v3  }
0x1c2: {  	s5 =	sshra.s32 s5, $0x2;
	[tilespmem:s7+$0x60] =	vst v6  }
0x1c3: {  	v5 =	vld.idx.msk [tilespmem:v4+s5+$0xFF80], $0xffff  }
0x1c4: {  	v3 =	vld.idx.msk [tilespmem:v4+s5+$0x10480], $0xffff  }
.Ltmp9:
0x1c5: {  	v10 =	vld.idx.msk [tilespmem:v4+s5+$0x10980], $0xffff;
	(pc) =	sbr.rel @p0 .LBB2_21-.Ltmp9, $4  }
0x1c6: {  	v8 =	vld.idx.msk [tilespmem:v4+s5+$0xFD00], $0xffff  }
0x1c7: {  	s6 =	sshll.u32 s8, $0x7;
	v7 =	vld.idx.msk [tilespmem:v4+s5+$0x10700], $0xffff  }
0x1c8: {  	s6 =	sand.u32 $0x3FFFF000, s6;
	s7 =	sand.u32 $0xF80, s28;
	v9 =	vld.idx.msk [tilespmem:v4+s5+$0x10200], $0xffff  }
0x1c9: {  	s6 =	sor.u32 s7, s6;
	v6 =	vld.idx.msk [tilespmem:v4+s5+$0x10C00], $0xffff  }
0x1ca: {  	_ =	sdelay $0x2  }
0x1cb: {  	s1 =	sadd.s32 $0x14D00, s6  }
0x1cc: {  	v4 =	vld.idx.msk [tilespmem:v4+s5+$0x10E80], $0xffff;
	[tilespmem:s1+$0x50] =	vst v10  }
0x1cd: {  	[tilespmem:s6+$0x14D00] =	vst v8  }
0x1ce: {  	[tilespmem:s1+$0x40] =	vst v7  }
0x1cf: {  	[tilespmem:s1+$0x10] =	vst v5  }
0x1d0: {  	s8 =	sshll.u32 s19, $0x14;
	[tilespmem:s1+$0x30] =	vst v3  }
0x1d1: {  	s5 =	sor.u32 s11, s8;
	[tilespmem:s1+$0x20] =	vst v9  }
0x1d2: {  	s5 =	sshrl.u32 s5, $0x3;
	[tilespmem:s1+$0x60] =	vst v6  }
0x1d3: {  	s5 =	sadd.s32 s2, s5;
	[tilespmem:s1+$0x70] =	vst v4  }
0x1d4: {  	[hbm4b:s5+s24] =	stream.strided.scatter [tilespmem:s26], [sflag:$0x3], $0x4000, s25, s24, $0x38;
	[tilespmem:$0x1E600] =	vst v63  }
0x1d5: {  	s6 =	sshll.u32 s19, $0xA;
	_ =	swait.ge [sflag:s0], $0x4000  }
0x1d6: {  	s1 =	sand.u32 $0x3FFFFC00, s6;
	[sflag:s0] =	ssyncset.done $0x0  }
0x1d7: {  	s1 =	sadd.s32 $0x1D00, s1;
	[sflag:s0] =	ssyncadd.s32 $0xFFFFC000  }
0x1d8: {  	[tilespmem:s20], [sflag:$0x1] =	stream.indirect.gather [hbm4b:s4+s18], $0x20, s1, s18, $0xb8;
	[tilespmem:$0x1E600] =	vst v63  }
0x1d9: {  	_ =	swait.ge [sflag:s29], $0x4000  }
0x1da: {  	[sflag:s29] =	ssyncset.done $0x0  }
0x1db: {  	s5 =	simm.s32 $0xBD80;
	[sflag:s29] =	ssyncadd.s32 $0xFFFFC000  }
0x1dc: {  	v3 =	vld [tilespmem:s5+$0x10]  }
0x1dd: {  	v7 =	vld [tilespmem:s5+$0x0]  }
0x1de: {  	v5 =	vld [tilespmem:s5+$0xFFFFFFE0]  }
0x1df: {  	s7 =	sshll.u32 s21, $0x7;
	v6 =	vld [tilespmem:s5+$0x30]  }
0x1e0: {  	s1 =	sand.u32 $0x3FFFFF80, s7;
	v10 =	vld [tilespmem:s5+$0x70]  }
0x1e1: {  	s1 =	sadd.s32 $0x1CD00, s1;
	v11 =	vld [tilespmem:s5+$0x60]  }
0x1e2: {  	v4 =	vmov s1;
	v13 =	vld [tilespmem:s5+$0x40]  }
0x1e3: {  	v21 =	vld [tilespmem:s5+$0x20]  }
0x1e4: {  	v15 =	vld [tilespmem:s5+$0xFFFFFFA0]  }
0x1e5: {  	s28 =	simm.s32 $0x0;
	v16 =	vld [tilespmem:s5+$0xFFFFFF80]  }
0x1e6: {  	s8 =	sand.u32 $0x60, s28;
	v19 =	vld [tilespmem:s5+$0xFFFFFF90]  }
0x1e7: {  	v9 =	vld.idx.msk [tilespmem:v4+s8+$0x0 ss:$0x1], $0xffff  }
0x1e8: {  	v8 =	vld.idx.msk [tilespmem:v4+s8+$0x10 ss:$0x1], $0xffff  }
0x1e9: {  	v17 =	vld [tilespmem:s5+$0xFFFFFFD0]  }
0x1ea: {  	v14 =	vld [tilespmem:s5+$0xFFFFFFB0]  }
0x1eb: {  	v12 =	vld [tilespmem:s5+$0x50]  }
0x1ec: {  	v18 =	vld [tilespmem:s5+$0xFFFFFFF0];
	v20 =	vadd.f32 v16, v9;
	v16 =	vadd.f32 v15, v9  }
0x1ed: {  	s6 =	simm.s32 $0x2;
	s7 =	simm.s32 $0xFDA0;
	s1 =	simm.s32 $0xFDA0;
	v19 =	vadd.f32 v19, v8;
	v15 =	vld [tilespmem:s5+$0xFFFFFFC0];
	v21 =	vadd.f32 v21, v9  }
.LBB2_23:
0x1ee: {  	p0 =	sne.s32 s6, $0x7E;
	v17 =	vadd.f32 v17, v8;
	v13 =	vadd.f32 v13, v9;
	[tilespmem:s1+$0xFFFFFF60] =	vst v20;
	s7 =	sadd.s32 $0x140, s7;
	s5 =	sadd.s32 $0x100, s5  }
0x1ef: {  	v11 =	vadd.f32 v11, v9;
	s8 =	smov.u32 s6;
	s6 =	sadd.s32 $0x2, s6;
	v14 =	vadd.f32 v14, v8;
	[tilespmem:s1+$0x28] =	vst v21  }
0x1f0: {  	v10 =	vadd.f32 v10, v8;
	v12 =	vadd.f32 v12, v8;
	[tilespmem:s1+$0x50] =	vst v13  }
0x1f1: {  	v6 =	vadd.f32 v6, v8;
	v13 =	vadd.f32 v18, v8;
	[tilespmem:s1+$0xFFFFFF70] =	vst v19  }
0x1f2: {  	v7 =	vadd.f32 v7, v9;
	v3 =	vadd.f32 v3, v8;
	[tilespmem:s1+$0xFFFFFF88] =	vst v16  }
0x1f3: {  	v5 =	vadd.f32 v5, v9;
	v8 =	vadd.f32 v15, v9;
	[tilespmem:s1+$0x78] =	vst v11  }
0x1f4: {  	[tilespmem:s1+$0x88] =	vst v10  }
0x1f5: {  	[tilespmem:s1+$0xFFFFFFE8] =	vst v13  }
0x1f6: {  	[tilespmem:s1+$0x0] =	vst v7  }
0x1f7: {  	[tilespmem:s1+$0xFFFFFFC0] =	vst v17  }
0x1f8: {  	[tilespmem:s1+$0xFFFFFFD8] =	vst v5  }
0x1f9: {  	[tilespmem:s1+$0xFFFFFFB0] =	vst v8  }
0x1fa: {  	[tilespmem:s1+$0x10] =	vst v3  }
0x1fb: {  	[tilespmem:s1+$0xFFFFFF98] =	vst v14  }
0x1fc: {  	[tilespmem:s1+$0x38] =	vst v6  }
0x1fd: {  	[tilespmem:s1+$0x60] =	vst v12;
	s1 =	smov.u32 s7  }
0x1fe: {  	v3 =	vld [tilespmem:s5+$0x10]  }
0x1ff: {  	v7 =	vld [tilespmem:s5+$0x0]  }
0x200: {  	v5 =	vld [tilespmem:s5+$0xFFFFFFE0]  }
0x201: {  	v6 =	vld [tilespmem:s5+$0x30]  }
0x202: {  	v10 =	vld [tilespmem:s5+$0x70]  }
0x203: {  	v11 =	vld [tilespmem:s5+$0x60]  }
0x204: {  	v13 =	vld [tilespmem:s5+$0x40]  }
0x205: {  	v21 =	vld [tilespmem:s5+$0x20]  }
0x206: {  	v15 =	vld [tilespmem:s5+$0xFFFFFFA0]  }
0x207: {  	s8 =	sand.u32 $0x60, s8;
	v16 =	vld [tilespmem:s5+$0xFFFFFF80]  }
0x208: {  	v9 =	vld.idx.msk [tilespmem:v4+s8+$0x0 ss:$0x1], $0xffff  }
0x209: {  	v8 =	vld.idx.msk [tilespmem:v4+s8+$0x10 ss:$0x1], $0xffff  }
0x20a: {  	v19 =	vld [tilespmem:s5+$0xFFFFFF90]  }
.Ltmp10:
0x20b: {  	v17 =	vld [tilespmem:s5+$0xFFFFFFD0];
	(pc) =	sbr.rel @p0 .LBB2_23-.Ltmp10, $4  }
0x20c: {  	v14 =	vld [tilespmem:s5+$0xFFFFFFB0]  }
0x20d: {  	v12 =	vld [tilespmem:s5+$0x50]  }
0x20e: {  	v20 =	vadd.f32 v16, v9;
	v16 =	vadd.f32 v15, v9;
	v18 =	vld [tilespmem:s5+$0xFFFFFFF0]  }
0x20f: {  	v21 =	vadd.f32 v21, v9;
	v19 =	vadd.f32 v19, v8;
	v15 =	vld [tilespmem:s5+$0xFFFFFFC0]  }
0x210: {  	[tilespmem:s1+$0xFFFFFF60] =	vst v20  }
0x211: {  	[tilespmem:s1+$0xFFFFFF88] =	vst v16  }
0x212: {  	v4 =	vadd.f32 v13, v9;
	[tilespmem:s1+$0x28] =	vst v21  }
0x213: {  	v10 =	vadd.f32 v10, v8;
	[tilespmem:s1+$0xFFFFFF70] =	vst v19  }
0x214: {  	[tilespmem:s1+$0x50] =	vst v4;
	v4 =	vadd.f32 v11, v9  }
0x215: {  	v5 =	vadd.f32 v5, v9;
	[tilespmem:s1+$0x88] =	vst v10  }
0x216: {  	[tilespmem:s1+$0x78] =	vst v4;
	v4 =	vadd.f32 v7, v9  }
0x217: {  	[tilespmem:s1+$0xFFFFFFD8] =	vst v5;
	v7 =	vadd.f32 v17, v8  }
0x218: {  	v3 =	vadd.f32 v3, v8;
	[tilespmem:s1+$0x0] =	vst v4  }
0x219: {  	v4 =	vadd.f32 v15, v9;
	[tilespmem:s1+$0xFFFFFFC0] =	vst v7;
	v7 =	vmov s28  }
0x21a: {  	[tilespmem:s1+$0x10] =	vst v3;
	v3 =	vadd.f32 v12, v8;
	v5 =	vand.u32 $0x1F, v7  }
0x21b: {  	v11 =	vadd.f32 v18, v8;
	[tilespmem:s1+$0xFFFFFFB0] =	vst v4;
	v4 =	vadd.s32 v2, v5  }
0x21c: {  	s5 =	simm.s32 $0x0;
	[tilespmem:s1+$0x60] =	vst v3;
	v7 =	vadd.f32 v14, v8  }
0x21d: {  	s5 =	smul.u32 $0x5000, s5;
	[tilespmem:s1+$0xFFFFFFE8] =	vst v11;
	v5 =	vadd.f32 v6, v8  }
0x21e: {  	[tilespmem:s1+$0xFFFFFF98] =	vst v7  }
0x21f: {  	s5 =	sshra.s32 s5, $0x2;
	[tilespmem:s1+$0x38] =	vst v5  }
0x220: {  	v5 =	vld.idx.msk [tilespmem:v4+s5+$0xFF80], $0xffff  }
0x221: {  	v3 =	vld.idx.msk [tilespmem:v4+s5+$0x10480], $0xffff  }
0x222: {  	v10 =	vld.idx.msk [tilespmem:v4+s5+$0x10980], $0xffff  }
0x223: {  	v8 =	vld.idx.msk [tilespmem:v4+s5+$0xFD00], $0xffff  }
0x224: {  	s8 =	simm.s32 $0x0;
	v7 =	vld.idx.msk [tilespmem:v4+s5+$0x10700], $0xffff  }
0x225: {  	s6 =	sand.u32 $0xF80, s28;
	s7 =	sand.u32 $0x3FFFF000, s8;
	v9 =	vld.idx.msk [tilespmem:v4+s5+$0x10200], $0xffff  }
0x226: {  	s6 =	sor.u32 s6, s7;
	s1 =	simm.s32 $0x1;
	v6 =	vld.idx.msk [tilespmem:v4+s5+$0x10C00], $0xffff  }
.LBB2_25:
0x227: {  	p0 =	sne.s32 s1, $0x7F;
	v11 =	vld.idx.msk [tilespmem:v4+s5+$0x10E80], $0xffff;
	s7 =	sadd.s32 $0x18D00, s6;
	s28 =	sadd.s32 $0x80, s28  }
0x228: {  	s8 =	smov.u32 s1;
	s1 =	sadd.s32 $0x1, s1;
	[tilespmem:s7+$0x50] =	vst v10  }
0x229: {  	v4 =	vmov s8;
	[tilespmem:s6+$0x18D00] =	vst v8  }
0x22a: {  	v4 =	vand.u32 $0x1F, v4;
	[tilespmem:s7+$0x40] =	vst v7  }
0x22b: {  	v4 =	vadd.s32 v2, v4;
	[tilespmem:s7+$0x20] =	vst v9  }
0x22c: {  	s5 =	sshrl.u32 s8, $0x5;
	[tilespmem:s7+$0x10] =	vst v5  }
0x22d: {  	s5 =	smul.u32 $0x5000, s5;
	[tilespmem:s7+$0x70] =	vst v11  }
0x22e: {  	[tilespmem:s7+$0x30] =	vst v3  }
0x22f: {  	s5 =	sshra.s32 s5, $0x2;
	[tilespmem:s7+$0x60] =	vst v6  }
0x230: {  	v5 =	vld.idx.msk [tilespmem:v4+s5+$0xFF80], $0xffff  }
0x231: {  	v3 =	vld.idx.msk [tilespmem:v4+s5+$0x10480], $0xffff  }
.Ltmp11:
0x232: {  	v10 =	vld.idx.msk [tilespmem:v4+s5+$0x10980], $0xffff;
	(pc) =	sbr.rel @p0 .LBB2_25-.Ltmp11, $4  }
0x233: {  	v8 =	vld.idx.msk [tilespmem:v4+s5+$0xFD00], $0xffff  }
0x234: {  	s6 =	sshll.u32 s8, $0x7;
	v7 =	vld.idx.msk [tilespmem:v4+s5+$0x10700], $0xffff  }
0x235: {  	s6 =	sand.u32 $0x3FFFF000, s6;
	s7 =	sand.u32 $0xF80, s28;
	v9 =	vld.idx.msk [tilespmem:v4+s5+$0x10200], $0xffff  }
0x236: {  	s6 =	sor.u32 s7, s6;
	v6 =	vld.idx.msk [tilespmem:v4+s5+$0x10C00], $0xffff  }
0x237: {  	_ =	sdelay $0x2  }
0x238: {  	s1 =	sadd.s32 $0x18D00, s6  }
0x239: {  	v4 =	vld.idx.msk [tilespmem:v4+s5+$0x10E80], $0xffff;
	[tilespmem:s1+$0x50] =	vst v10  }
0x23a: {  	[tilespmem:s6+$0x18D00] =	vst v8  }
0x23b: {  	s19 =	sadd.s32 $0x1, s19;
	[tilespmem:s1+$0x40] =	vst v7  }
0x23c: {  	p0 =	sne.s32 s19, $0x18;
	[tilespmem:s1+$0x10] =	vst v5  }
.Ltmp12:
0x23d: {  	s21 =	sshll.u32 s21, $0x13;
	[tilespmem:s1+$0x30] =	vst v3;
	(pc) =	sbr.rel @p0 .LBB2_18-.Ltmp12, $4  }
0x23e: {  	s5 =	sor.u32 s11, s21;
	[tilespmem:s1+$0x20] =	vst v9  }
0x23f: {  	s5 =	sshrl.u32 s5, $0x3;
	[tilespmem:s1+$0x60] =	vst v6  }
0x240: {  	s28 =	sadd.s32 s2, s5;
	[tilespmem:s1+$0x70] =	vst v4  }
0x241: {  	[hbm4b:s28+s24] =	stream.strided.scatter [tilespmem:s30], [sflag:$0x4], $0x4000, s25, s24, $0x38;
	[tilespmem:$0x1E600] =	vst v63  }
0x242: {  	_ =	swait.ge [sflag:s31], $0x4000  }
0x243: {  	[sflag:s31] =	ssyncset.done $0x0  }
0x244: {  	s1 =	simm.s32 $0x7B00;
	[sflag:s31] =	ssyncadd.s32 $0xFFFFC000  }
0x245: {  	[tilespmem:s22], [sflag:$0x2] =	stream.indirect.gather [hbm4b:s4+s18], $0x20, s1, s18, $0xb8;
	[tilespmem:$0x1E600] =	vst v63  }
0x246: {  	_ =	swait.ge [sflag:s23], $0x4000  }
0x247: {  	[sflag:s23] =	ssyncset.done $0x0  }
0x248: {  	s5 =	simm.s32 $0x7D80;
	[sflag:s23] =	ssyncadd.s32 $0xFFFFC000  }
0x249: {  	v3 =	vld [tilespmem:s5+$0x10]  }
0x24a: {  	v6 =	vld [tilespmem:s5+$0x0]  }
0x24b: {  	v5 =	vld [tilespmem:s5+$0xFFFFFFE0]  }
0x24c: {  	v4 =	vld [tilespmem:s5+$0x30]  }
0x24d: {  	v8 =	vld [tilespmem:s5+$0x70]  }
0x24e: {  	v10 =	vld [tilespmem:s5+$0x60]  }
0x24f: {  	v12 =	vld [tilespmem:s5+$0x40]  }
0x250: {  	v20 =	vld [tilespmem:s5+$0x20]  }
0x251: {  	v14 =	vld [tilespmem:s5+$0xFFFFFF90]  }
0x252: {  	s19 =	simm.s32 $0x0;
	v15 =	vld [tilespmem:s5+$0xFFFFFFA0]  }
0x253: {  	s28 =	sand.u32 $0x60, s19;
	v17 =	vld [tilespmem:s5+$0xFFFFFF80]  }
0x254: {  	v9 =	vld [tilespmem:s28+$0x1E500]  }
0x255: {  	v7 =	vld [tilespmem:s28+$0x1E510]  }
0x256: {  	v16 =	vld [tilespmem:s5+$0xFFFFFFD0]  }
0x257: {  	v13 =	vld [tilespmem:s5+$0xFFFFFFB0]  }
0x258: {  	v11 =	vld [tilespmem:s5+$0x50]  }
0x259: {  	v19 =	vadd.f32 v17, v9;
	v15 =	vadd.f32 v15, v9;
	v17 =	vld [tilespmem:s5+$0xFFFFFFF0]  }
0x25a: {  	s6 =	simm.s32 $0x2;
	s7 =	simm.s32 $0xFDA0;
	s1 =	simm.s32 $0xFDA0;
	v18 =	vadd.f32 v14, v7;
	v14 =	vld [tilespmem:s5+$0xFFFFFFC0];
	v20 =	vadd.f32 v20, v9  }
.LBB2_28:
0x25b: {  	p0 =	sne.s32 s6, $0x7E;
	v16 =	vadd.f32 v16, v7;
	v12 =	vadd.f32 v12, v9;
	[tilespmem:s1+$0xFFFFFF60] =	vst v19;
	s7 =	sadd.s32 $0x140, s7;
	s5 =	sadd.s32 $0x100, s5  }
0x25c: {  	v10 =	vadd.f32 v10, v9;
	s8 =	smov.u32 s6;
	s6 =	sadd.s32 $0x2, s6;
	v13 =	vadd.f32 v13, v7;
	[tilespmem:s1+$0x28] =	vst v20  }
0x25d: {  	v8 =	vadd.f32 v8, v7;
	v11 =	vadd.f32 v11, v7;
	[tilespmem:s1+$0x50] =	vst v12  }
0x25e: {  	v4 =	vadd.f32 v4, v7;
	v12 =	vadd.f32 v17, v7;
	[tilespmem:s1+$0xFFFFFF70] =	vst v18  }
0x25f: {  	v6 =	vadd.f32 v6, v9;
	v3 =	vadd.f32 v3, v7;
	[tilespmem:s1+$0xFFFFFF88] =	vst v15  }
0x260: {  	v5 =	vadd.f32 v5, v9;
	v7 =	vadd.f32 v14, v9;
	[tilespmem:s1+$0x78] =	vst v10  }
0x261: {  	[tilespmem:s1+$0x88] =	vst v8  }
0x262: {  	[tilespmem:s1+$0xFFFFFFE8] =	vst v12  }
0x263: {  	[tilespmem:s1+$0x0] =	vst v6  }
0x264: {  	[tilespmem:s1+$0xFFFFFFC0] =	vst v16  }
0x265: {  	[tilespmem:s1+$0xFFFFFFD8] =	vst v5  }
0x266: {  	[tilespmem:s1+$0xFFFFFFB0] =	vst v7  }
0x267: {  	[tilespmem:s1+$0x10] =	vst v3  }
0x268: {  	[tilespmem:s1+$0xFFFFFF98] =	vst v13  }
0x269: {  	[tilespmem:s1+$0x38] =	vst v4  }
0x26a: {  	[tilespmem:s1+$0x60] =	vst v11;
	s1 =	smov.u32 s7  }
0x26b: {  	v3 =	vld [tilespmem:s5+$0x10]  }
0x26c: {  	v6 =	vld [tilespmem:s5+$0x0]  }
0x26d: {  	v5 =	vld [tilespmem:s5+$0xFFFFFFE0]  }
0x26e: {  	v4 =	vld [tilespmem:s5+$0x30]  }
0x26f: {  	v8 =	vld [tilespmem:s5+$0x70]  }
0x270: {  	v10 =	vld [tilespmem:s5+$0x60]  }
0x271: {  	v12 =	vld [tilespmem:s5+$0x40]  }
0x272: {  	v20 =	vld [tilespmem:s5+$0x20]  }
0x273: {  	v14 =	vld [tilespmem:s5+$0xFFFFFF90]  }
0x274: {  	v15 =	vld [tilespmem:s5+$0xFFFFFFA0]  }
0x275: {  	s8 =	sand.u32 $0x60, s8;
	v17 =	vld [tilespmem:s5+$0xFFFFFF80]  }
0x276: {  	v9 =	vld [tilespmem:s8+$0x1E500]  }
0x277: {  	v7 =	vld [tilespmem:s8+$0x1E510]  }
.Ltmp13:
0x278: {  	v16 =	vld [tilespmem:s5+$0xFFFFFFD0];
	(pc) =	sbr.rel @p0 .LBB2_28-.Ltmp13, $4  }
0x279: {  	v13 =	vld [tilespmem:s5+$0xFFFFFFB0]  }
0x27a: {  	v11 =	vld [tilespmem:s5+$0x50]  }
0x27b: {  	v19 =	vadd.f32 v17, v9;
	v15 =	vadd.f32 v15, v9;
	v17 =	vld [tilespmem:s5+$0xFFFFFFF0]  }
0x27c: {  	v20 =	vadd.f32 v20, v9;
	v18 =	vadd.f32 v14, v7;
	v14 =	vld [tilespmem:s5+$0xFFFFFFC0]  }
0x27d: {  	[tilespmem:s1+$0xFFFFFF60] =	vst v19  }
0x27e: {  	[tilespmem:s1+$0xFFFFFF88] =	vst v15  }
0x27f: {  	v12 =	vadd.f32 v12, v9;
	[tilespmem:s1+$0x28] =	vst v20  }
0x280: {  	v10 =	vadd.f32 v10, v9;
	[tilespmem:s1+$0xFFFFFF70] =	vst v18  }
0x281: {  	v8 =	vadd.f32 v8, v7;
	[tilespmem:s1+$0x50] =	vst v12  }
0x282: {  	v6 =	vadd.f32 v6, v9;
	[tilespmem:s1+$0x78] =	vst v10  }
0x283: {  	v5 =	vadd.f32 v5, v9;
	[tilespmem:s1+$0x88] =	vst v8  }
0x284: {  	v8 =	vadd.f32 v16, v7;
	[tilespmem:s1+$0x0] =	vst v6  }
0x285: {  	v3 =	vadd.f32 v3, v7;
	[tilespmem:s1+$0xFFFFFFD8] =	vst v5  }
0x286: {  	v4 =	vadd.f32 v4, v7;
	[tilespmem:s1+$0xFFFFFFC0] =	vst v8;
	v8 =	vmov s19  }
0x287: {  	[tilespmem:s1+$0x10] =	vst v3;
	v3 =	vadd.f32 v11, v7;
	v5 =	vand.u32 $0x1F, v8  }
0x288: {  	[tilespmem:s1+$0x38] =	vst v4;
	v63 =	vadd.f32 v17, v7;
	v5 =	vadd.s32 v2, v5  }
0x289: {  	s5 =	simm.s32 $0x0;
	v6 =	vadd.f32 v14, v9;
	[tilespmem:s1+$0x60] =	vst v3  }
0x28a: {  	s5 =	smul.u32 $0x5000, s5;
	[tilespmem:s1+$0xFFFFFFE8] =	vst v63;
	v8 =	vadd.f32 v13, v7  }
0x28b: {  	[tilespmem:s1+$0xFFFFFFB0] =	vst v6  }
0x28c: {  	s5 =	sshra.s32 s5, $0x2;
	[tilespmem:s1+$0xFFFFFF98] =	vst v8  }
0x28d: {  	v4 =	vld.idx.msk [tilespmem:v5+s5+$0xFF80], $0xffff  }
0x28e: {  	v3 =	vld.idx.msk [tilespmem:v5+s5+$0x10480], $0xffff  }
0x28f: {  	v10 =	vld.idx.msk [tilespmem:v5+s5+$0x10980], $0xffff  }
0x290: {  	v8 =	vld.idx.msk [tilespmem:v5+s5+$0xFD00], $0xffff  }
0x291: {  	s28 =	simm.s32 $0x0;
	v7 =	vld.idx.msk [tilespmem:v5+s5+$0x10700], $0xffff  }
0x292: {  	s6 =	sand.u32 $0xF80, s19;
	s7 =	sand.u32 $0x3FFFF000, s28;
	v9 =	vld.idx.msk [tilespmem:v5+s5+$0x10200], $0xffff  }
0x293: {  	s6 =	sor.u32 s6, s7;
	s1 =	simm.s32 $0x1;
	v6 =	vld.idx.msk [tilespmem:v5+s5+$0x10C00], $0xffff  }
.LBB2_30:
0x294: {  	p0 =	sne.s32 s1, $0x7F;
	v11 =	vld.idx.msk [tilespmem:v5+s5+$0x10E80], $0xffff;
	s7 =	sadd.s32 $0x14D00, s6;
	s19 =	sadd.s32 $0x80, s19  }
0x295: {  	s8 =	smov.u32 s1;
	s1 =	sadd.s32 $0x1, s1;
	[tilespmem:s7+$0x50] =	vst v10  }
0x296: {  	v5 =	vmov s8;
	[tilespmem:s6+$0x14D00] =	vst v8  }
0x297: {  	v5 =	vand.u32 $0x1F, v5;
	[tilespmem:s7+$0x40] =	vst v7  }
0x298: {  	v5 =	vadd.s32 v2, v5;
	[tilespmem:s7+$0x20] =	vst v9  }
0x299: {  	s5 =	sshrl.u32 s8, $0x5;
	[tilespmem:s7+$0x10] =	vst v4  }
0x29a: {  	s5 =	smul.u32 $0x5000, s5;
	[tilespmem:s7+$0x70] =	vst v11  }
0x29b: {  	[tilespmem:s7+$0x30] =	vst v3  }
0x29c: {  	s5 =	sshra.s32 s5, $0x2;
	[tilespmem:s7+$0x60] =	vst v6  }
0x29d: {  	v4 =	vld.idx.msk [tilespmem:v5+s5+$0xFF80], $0xffff  }
0x29e: {  	v3 =	vld.idx.msk [tilespmem:v5+s5+$0x10480], $0xffff  }
.Ltmp14:
0x29f: {  	v10 =	vld.idx.msk [tilespmem:v5+s5+$0x10980], $0xffff;
	(pc) =	sbr.rel @p0 .LBB2_30-.Ltmp14, $4  }
0x2a0: {  	v8 =	vld.idx.msk [tilespmem:v5+s5+$0xFD00], $0xffff  }
0x2a1: {  	s6 =	sshll.u32 s8, $0x7;
	v7 =	vld.idx.msk [tilespmem:v5+s5+$0x10700], $0xffff  }
0x2a2: {  	s6 =	sand.u32 $0x3FFFF000, s6;
	s7 =	sand.u32 $0xF80, s19;
	v9 =	vld.idx.msk [tilespmem:v5+s5+$0x10200], $0xffff  }
0x2a3: {  	s6 =	sor.u32 s7, s6;
	v6 =	vld.idx.msk [tilespmem:v5+s5+$0x10C00], $0xffff  }
0x2a4: {  	_ =	sdelay $0x2  }
0x2a5: {  	s1 =	sadd.s32 $0x14D00, s6  }
0x2a6: {  	v5 =	vld.idx.msk [tilespmem:v5+s5+$0x10E80], $0xffff;
	[tilespmem:s1+$0x50] =	vst v10  }
0x2a7: {  	[tilespmem:s6+$0x14D00] =	vst v8  }
0x2a8: {  	[tilespmem:s1+$0x40] =	vst v7  }
0x2a9: {  	[tilespmem:s1+$0x10] =	vst v4  }
0x2aa: {  	[tilespmem:s1+$0x30] =	vst v3  }
0x2ab: {  	[tilespmem:s1+$0x20] =	vst v9  }
0x2ac: {  	[tilespmem:s1+$0x60] =	vst v6  }
0x2ad: {  	[tilespmem:s1+$0x70] =	vst v5  }
0x2ae: {  	[hbm4b:s13+s24] =	stream.strided.scatter [tilespmem:s26], [sflag:$0x3], $0x4000, s25, s24, $0x38;
	[tilespmem:$0x1E600] =	vst v63  }
0x2af: {  	_ =	swait.ge [sflag:s0], $0x4000  }
0x2b0: {  	[sflag:s0] =	ssyncset.done $0x0  }
0x2b1: {  	[sflag:s0] =	ssyncadd.s32 $0xFFFFC000  }
0x2b2: {  	_ =	swait.ge [sflag:s29], $0x4000  }
0x2b3: {  	[sflag:s29] =	ssyncset.done $0x0  }
0x2b4: {  	s5 =	simm.s32 $0xBD80;
	[sflag:s29] =	ssyncadd.s32 $0xFFFFC000  }
0x2b5: {  	v3 =	vld [tilespmem:s5+$0x10]  }
0x2b6: {  	v6 =	vld [tilespmem:s5+$0x0]  }
0x2b7: {  	v5 =	vld [tilespmem:s5+$0xFFFFFFE0]  }
0x2b8: {  	v4 =	vld [tilespmem:s5+$0x30]  }
0x2b9: {  	v8 =	vld [tilespmem:s5+$0x70]  }
0x2ba: {  	v10 =	vld [tilespmem:s5+$0x60]  }
0x2bb: {  	v12 =	vld [tilespmem:s5+$0x40]  }
0x2bc: {  	v20 =	vld [tilespmem:s5+$0x20]  }
0x2bd: {  	v14 =	vld [tilespmem:s5+$0xFFFFFF90]  }
0x2be: {  	s19 =	simm.s32 $0x0;
	v15 =	vld [tilespmem:s5+$0xFFFFFFA0]  }
0x2bf: {  	s28 =	sand.u32 $0x60, s19;
	v17 =	vld [tilespmem:s5+$0xFFFFFF80]  }
0x2c0: {  	v9 =	vld [tilespmem:s28+$0x1E580]  }
0x2c1: {  	v7 =	vld [tilespmem:s28+$0x1E590]  }
0x2c2: {  	v16 =	vld [tilespmem:s5+$0xFFFFFFD0]  }
0x2c3: {  	v13 =	vld [tilespmem:s5+$0xFFFFFFB0]  }
0x2c4: {  	v11 =	vld [tilespmem:s5+$0x50]  }
0x2c5: {  	v19 =	vadd.f32 v17, v9;
	v15 =	vadd.f32 v15, v9;
	v17 =	vld [tilespmem:s5+$0xFFFFFFF0]  }
0x2c6: {  	s7 =	simm.s32 $0xFDA0;
	s6 =	simm.s32 $0x2;
	s1 =	simm.s32 $0xFDA0;
	v18 =	vadd.f32 v14, v7;
	v14 =	vld [tilespmem:s5+$0xFFFFFFC0];
	v20 =	vadd.f32 v20, v9  }
.LBB2_32:
0x2c7: {  	p0 =	sne.s32 s6, $0x7E;
	v16 =	vadd.f32 v16, v7;
	v12 =	vadd.f32 v12, v9;
	[tilespmem:s1+$0xFFFFFF60] =	vst v19;
	s7 =	sadd.s32 $0x140, s7;
	s5 =	sadd.s32 $0x100, s5  }
0x2c8: {  	v10 =	vadd.f32 v10, v9;
	s8 =	smov.u32 s6;
	s6 =	sadd.s32 $0x2, s6;
	v13 =	vadd.f32 v13, v7;
	[tilespmem:s1+$0x28] =	vst v20  }
0x2c9: {  	v8 =	vadd.f32 v8, v7;
	v11 =	vadd.f32 v11, v7;
	[tilespmem:s1+$0x50] =	vst v12  }
0x2ca: {  	v4 =	vadd.f32 v4, v7;
	v12 =	vadd.f32 v17, v7;
	[tilespmem:s1+$0xFFFFFF70] =	vst v18  }
0x2cb: {  	v6 =	vadd.f32 v6, v9;
	v3 =	vadd.f32 v3, v7;
	[tilespmem:s1+$0xFFFFFF88] =	vst v15  }
0x2cc: {  	v5 =	vadd.f32 v5, v9;
	v7 =	vadd.f32 v14, v9;
	[tilespmem:s1+$0x78] =	vst v10  }
0x2cd: {  	[tilespmem:s1+$0x88] =	vst v8  }
0x2ce: {  	[tilespmem:s1+$0xFFFFFFE8] =	vst v12  }
0x2cf: {  	[tilespmem:s1+$0x0] =	vst v6  }
0x2d0: {  	[tilespmem:s1+$0xFFFFFFC0] =	vst v16  }
0x2d1: {  	[tilespmem:s1+$0xFFFFFFD8] =	vst v5  }
0x2d2: {  	[tilespmem:s1+$0xFFFFFFB0] =	vst v7  }
0x2d3: {  	[tilespmem:s1+$0x10] =	vst v3  }
0x2d4: {  	[tilespmem:s1+$0xFFFFFF98] =	vst v13  }
0x2d5: {  	[tilespmem:s1+$0x38] =	vst v4  }
0x2d6: {  	[tilespmem:s1+$0x60] =	vst v11;
	s1 =	smov.u32 s7  }
0x2d7: {  	v3 =	vld [tilespmem:s5+$0x10]  }
0x2d8: {  	v6 =	vld [tilespmem:s5+$0x0]  }
0x2d9: {  	v5 =	vld [tilespmem:s5+$0xFFFFFFE0]  }
0x2da: {  	v4 =	vld [tilespmem:s5+$0x30]  }
0x2db: {  	v8 =	vld [tilespmem:s5+$0x70]  }
0x2dc: {  	v10 =	vld [tilespmem:s5+$0x60]  }
0x2dd: {  	v12 =	vld [tilespmem:s5+$0x40]  }
0x2de: {  	v20 =	vld [tilespmem:s5+$0x20]  }
0x2df: {  	v14 =	vld [tilespmem:s5+$0xFFFFFF90]  }
0x2e0: {  	v15 =	vld [tilespmem:s5+$0xFFFFFFA0]  }
0x2e1: {  	s8 =	sand.u32 $0x60, s8;
	v17 =	vld [tilespmem:s5+$0xFFFFFF80]  }
0x2e2: {  	v9 =	vld [tilespmem:s8+$0x1E580]  }
0x2e3: {  	v7 =	vld [tilespmem:s8+$0x1E590]  }
.Ltmp15:
0x2e4: {  	v16 =	vld [tilespmem:s5+$0xFFFFFFD0];
	(pc) =	sbr.rel @p0 .LBB2_32-.Ltmp15, $4  }
0x2e5: {  	v13 =	vld [tilespmem:s5+$0xFFFFFFB0]  }
0x2e6: {  	v11 =	vld [tilespmem:s5+$0x50]  }
0x2e7: {  	v19 =	vadd.f32 v17, v9;
	v15 =	vadd.f32 v15, v9;
	v17 =	vld [tilespmem:s5+$0xFFFFFFF0]  }
0x2e8: {  	v20 =	vadd.f32 v20, v9;
	v18 =	vadd.f32 v14, v7;
	v14 =	vld [tilespmem:s5+$0xFFFFFFC0]  }
0x2e9: {  	[tilespmem:s1+$0xFFFFFF60] =	vst v19  }
0x2ea: {  	[tilespmem:s1+$0xFFFFFF88] =	vst v15  }
0x2eb: {  	v12 =	vadd.f32 v12, v9;
	[tilespmem:s1+$0x28] =	vst v20  }
0x2ec: {  	v10 =	vadd.f32 v10, v9;
	[tilespmem:s1+$0xFFFFFF70] =	vst v18  }
0x2ed: {  	v8 =	vadd.f32 v8, v7;
	[tilespmem:s1+$0x50] =	vst v12  }
0x2ee: {  	v6 =	vadd.f32 v6, v9;
	[tilespmem:s1+$0x78] =	vst v10  }
0x2ef: {  	v5 =	vadd.f32 v5, v9;
	[tilespmem:s1+$0x88] =	vst v8  }
0x2f0: {  	v8 =	vadd.f32 v16, v7;
	[tilespmem:s1+$0x0] =	vst v6  }
0x2f1: {  	v3 =	vadd.f32 v3, v7;
	[tilespmem:s1+$0xFFFFFFD8] =	vst v5  }
0x2f2: {  	v4 =	vadd.f32 v4, v7;
	[tilespmem:s1+$0xFFFFFFC0] =	vst v8;
	v8 =	vmov s19  }
0x2f3: {  	[tilespmem:s1+$0x10] =	vst v3;
	v3 =	vadd.f32 v11, v7;
	v5 =	vand.u32 $0x1F, v8  }
0x2f4: {  	[tilespmem:s1+$0x38] =	vst v4;
	v63 =	vadd.f32 v17, v7;
	v5 =	vadd.s32 v2, v5  }
0x2f5: {  	s5 =	simm.s32 $0x0;
	v6 =	vadd.f32 v14, v9;
	[tilespmem:s1+$0x60] =	vst v3  }
0x2f6: {  	s5 =	smul.u32 $0x5000, s5;
	[tilespmem:s1+$0xFFFFFFE8] =	vst v63;
	v8 =	vadd.f32 v13, v7  }
0x2f7: {  	[tilespmem:s1+$0xFFFFFFB0] =	vst v6  }
0x2f8: {  	s5 =	sshra.s32 s5, $0x2;
	[tilespmem:s1+$0xFFFFFF98] =	vst v8  }
0x2f9: {  	v4 =	vld.idx.msk [tilespmem:v5+s5+$0xFF80], $0xffff  }
0x2fa: {  	v3 =	vld.idx.msk [tilespmem:v5+s5+$0x10480], $0xffff  }
0x2fb: {  	v10 =	vld.idx.msk [tilespmem:v5+s5+$0x10980], $0xffff  }
0x2fc: {  	v8 =	vld.idx.msk [tilespmem:v5+s5+$0xFD00], $0xffff  }
0x2fd: {  	s28 =	simm.s32 $0x0;
	v7 =	vld.idx.msk [tilespmem:v5+s5+$0x10700], $0xffff  }
0x2fe: {  	s6 =	sand.u32 $0xF80, s19;
	s7 =	sand.u32 $0x3FFFF000, s28;
	v9 =	vld.idx.msk [tilespmem:v5+s5+$0x10200], $0xffff  }
0x2ff: {  	s6 =	sor.u32 s6, s7;
	s1 =	simm.s32 $0x1;
	v6 =	vld.idx.msk [tilespmem:v5+s5+$0x10C00], $0xffff  }
.LBB2_34:
0x300: {  	p0 =	sne.s32 s1, $0x7F;
	v11 =	vld.idx.msk [tilespmem:v5+s5+$0x10E80], $0xffff;
	s7 =	sadd.s32 $0x18D00, s6;
	s19 =	sadd.s32 $0x80, s19  }
0x301: {  	s8 =	smov.u32 s1;
	s1 =	sadd.s32 $0x1, s1;
	[tilespmem:s7+$0x50] =	vst v10  }
0x302: {  	v5 =	vmov s8;
	[tilespmem:s6+$0x18D00] =	vst v8  }
0x303: {  	v5 =	vand.u32 $0x1F, v5;
	[tilespmem:s7+$0x40] =	vst v7  }
0x304: {  	v5 =	vadd.s32 v2, v5;
	[tilespmem:s7+$0x20] =	vst v9  }
0x305: {  	s5 =	sshrl.u32 s8, $0x5;
	[tilespmem:s7+$0x10] =	vst v4  }
0x306: {  	s5 =	smul.u32 $0x5000, s5;
	[tilespmem:s7+$0x70] =	vst v11  }
0x307: {  	[tilespmem:s7+$0x30] =	vst v3  }
0x308: {  	s5 =	sshra.s32 s5, $0x2;
	[tilespmem:s7+$0x60] =	vst v6  }
0x309: {  	v4 =	vld.idx.msk [tilespmem:v5+s5+$0xFF80], $0xffff  }
0x30a: {  	v3 =	vld.idx.msk [tilespmem:v5+s5+$0x10480], $0xffff  }
.Ltmp16:
0x30b: {  	v10 =	vld.idx.msk [tilespmem:v5+s5+$0x10980], $0xffff;
	(pc) =	sbr.rel @p0 .LBB2_34-.Ltmp16, $4  }
0x30c: {  	v8 =	vld.idx.msk [tilespmem:v5+s5+$0xFD00], $0xffff  }
0x30d: {  	s6 =	sshll.u32 s8, $0x7;
	v7 =	vld.idx.msk [tilespmem:v5+s5+$0x10700], $0xffff  }
0x30e: {  	s6 =	sand.u32 $0x3FFFF000, s6;
	s7 =	sand.u32 $0xF80, s19;
	v9 =	vld.idx.msk [tilespmem:v5+s5+$0x10200], $0xffff  }
0x30f: {  	s6 =	sor.u32 s7, s6;
	v6 =	vld.idx.msk [tilespmem:v5+s5+$0x10C00], $0xffff  }
0x310: {  	_ =	sdelay $0x2  }
0x311: {  	s1 =	sadd.s32 $0x18D00, s6  }
0x312: {  	v5 =	vld.idx.msk [tilespmem:v5+s5+$0x10E80], $0xffff;
	[tilespmem:s1+$0x50] =	vst v10  }
0x313: {  	[tilespmem:s6+$0x18D00] =	vst v8  }
0x314: {  	[tilespmem:s1+$0x40] =	vst v7  }
0x315: {  	[tilespmem:s1+$0x10] =	vst v4  }
0x316: {  	[tilespmem:s1+$0x30] =	vst v3  }
0x317: {  	[tilespmem:s1+$0x20] =	vst v9  }
0x318: {  	[tilespmem:s1+$0x60] =	vst v6  }
0x319: {  	s16 =	sadd.s32 $0x1, s16;
	[tilespmem:s1+$0x70] =	vst v5  }
0x31a: {  	[hbm4b:s14+s24] =	stream.strided.scatter [tilespmem:s30], [sflag:$0x4], $0x4000, s25, s24, $0x38;
	[tilespmem:$0x1E600] =	vst v63  }
0x31b: {  	p0 =	sne.s32 s16, s15;
	_ =	swait.ge [sflag:s31], $0x4000  }
.Ltmp17:
0x31c: {  	[sflag:s31] =	ssyncset.done $0x0;
	(pc) =	sbr.rel @p0 .LBB2_1-.Ltmp17, $4  }
0x31d: {  	[sflag:s31] =	ssyncadd.s32 $0xFFFFC000  }
0x31e: {  	_ =	swait.ge [sflag:s0], $0x4000  }
0x31f: {  	[sflag:s0] =	ssyncset.done $0x0  }
0x320: {  	[sflag:s0] =	ssyncadd.s32 $0xFFFFC000  }
0x321: {  	_ =	sfence.sel $0x180000  }
0x322: {  	[bflag:$0x0] =	sbarrier.arrive $0xFFFF  }
0x323: {  	_ =	strace $0x90000047  }
0x324: {  	s0 =	stileid.u32;
	[bflag:$0x2] =	sbarrier.arrive $0xFFFF  }
0x325: {  	p0 =	sne.s32 s0, $0x0;
	s0 =	rddreg [dreg:$0x2]  }
0x326: {  	s0 =	sadd.s32 @!p0 $0x100000, s0  }
0x327: {  	[sflag:s0] =	ssyncadd.tile.s32 @!p0 $0x1;
	_ =	shalt  }
.Lfunc_end2:
_tile_overlayer_lowered:
.L_overlay_start_2:
0x328: {  	(tag) =	ssettag $0x2  }
0x329: {  	s0 =	rddreg [dreg:$0x0];
	s2 =	stileid.u32  }
0x32a: {  	s1 =	rddreg [dreg:$0x1];
	p0 =	sne.s32 s2, $0x0  }
0x32b: {  	s3 =	rddreg [dreg:$0x2];
	[bflag:$0x3] =	sbarrier.arrive $0xFFFF;
	s2 =	simm.s32 @!p0 $0x1C05  }
0x32c: {  	[timem:s3], [sflag:s2] =	dma.local @!p0 [hbm:s0], s1  }
0x32d: {  	s0 =	simm.s32 @!p0 $0x5  }
0x32e: {  	_ =	swait.ge @!p0 [sflag:s0], s1  }
0x32f: {  	s1 =	ssub.s32 @!p0 $0x0, s1;
	[sflag:s0] =	ssyncset.done @!p0 $0x0  }
0x330: {  	[sflag:s0] =	ssyncadd.s32 @!p0 s1  }
0x331: {  	[bflag:$0x3] =	sbarrier.arrive $0xFFFF  }
0x332: {  	_ =	shalt  }

</sc_bundles>
